<compile_context>
chip_gen: v7x
topology: tpu7x:2x2x1
jax: 0.10.2.dev20260603
libtpu: 0.0.44.dev20260713+nightly
codegen_flags: <defaults>
</compile_context>

<pallas_src>
import functools

import jax
import jax.numpy as jnp
from jax import lax
from jax.experimental import pallas as pl
from jax.experimental.pallas import tpu as pltpu
from jax.experimental.pallas import tpu_sc as plsc

G = 64
GA = 72
CHUNK = 128
IB = 16
BLK = 512


def _sc_geometry():
    info = plsc.get_sparse_core_info()
    return info.num_cores, info.num_subcores



def _make_deg_kernel(NC, NS, NP, CH):
    NW = NC * NS
    RPS = NP // NS
    mesh = plsc.VectorSubcoreMesh(core_axis_name="c", subcore_axis_name="s")

    @functools.partial(
        pl.kernel,
        out_type=jax.ShapeDtypeStruct((NC, NP), jnp.float32),
        mesh=mesh,
        scratch_types=[
            pltpu.VMEM_SHARED((NP,), jnp.float32),
            pltpu.VMEM((CH, CHUNK), jnp.int32),
            pltpu.VMEM((CHUNK,), jnp.float32),
            pltpu.SemaphoreType.DMA,
        ],
    )
    def deg_kernel(dst_hbm, ones_hbm, zeros_hbm, out_hbm, acc, dst_v, ones_v, sem):
        c = lax.axis_index("c")
        s = lax.axis_index("s")
        w = s * NC + c
        base = s * RPS
        pltpu.sync_copy(zeros_hbm.at[pl.ds(base, RPS)], acc.at[pl.ds(base, RPS)])
        pltpu.sync_copy(ones_hbm, ones_v)
        pltpu.sync_copy(dst_hbm.at[w], dst_v)
        plsc.subcore_barrier()

        def body(ch, carry):
            pltpu.sync_copy(ones_v, acc.at[dst_v.at[ch]], add=True)
            return carry

        lax.fori_loop(0, CH, body, 0, unroll=False)
        plsc.subcore_barrier()
        pltpu.sync_copy(acc.at[pl.ds(base, RPS)], out_hbm.at[c, pl.ds(base, RPS)])

    return deg_kernel


def _make_msgpass_kernel(NC, NS, NP, CH):
    NW = NC * NS
    RPS = NP // NS
    mesh = plsc.VectorSubcoreMesh(core_axis_name="c", subcore_axis_name="s")

    @functools.partial(
        pl.kernel,
        out_type=jax.ShapeDtypeStruct((NC, NP, 128), jnp.float32),
        mesh=mesh,
        scratch_types=[
            pltpu.VMEM_SHARED((NP, 128), jnp.float32),
            pltpu.VMEM((IB, CHUNK), jnp.int32),
            pltpu.VMEM((IB, CHUNK), jnp.int32),
            pltpu.VMEM((CHUNK, 128), jnp.float32),
            pltpu.SemaphoreType.DMA,
        ],
    )
    def msg_kernel(xs_hbm, src_hbm, dst_hbm, zeros_hbm, out_hbm,
                   acc, src_v, dst_v, rows_v, sem):
        c = lax.axis_index("c")
        s = lax.axis_index("s")
        w = s * NC + c
        base = s * RPS
        @pl.when(c == 0)
        def _():
            pltpu.sync_copy(xs_hbm.at[pl.ds(base, RPS)], acc.at[pl.ds(base, RPS)])

        @pl.when(c != 0)
        def _():
            pltpu.sync_copy(zeros_hbm.at[pl.ds(base, RPS)], acc.at[pl.ds(base, RPS)])

        plsc.subcore_barrier()

        def group(g, carry):
            pltpu.sync_copy(src_hbm.at[w, pl.ds(g * IB, IB)], src_v)
            pltpu.sync_copy(dst_hbm.at[w, pl.ds(g * IB, IB)], dst_v)

            def body(ch, carry2):
                pltpu.async_copy(xs_hbm.at[src_v.at[ch]], rows_v, sem).wait()
                pltpu.sync_copy(rows_v, acc.at[dst_v.at[ch]], add=True)
                return carry2

            lax.fori_loop(0, IB, body, 0, unroll=False)
            return carry

        lax.fori_loop(0, CH // IB, group, 0, unroll=False)
        plsc.subcore_barrier()
        pltpu.sync_copy(acc.at[pl.ds(base, RPS)], out_hbm.at[c, pl.ds(base, RPS)])

    return msg_kernel


def _make_pool_kernel(NC, NS, NP, CB):
    NW = NC * NS
    RPW = NP // NW
    mesh = plsc.VectorSubcoreMesh(core_axis_name="c", subcore_axis_name="s")

    @functools.partial(
        pl.kernel,
        out_type=(jax.ShapeDtypeStruct((NC, GA, 128), jnp.float32),
                  jax.ShapeDtypeStruct((NC, GA, 128), jnp.float32)),
        mesh=mesh,
        scratch_types=[
            pltpu.VMEM_SHARED((GA, 128), jnp.float32),
            pltpu.VMEM_SHARED((GA, 128), jnp.float32),
            pltpu.VMEM((CB, CHUNK), jnp.int32),
            pltpu.VMEM((CHUNK, 128), jnp.float32),
            pltpu.VMEM((CHUNK, 128), jnp.float32),
            pltpu.SemaphoreType.DMA,
        ],
    )
    def pool_kernel(h_hbm, batch_hbm, ones_hbm, zeros_hbm, sums_hbm, cnt_hbm,
                    sums_acc, cnt_acc, b_v, rows_v, ones_v, sem):
        c = lax.axis_index("c")
        s = lax.axis_index("s")
        w = s * NC + c

        @pl.when(s == 0)
        def _():
            pltpu.sync_copy(zeros_hbm.at[pl.ds(0, GA)], sums_acc)
            pltpu.sync_copy(zeros_hbm.at[pl.ds(0, GA)], cnt_acc)

        pltpu.sync_copy(ones_hbm, ones_v)
        pltpu.sync_copy(batch_hbm.at[w], b_v)
        plsc.subcore_barrier()

        def body(ch, carry):
            pltpu.sync_copy(h_hbm.at[pl.ds(w * RPW + ch * CHUNK, CHUNK)], rows_v)
            pltpu.sync_copy(rows_v, sums_acc.at[b_v.at[ch]], add=True)
            pltpu.sync_copy(ones_v, cnt_acc.at[b_v.at[ch]], add=True)
            return carry

        lax.fori_loop(0, CB, body, 0, unroll=False)
        plsc.subcore_barrier()

        @pl.when(s == 0)
        def _():
            pltpu.sync_copy(sums_acc, sums_hbm.at[c])
            pltpu.sync_copy(cnt_acc, cnt_hbm.at[c])

    return pool_kernel



def _tc_pre_body(x_ref, Win_ref, bin_ref, conv0_ref, d0_ref, d1_ref,
                 h_ref, xs_ref, dinv_ref):
    deg = 1.0 + d0_ref[...] + d1_ref[...]
    dinv = lax.rsqrt(deg)
    x1 = jax.nn.relu(
        jnp.dot(x_ref[...], Win_ref[...], preferred_element_type=jnp.float32)
        + bin_ref[...])
    xw = jnp.dot(x1, conv0_ref[...], preferred_element_type=jnp.float32)
    h_ref[...] = x1
    xs_ref[...] = xw * dinv
    dinv_ref[...] = dinv


def _tc_layer_body(has_next, p0_ref, p1_ref, dinv_ref, h_ref, convb_ref,
                   WihT_ref, bih_ref, WhhT_ref, bhh_ref, convn_ref,
                   hout_ref, xsout_ref):
    H = 128
    dinv = dinv_ref[...]
    xc = jax.nn.relu(dinv * (p0_ref[...] + p1_ref[...]) + convb_ref[...])
    h = h_ref[...]
    gi = jnp.dot(xc, WihT_ref[...], preferred_element_type=jnp.float32) + bih_ref[...]
    gh = jnp.dot(h, WhhT_ref[...], preferred_element_type=jnp.float32) + bhh_ref[...]
    r = jax.nn.sigmoid(gi[:, 0:H] + gh[:, 0:H])
    z = jax.nn.sigmoid(gi[:, H:2 * H] + gh[:, H:2 * H])
    n = jnp.tanh(gi[:, 2 * H:3 * H] + r * gh[:, 2 * H:3 * H])
    hn = (1.0 - z) * n + z * h
    hout_ref[...] = hn
    if has_next:
        xw = jnp.dot(hn, convn_ref[...], preferred_element_type=jnp.float32)
        xsout_ref[...] = xw * dinv


def _tc_final_body(s0_ref, s1_ref, c0_ref, c1_ref, Wout_ref, bout_ref, out_ref):
    sums = s0_ref[...] + s1_ref[...]
    cnt = jnp.clip(c0_ref[...] + c1_ref[...], 1.0, None)
    gs = sums[0:G, :] / cnt[0:G, :]
    out_ref[...] = (
        jnp.dot(gs, Wout_ref[...], preferred_element_type=jnp.float32)
        + bout_ref[...])


def _full_spec(shape):
    return pl.BlockSpec(shape, lambda i: tuple(0 for _ in shape))


def _row_spec(cols):
    return pl.BlockSpec((BLK, cols), lambda i: (i, 0))



def kernel(x, edge_index, batch, W_in, b_in, convW, convb, W_ih, W_hh,
           b_ih, b_hh, W_out, b_out):
    N, D = x.shape
    E = edge_index.shape[1]
    H = W_in.shape[1]
    L = convW.shape[0]
    NC, NS = _sc_geometry()
    NW = NC * NS

    EW = NW * CHUNK
    EG = EW * IB
    E_pad = ((E + EG - 1) // EG) * EG
    CH = E_pad // EW
    NP = ((N + EW - 1) // EW) * EW
    CB = NP // EW

    src = edge_index[0]
    dst = edge_index[1]
    pad_e = E_pad - E
    src_p = jnp.concatenate(
        [src, jnp.zeros((pad_e,), jnp.int32)]).reshape(NW, CH, CHUNK)
    dst_p = jnp.concatenate(
        [dst, jnp.full((pad_e,), N, jnp.int32)]).reshape(NW, CH, CHUNK)
    batch_p = jnp.concatenate(
        [batch.astype(jnp.int32),
         jnp.full((NP - N,), G, jnp.int32)]).reshape(NW, CB, CHUNK)
    x_p = jnp.concatenate(
        [x, jnp.zeros((NP - N, D), jnp.float32)], axis=0)
    ones1 = jnp.ones((CHUNK,), jnp.float32)
    ones2 = jnp.ones((CHUNK, 128), jnp.float32)
    zeros1 = jnp.zeros((NP,), jnp.float32)
    zeros2 = jnp.zeros((NP, 128), jnp.float32)
    WihT = W_ih.T
    WhhT = W_hh.T

    n_blocks = NP // BLK

    degp = _make_deg_kernel(NC, NS, NP, CH)(dst_p, ones1, zeros1)
    d0 = degp[0].reshape(NP, 1)
    d1 = degp[1].reshape(NP, 1)

    h, xs, dinv = pl.pallas_call(
        _tc_pre_body,
        grid=(n_blocks,),
        in_specs=[
            _row_spec(D),
            _full_spec((D, H)),
            _full_spec((1, H)),
            _full_spec((H, H)),
            pl.BlockSpec((BLK, 1), lambda i: (i, 0)),
            pl.BlockSpec((BLK, 1), lambda i: (i, 0)),
        ],
        out_specs=[_row_spec(H), _row_spec(H),
                   pl.BlockSpec((BLK, 1), lambda i: (i, 0))],
        out_shape=[
            jax.ShapeDtypeStruct((NP, H), jnp.float32),
            jax.ShapeDtypeStruct((NP, H), jnp.float32),
            jax.ShapeDtypeStruct((NP, 1), jnp.float32),
        ],
    )(x_p, W_in, b_in.reshape(1, H), convW[0], d0, d1)

    msg = _make_msgpass_kernel(NC, NS, NP, CH)
    for l in range(L):
        p = msg(xs, src_p, dst_p, zeros2)
        has_next = l + 1 < L
        convn = convW[l + 1] if has_next else convW[l]
        outs = pl.pallas_call(
            functools.partial(_tc_layer_body, has_next),
            grid=(n_blocks,),
            in_specs=[
                _row_spec(H), _row_spec(H),
                pl.BlockSpec((BLK, 1), lambda i: (i, 0)),
                _row_spec(H),
                _full_spec((1, H)),
                _full_spec((H, 3 * H)),
                _full_spec((1, 3 * H)),
                _full_spec((H, 3 * H)),
                _full_spec((1, 3 * H)),
                _full_spec((H, H)),
            ],
            out_specs=[_row_spec(H), _row_spec(H)],
            out_shape=[
                jax.ShapeDtypeStruct((NP, H), jnp.float32),
                jax.ShapeDtypeStruct((NP, H), jnp.float32),
            ],
        )(p[0], p[1], dinv, h, convb[l].reshape(1, H), WihT,
          b_ih.reshape(1, 3 * H), WhhT, b_hh.reshape(1, 3 * H), convn)
        h = outs[0]
        if has_next:
            xs = outs[1]

    sums, cnts = _make_pool_kernel(NC, NS, NP, CB)(h, batch_p, ones2, zeros2)

    out = pl.pallas_call(
        _tc_final_body,
        grid=(1,),
        in_specs=[
            _full_spec((GA, 128)), _full_spec((GA, 128)),
            _full_spec((GA, 128)), _full_spec((GA, 128)),
            _full_spec((H, W_out.shape[1])),
            _full_spec((1, W_out.shape[1])),
        ],
        out_specs=_full_spec((G, W_out.shape[1])),
        out_shape=jax.ShapeDtypeStruct((G, W_out.shape[1]), jnp.float32),
    )(sums[0], sums[1], cnts[0], cnts[1], W_out,
      b_out.reshape(1, W_out.shape[1]))
    return out

# --- scband reference (transcript-rebuilt; emitter-appended) ---
"""Pipeline reference for scband-gruencoder-network-74071005987300 (READ-ONLY COPY).

The authoritative reference and input builder live on the scoring server;
editing this copy changes nothing except your own understanding.
"""

import jax, jax.numpy as jnp
import numpy as np

N = 10000
E = 320000
D = 128
H = 128
L = 3
M = 64
G = 64


def setup_inputs(seed: int = 0) -> dict:
    key = jax.random.key(seed)
    ks = jax.random.split(key, 16)
    s = 0.05
    inp = {}
    inp['x'] = jax.random.normal(ks[0], (N, D), dtype=jnp.float32)
    inp['edge_index'] = jax.random.randint(ks[1], (2, E), 0, N, dtype=jnp.int32)
    inp['batch'] = jnp.sort(jax.random.randint(ks[2], (N,), 0, G, dtype=jnp.int32))
    # input_net: Linear(D, H)
    inp['W_in'] = jax.random.normal(ks[3], (D, H), dtype=jnp.float32) * s
    inp['b_in'] = jnp.zeros((H,), dtype=jnp.float32)
    # L GCNConv layers (H -> H), stacked
    inp['convW'] = jax.random.normal(ks[4], (L, H, H), dtype=jnp.float32) * s
    inp['convb'] = jnp.zeros((L, H), dtype=jnp.float32)
    # GRU (input H, hidden H), PyTorch layout: [3H, H], gate order r, z, n
    inp['W_ih'] = jax.random.normal(ks[5], (3 * H, H), dtype=jnp.float32) * s
    inp['W_hh'] = jax.random.normal(ks[6], (3 * H, H), dtype=jnp.float32) * s
    inp['b_ih'] = jnp.zeros((3 * H,), dtype=jnp.float32)
    inp['b_hh'] = jnp.zeros((3 * H,), dtype=jnp.float32)
    # output_net: Linear(H, 2M)
    inp['W_out'] = jax.random.normal(ks[7], (H, 2 * M), dtype=jnp.float32) * s
    inp['b_out'] = jnp.zeros((2 * M,), dtype=jnp.float32)
    return inp


def _gcn_conv(x, src, dst, W, b):
    n = x.shape[0]
    loop = jnp.arange(n, dtype=src.dtype)
    s = jnp.concatenate([src, loop])
    d = jnp.concatenate([dst, loop])
    xw = x @ W
    deg = jnp.zeros((n,), x.dtype).at[d].add(1.0)
    dinv = jnp.where(deg > 0, 1.0 / jnp.sqrt(deg), 0.0)
    norm = dinv[s] * dinv[d]
    msg = xw[s] * norm[:, None]
    out = jnp.zeros_like(xw).at[d].add(msg)
    return out + b


def _gru_cell(x, h, W_ih, W_hh, b_ih, b_hh):
    gi = x @ W_ih.T + b_ih
    gh = h @ W_hh.T + b_hh
    i_r, i_z, i_n = jnp.split(gi, 3, axis=-1)
    h_r, h_z, h_n = jnp.split(gh, 3, axis=-1)
    r = jax.nn.sigmoid(i_r + h_r)
    z = jax.nn.sigmoid(i_z + h_z)
    n = jnp.tanh(i_n + r * h_n)
    return (1.0 - z) * n + z * h


def reference(x, edge_index, batch, W_in, b_in, convW, convb, W_ih, W_hh, b_ih, b_hh, W_out, b_out):
    src, dst = edge_index[0], edge_index[1]
    x = jax.nn.relu(x @ W_in + b_in)
    h = x  # h0 = x.unsqueeze(0)
    for l in range(L):
        xc = jax.nn.relu(_gcn_conv(x, src, dst, convW[l], convb[l]))
        h = _gru_cell(xc, h, W_ih, W_hh, b_ih, b_hh)
        x = h  # GRU output (seq_len=1) equals new hidden state
    counts = jnp.zeros((G,), x.dtype).at[batch].add(1.0)
    sums = jax.ops.segment_sum(x, batch, num_segments=G)
    graph_state = sums / jnp.clip(counts, 1.0, None)[:, None]
    return graph_state @ W_out + b_out

if __name__ == "__main__":
    import jax
    _d = setup_inputs()
    print(jax.jit(kernel)(*tuple(_d.values())))

</pallas_src>

<mosaic_0001>
#map = affine_map<(d0, d1) -> (0, 0)>
#map1 = affine_map<(d0, d1) -> (0, 0, 0)>
module attributes {stable_mosaic.version = 14 : i64} {
  func.func @msg_kernel(%arg0: i32, %arg1: i32, %arg2: memref<12288x128xf32, #tpu.memory_space<hbm>>, %arg3: memref<32x80x128xi32, #tpu.memory_space<hbm>>, %arg4: memref<32x80x128xi32, #tpu.memory_space<hbm>>, %arg5: memref<12288x128xf32, #tpu.memory_space<hbm>>, %arg6: memref<2x12288x128xf32, #tpu.memory_space<hbm>>, %arg7: memref<12288x128xf32, #tpu.memory_space<vmem_shared>>, %arg8: memref<16x128xi32, #tpu.memory_space<vmem>>, %arg9: memref<16x128xi32, #tpu.memory_space<vmem>>, %arg10: memref<128x128xf32, #tpu.memory_space<vmem>>, %arg11: memref<!tpu.dma_semaphore, #tpu.memory_space<semaphore_mem>>) attributes {dimension_semantics = [#tpu.dimension_semantics<core_parallel>, #tpu.dimension_semantics<subcore_parallel>], iteration_bounds = array<i64: 2, 16>, scalar_prefetch = 0 : i64, scratch_operands = 5 : i64, tpu.core_type = #tpu.core_type<sc_vector_subcore>, window_params = [{transform_indices = #map}, {transform_indices = #map1}, {transform_indices = #map1}, {transform_indices = #map}, {transform_indices = #map1}]} {
    %mul3A = arith.constant 2 : i32
    %mul3A_0 = arith.muli %arg1, %mul3A : i32
    %add3A = arith.addi %mul3A_0, %arg0 : i32
    %mul3A_1 = arith.constant 768 : i32
    %mul3A_2 = arith.muli %arg1, %mul3A_1 : i32
    %eq3A = arith.constant 0 : i32
    %eq3A_3 = arith.cmpi eq, %arg0, %eq3A : i32
    %convert_element_type3A = arith.extui %eq3A_3 : i1 to i32
    %cond3A = arith.constant 0 : i32
    %cond3A_4 = arith.cmpi ne, %convert_element_type3A, %cond3A : i32
    scf.if %cond3A_4 {
      "tpu.region"() ({
        %run_scoped3A = tpu.sem_alloc : memref<!tpu.dma_semaphore, #tpu.memory_space<semaphore_mem>>
        %dma_start3A = arith.constant 0 : i32
        %dma_start3A_15 = tpu.memref_slice %arg7[%mul3A_2, %dma_start3A] : memref<12288x128xf32, #tpu.memory_space<vmem_shared>> -> memref<768x128xf32, #tpu.memory_space<vmem_shared>>
        %dma_start3A_16 = arith.constant 0 : i32
        %dma_start3A_17 = tpu.memref_slice %arg2[%mul3A_2, %dma_start3A_16] : memref<12288x128xf32, #tpu.memory_space<hbm>> -> memref<768x128xf32, #tpu.memory_space<hbm>>
        tpu.enqueue_dma source(%dma_start3A_17 : memref<768x128xf32, #tpu.memory_space<hbm>>) target(%dma_start3A_15 : memref<768x128xf32, #tpu.memory_space<vmem_shared>>) target_semaphore(%run_scoped3A : memref<!tpu.dma_semaphore, #tpu.memory_space<semaphore_mem>>)
        %dma_wait3A = arith.constant 0 : i32
        %dma_wait3A_18 = tpu.memref_slice %arg7[%mul3A_2, %dma_wait3A] : memref<12288x128xf32, #tpu.memory_space<vmem_shared>> -> memref<768x128xf32, #tpu.memory_space<vmem_shared>>
        %dma_wait3A_19 = arith.constant 0 : i32
        %dma_wait3A_20 = tpu.memref_slice %arg2[%mul3A_2, %dma_wait3A_19] : memref<12288x128xf32, #tpu.memory_space<hbm>> -> memref<768x128xf32, #tpu.memory_space<hbm>>
        tpu.wait_dma2 semaphore(%run_scoped3A : memref<!tpu.dma_semaphore, #tpu.memory_space<semaphore_mem>>) src(%dma_wait3A_20 : memref<768x128xf32, #tpu.memory_space<hbm>>) dst(%dma_wait3A_18 : memref<768x128xf32, #tpu.memory_space<vmem_shared>>)
        tpu.yield
      }) : () -> ()
    } else {
    }
    %ne3A = arith.constant 0 : i32
    %ne3A_5 = arith.cmpi ne, %arg0, %ne3A : i32
    %convert_element_type3A_6 = arith.extui %ne3A_5 : i1 to i32
    %cond3A_7 = arith.constant 0 : i32
    %cond3A_8 = arith.cmpi ne, %convert_element_type3A_6, %cond3A_7 : i32
    scf.if %cond3A_8 {
      "tpu.region"() ({
        %run_scoped3A = tpu.sem_alloc : memref<!tpu.dma_semaphore, #tpu.memory_space<semaphore_mem>>
        %dma_start3A = arith.constant 0 : i32
        %dma_start3A_15 = tpu.memref_slice %arg7[%mul3A_2, %dma_start3A] : memref<12288x128xf32, #tpu.memory_space<vmem_shared>> -> memref<768x128xf32, #tpu.memory_space<vmem_shared>>
        %dma_start3A_16 = arith.constant 0 : i32
        %dma_start3A_17 = tpu.memref_slice %arg5[%mul3A_2, %dma_start3A_16] : memref<12288x128xf32, #tpu.memory_space<hbm>> -> memref<768x128xf32, #tpu.memory_space<hbm>>
        tpu.enqueue_dma source(%dma_start3A_17 : memref<768x128xf32, #tpu.memory_space<hbm>>) target(%dma_start3A_15 : memref<768x128xf32, #tpu.memory_space<vmem_shared>>) target_semaphore(%run_scoped3A : memref<!tpu.dma_semaphore, #tpu.memory_space<semaphore_mem>>)
        %dma_wait3A = arith.constant 0 : i32
        %dma_wait3A_18 = tpu.memref_slice %arg7[%mul3A_2, %dma_wait3A] : memref<12288x128xf32, #tpu.memory_space<vmem_shared>> -> memref<768x128xf32, #tpu.memory_space<vmem_shared>>
        %dma_wait3A_19 = arith.constant 0 : i32
        %dma_wait3A_20 = tpu.memref_slice %arg5[%mul3A_2, %dma_wait3A_19] : memref<12288x128xf32, #tpu.memory_space<hbm>> -> memref<768x128xf32, #tpu.memory_space<hbm>>
        tpu.wait_dma2 semaphore(%run_scoped3A : memref<!tpu.dma_semaphore, #tpu.memory_space<semaphore_mem>>) src(%dma_wait3A_20 : memref<768x128xf32, #tpu.memory_space<hbm>>) dst(%dma_wait3A_18 : memref<768x128xf32, #tpu.memory_space<vmem_shared>>)
        tpu.yield
      }) : () -> ()
    } else {
    }
    %barrier3A = arith.constant 0 : index
    tpu.barrier barrier_id(%barrier3A)
    %scan3A = arith.constant 0 : i32
    %scan3A_9 = arith.constant 0 : i32
    %scan3A_10 = arith.constant 5 : i32
    %scan3A_11 = arith.addi %scan3A_9, %scan3A_10 : i32
    %scan3A_12 = arith.constant 1 : i32
    scf.for %scan3A_15 = %scan3A_9 to %scan3A_11 step %scan3A_12  : i32 {
      %mul3A_16 = arith.constant 16 : i32
      %mul3A_17 = arith.muli %scan3A_15, %mul3A_16 : i32
      "tpu.region"() ({
        %run_scoped3A = tpu.sem_alloc : memref<!tpu.dma_semaphore, #tpu.memory_space<semaphore_mem>>
        %dma_start3A = arith.constant 0 : i32
        %dma_start3A_26 = tpu.memref_slice %arg3[%add3A, %mul3A_17, %dma_start3A] : memref<32x80x128xi32, #tpu.memory_space<hbm>> -> memref<1x16x128xi32, #tpu.memory_space<hbm>>
        %dma_start3A_27 = tpu.memref_squeeze %dma_start3A_26 : memref<1x16x128xi32, #tpu.memory_space<hbm>> -> memref<16x128xi32, #tpu.memory_space<hbm>>
        %dma_start3A_28 = arith.constant 0 : i32
        %dma_start3A_29 = tpu.memref_slice %arg3[%add3A, %mul3A_17, %dma_start3A_28] : memref<32x80x128xi32, #tpu.memory_space<hbm>> -> memref<1x16x128xi32, #tpu.memory_space<hbm>>
        %dma_start3A_30 = tpu.memref_squeeze %dma_start3A_29 : memref<1x16x128xi32, #tpu.memory_space<hbm>> -> memref<16x128xi32, #tpu.memory_space<hbm>>
        tpu.enqueue_dma source(%dma_start3A_30 : memref<16x128xi32, #tpu.memory_space<hbm>>) target(%arg8 : memref<16x128xi32, #tpu.memory_space<vmem>>) target_semaphore(%run_scoped3A : memref<!tpu.dma_semaphore, #tpu.memory_space<semaphore_mem>>)
        %dma_wait3A = arith.constant 0 : i32
        %dma_wait3A_31 = tpu.memref_slice %arg3[%add3A, %mul3A_17, %dma_wait3A] : memref<32x80x128xi32, #tpu.memory_space<hbm>> -> memref<1x16x128xi32, #tpu.memory_space<hbm>>
        %dma_wait3A_32 = tpu.memref_squeeze %dma_wait3A_31 : memref<1x16x128xi32, #tpu.memory_space<hbm>> -> memref<16x128xi32, #tpu.memory_space<hbm>>
        %dma_wait3A_33 = arith.constant 0 : i32
        %dma_wait3A_34 = tpu.memref_slice %arg3[%add3A, %mul3A_17, %dma_wait3A_33] : memref<32x80x128xi32, #tpu.memory_space<hbm>> -> memref<1x16x128xi32, #tpu.memory_space<hbm>>
        %dma_wait3A_35 = tpu.memref_squeeze %dma_wait3A_34 : memref<1x16x128xi32, #tpu.memory_space<hbm>> -> memref<16x128xi32, #tpu.memory_space<hbm>>
        tpu.wait_dma2 semaphore(%run_scoped3A : memref<!tpu.dma_semaphore, #tpu.memory_space<semaphore_mem>>) src(%dma_wait3A_35 : memref<16x128xi32, #tpu.memory_space<hbm>>) dst(%arg8 : memref<16x128xi32, #tpu.memory_space<vmem>>)
        tpu.yield
      }) : () -> ()
      %mul3A_18 = arith.constant 16 : i32
      %mul3A_19 = arith.muli %scan3A_15, %mul3A_18 : i32
      "tpu.region"() ({
        %run_scoped3A = tpu.sem_alloc : memref<!tpu.dma_semaphore, #tpu.memory_space<semaphore_mem>>
        %dma_start3A = arith.constant 0 : i32
        %dma_start3A_26 = tpu.memref_slice %arg4[%add3A, %mul3A_19, %dma_start3A] : memref<32x80x128xi32, #tpu.memory_space<hbm>> -> memref<1x16x128xi32, #tpu.memory_space<hbm>>
        %dma_start3A_27 = tpu.memref_squeeze %dma_start3A_26 : memref<1x16x128xi32, #tpu.memory_space<hbm>> -> memref<16x128xi32, #tpu.memory_space<hbm>>
        %dma_start3A_28 = arith.constant 0 : i32
        %dma_start3A_29 = tpu.memref_slice %arg4[%add3A, %mul3A_19, %dma_start3A_28] : memref<32x80x128xi32, #tpu.memory_space<hbm>> -> memref<1x16x128xi32, #tpu.memory_space<hbm>>
        %dma_start3A_30 = tpu.memref_squeeze %dma_start3A_29 : memref<1x16x128xi32, #tpu.memory_space<hbm>> -> memref<16x128xi32, #tpu.memory_space<hbm>>
        tpu.enqueue_dma source(%dma_start3A_30 : memref<16x128xi32, #tpu.memory_space<hbm>>) target(%arg9 : memref<16x128xi32, #tpu.memory_space<vmem>>) target_semaphore(%run_scoped3A : memref<!tpu.dma_semaphore, #tpu.memory_space<semaphore_mem>>)
        %dma_wait3A = arith.constant 0 : i32
        %dma_wait3A_31 = tpu.memref_slice %arg4[%add3A, %mul3A_19, %dma_wait3A] : memref<32x80x128xi32, #tpu.memory_space<hbm>> -> memref<1x16x128xi32, #tpu.memory_space<hbm>>
        %dma_wait3A_32 = tpu.memref_squeeze %dma_wait3A_31 : memref<1x16x128xi32, #tpu.memory_space<hbm>> -> memref<16x128xi32, #tpu.memory_space<hbm>>
        %dma_wait3A_33 = arith.constant 0 : i32
        %dma_wait3A_34 = tpu.memref_slice %arg4[%add3A, %mul3A_19, %dma_wait3A_33] : memref<32x80x128xi32, #tpu.memory_space<hbm>> -> memref<1x16x128xi32, #tpu.memory_space<hbm>>
        %dma_wait3A_35 = tpu.memref_squeeze %dma_wait3A_34 : memref<1x16x128xi32, #tpu.memory_space<hbm>> -> memref<16x128xi32, #tpu.memory_space<hbm>>
        tpu.wait_dma2 semaphore(%run_scoped3A : memref<!tpu.dma_semaphore, #tpu.memory_space<semaphore_mem>>) src(%dma_wait3A_35 : memref<16x128xi32, #tpu.memory_space<hbm>>) dst(%arg9 : memref<16x128xi32, #tpu.memory_space<vmem>>)
        tpu.yield
      }) : () -> ()
      %scan3A_20 = arith.constant 0 : i32
      %scan3A_21 = arith.constant 0 : i32
      %scan3A_22 = arith.constant 16 : i32
      %scan3A_23 = arith.addi %scan3A_21, %scan3A_22 : i32
      %scan3A_24 = arith.constant 1 : i32
      scf.for %scan3A_26 = %scan3A_21 to %scan3A_23 step %scan3A_24  : i32 {
        %dma_start3A = arith.constant 0 : i32
        %dma_start3A_27 = tpu.memref_slice %arg8[%scan3A_26, %dma_start3A] : memref<16x128xi32, #tpu.memory_space<vmem>> -> memref<1x128xi32, #tpu.memory_space<vmem>>
        %dma_start3A_28 = tpu.memref_squeeze %dma_start3A_27 : memref<1x128xi32, #tpu.memory_space<vmem>> -> memref<128xi32, #tpu.memory_space<vmem>>
        %dma_start3A_29 = arith.constant 0 : i32
        %dma_start3A_30 = arith.constant 0 : i32
        %dma_start3A_31 = tpu.memref_slice %arg2[%dma_start3A_29, %dma_start3A_30] : memref<12288x128xf32, #tpu.memory_space<hbm>> -> memref<12288x128xf32, #tpu.memory_space<hbm>>
        tpu.enqueue_indirect_dma source(%dma_start3A_31 : memref<12288x128xf32, #tpu.memory_space<hbm>>) target(%arg10 : memref<128x128xf32, #tpu.memory_space<vmem>>) offsets(%dma_start3A_28 : memref<128xi32, #tpu.memory_space<vmem>>) semaphore(%arg11 : memref<!tpu.dma_semaphore, #tpu.memory_space<semaphore_mem>>)
        %dma_wait3A = arith.constant 0 : i32
        %dma_wait3A_32 = tpu.memref_slice %arg8[%scan3A_26, %dma_wait3A] : memref<16x128xi32, #tpu.memory_space<vmem>> -> memref<1x128xi32, #tpu.memory_space<vmem>>
        %dma_wait3A_33 = tpu.memref_squeeze %dma_wait3A_32 : memref<1x128xi32, #tpu.memory_space<vmem>> -> memref<128xi32, #tpu.memory_space<vmem>>
        %dma_wait3A_34 = arith.constant 0 : i32
        %dma_wait3A_35 = arith.constant 0 : i32
        %dma_wait3A_36 = tpu.memref_slice %arg2[%dma_wait3A_34, %dma_wait3A_35] : memref<12288x128xf32, #tpu.memory_space<hbm>> -> memref<12288x128xf32, #tpu.memory_space<hbm>>
        tpu.wait_indirect_dma semaphore(%arg11 : memref<!tpu.dma_semaphore, #tpu.memory_space<semaphore_mem>>) src(%dma_wait3A_36 : memref<12288x128xf32, #tpu.memory_space<hbm>>) dst(%arg10 : memref<128x128xf32, #tpu.memory_space<vmem>>)
        "tpu.region"() ({
          %run_scoped3A = tpu.sem_alloc : memref<!tpu.dma_semaphore, #tpu.memory_space<semaphore_mem>>
          %dma_start3A_37 = arith.constant 0 : i32
          %dma_start3A_38 = tpu.memref_slice %arg9[%scan3A_26, %dma_start3A_37] : memref<16x128xi32, #tpu.memory_space<vmem>> -> memref<1x128xi32, #tpu.memory_space<vmem>>
          %dma_start3A_39 = tpu.memref_squeeze %dma_start3A_38 : memref<1x128xi32, #tpu.memory_space<vmem>> -> memref<128xi32, #tpu.memory_space<vmem>>
          %dma_start3A_40 = arith.constant 0 : i32
          %dma_start3A_41 = arith.constant 0 : i32
          %dma_start3A_42 = tpu.memref_slice %arg7[%dma_start3A_40, %dma_start3A_41] : memref<12288x128xf32, #tpu.memory_space<vmem_shared>> -> memref<12288x128xf32, #tpu.memory_space<vmem_shared>>
          tpu.enqueue_indirect_dma source(%arg10 : memref<128x128xf32, #tpu.memory_space<vmem>>) target(%dma_start3A_42 : memref<12288x128xf32, #tpu.memory_space<vmem_shared>>) offsets(%dma_start3A_39 : memref<128xi32, #tpu.memory_space<vmem>>) semaphore(%run_scoped3A : memref<!tpu.dma_semaphore, #tpu.memory_space<semaphore_mem>>) {add = true}
          %dma_wait3A_43 = arith.constant 0 : i32
          %dma_wait3A_44 = tpu.memref_slice %arg9[%scan3A_26, %dma_wait3A_43] : memref<16x128xi32, #tpu.memory_space<vmem>> -> memref<1x128xi32, #tpu.memory_space<vmem>>
          %dma_wait3A_45 = tpu.memref_squeeze %dma_wait3A_44 : memref<1x128xi32, #tpu.memory_space<vmem>> -> memref<128xi32, #tpu.memory_space<vmem>>
          %dma_wait3A_46 = arith.constant 0 : i32
          %dma_wait3A_47 = arith.constant 0 : i32
          %dma_wait3A_48 = tpu.memref_slice %arg7[%dma_wait3A_46, %dma_wait3A_47] : memref<12288x128xf32, #tpu.memory_space<vmem_shared>> -> memref<12288x128xf32, #tpu.memory_space<vmem_shared>>
          tpu.wait_indirect_dma semaphore(%run_scoped3A : memref<!tpu.dma_semaphore, #tpu.memory_space<semaphore_mem>>) src(%arg10 : memref<128x128xf32, #tpu.memory_space<vmem>>) dst(%dma_wait3A_48 : memref<12288x128xf32, #tpu.memory_space<vmem_shared>>)
          tpu.yield
        }) : () -> ()
      }
      %scan3A_25 = arith.constant 16 : i32
    }
    %scan3A_13 = arith.constant 5 : i32
    %barrier3A_14 = arith.constant 0 : index
    tpu.barrier barrier_id(%barrier3A_14)
    "tpu.region"() ({
      %run_scoped3A = tpu.sem_alloc : memref<!tpu.dma_semaphore, #tpu.memory_space<semaphore_mem>>
      %dma_start3A = arith.constant 0 : i32
      %dma_start3A_15 = tpu.memref_slice %arg6[%arg0, %mul3A_2, %dma_start3A] : memref<2x12288x128xf32, #tpu.memory_space<hbm>> -> memref<1x768x128xf32, #tpu.memory_space<hbm>>
      %dma_start3A_16 = tpu.memref_squeeze %dma_start3A_15 : memref<1x768x128xf32, #tpu.memory_space<hbm>> -> memref<768x128xf32, #tpu.memory_space<hbm>>
      %dma_start3A_17 = arith.constant 0 : i32
      %dma_start3A_18 = tpu.memref_slice %arg7[%mul3A_2, %dma_start3A_17] : memref<12288x128xf32, #tpu.memory_space<vmem_shared>> -> memref<768x128xf32, #tpu.memory_space<vmem_shared>>
      tpu.enqueue_dma source(%dma_start3A_18 : memref<768x128xf32, #tpu.memory_space<vmem_shared>>) target(%dma_start3A_16 : memref<768x128xf32, #tpu.memory_space<hbm>>) target_semaphore(%run_scoped3A : memref<!tpu.dma_semaphore, #tpu.memory_space<semaphore_mem>>)
      %dma_wait3A = arith.constant 0 : i32
      %dma_wait3A_19 = tpu.memref_slice %arg6[%arg0, %mul3A_2, %dma_wait3A] : memref<2x12288x128xf32, #tpu.memory_space<hbm>> -> memref<1x768x128xf32, #tpu.memory_space<hbm>>
      %dma_wait3A_20 = tpu.memref_squeeze %dma_wait3A_19 : memref<1x768x128xf32, #tpu.memory_space<hbm>> -> memref<768x128xf32, #tpu.memory_space<hbm>>
      %dma_wait3A_21 = arith.constant 0 : i32
      %dma_wait3A_22 = tpu.memref_slice %arg7[%mul3A_2, %dma_wait3A_21] : memref<12288x128xf32, #tpu.memory_space<vmem_shared>> -> memref<768x128xf32, #tpu.memory_space<vmem_shared>>
      tpu.wait_dma2 semaphore(%run_scoped3A : memref<!tpu.dma_semaphore, #tpu.memory_space<semaphore_mem>>) src(%dma_wait3A_22 : memref<768x128xf32, #tpu.memory_space<vmem_shared>>) dst(%dma_wait3A_20 : memref<768x128xf32, #tpu.memory_space<hbm>>)
      tpu.yield
    }) : () -> ()
    return
  }
}

#map = affine_map<(d0, d1) -> (0, 0)>
#map1 = affine_map<(d0, d1) -> (0, 0, 0)>
module attributes {stable_mosaic.version = 14 : i64} {
  func.func @msg_kernel(%arg0: i32, %arg1: i32, %arg2: memref<12288x128xf32, #tpu.memory_space<hbm>>, %arg3: memref<32x80x128xi32, #tpu.memory_space<hbm>>, %arg4: memref<32x80x128xi32, #tpu.memory_space<hbm>>, %arg5: memref<12288x128xf32, #tpu.memory_space<hbm>>, %arg6: memref<2x12288x128xf32, #tpu.memory_space<hbm>>, %arg7: memref<12288x128xf32, #tpu.memory_space<vmem_shared>>, %arg8: memref<16x128xi32, #tpu.memory_space<vmem>>, %arg9: memref<16x128xi32, #tpu.memory_space<vmem>>, %arg10: memref<128x128xf32, #tpu.memory_space<vmem>>, %arg11: memref<!tpu.dma_semaphore, #tpu.memory_space<semaphore_mem>>) attributes {dimension_semantics = [#tpu.dimension_semantics<core_parallel>, #tpu.dimension_semantics<subcore_parallel>], iteration_bounds = array<i64: 2, 16>, scalar_prefetch = 0 : i64, scratch_operands = 5 : i64, tpu.core_type = #tpu.core_type<sc_vector_subcore>, window_params = [{transform_indices = #map}, {transform_indices = #map1}, {transform_indices = #map1}, {transform_indices = #map}, {transform_indices = #map1}]} {
    %mul3A = arith.constant 2 : i32
    %mul3A_0 = arith.muli %arg1, %mul3A : i32
    %add3A = arith.addi %mul3A_0, %arg0 : i32
    %mul3A_1 = arith.constant 768 : i32
    %mul3A_2 = arith.muli %arg1, %mul3A_1 : i32
    %eq3A = arith.constant 0 : i32
    %eq3A_3 = arith.cmpi eq, %arg0, %eq3A : i32
    %convert_element_type3A = arith.extui %eq3A_3 : i1 to i32
    %cond3A = arith.constant 0 : i32
    %cond3A_4 = arith.cmpi ne, %convert_element_type3A, %cond3A : i32
    scf.if %cond3A_4 {
      "tpu.region"() ({
        %run_scoped3A = tpu.sem_alloc : memref<!tpu.dma_semaphore, #tpu.memory_space<semaphore_mem>>
        %dma_start3A = arith.constant 0 : i32
        %dma_start3A_15 = tpu.memref_slice %arg7[%mul3A_2, %dma_start3A] : memref<12288x128xf32, #tpu.memory_space<vmem_shared>> -> memref<768x128xf32, #tpu.memory_space<vmem_shared>>
        %dma_start3A_16 = arith.constant 0 : i32
        %dma_start3A_17 = tpu.memref_slice %arg2[%mul3A_2, %dma_start3A_16] : memref<12288x128xf32, #tpu.memory_space<hbm>> -> memref<768x128xf32, #tpu.memory_space<hbm>>
        tpu.enqueue_dma source(%dma_start3A_17 : memref<768x128xf32, #tpu.memory_space<hbm>>) target(%dma_start3A_15 : memref<768x128xf32, #tpu.memory_space<vmem_shared>>) target_semaphore(%run_scoped3A : memref<!tpu.dma_semaphore, #tpu.memory_space<semaphore_mem>>)
        %dma_wait3A = arith.constant 0 : i32
        %dma_wait3A_18 = tpu.memref_slice %arg7[%mul3A_2, %dma_wait3A] : memref<12288x128xf32, #tpu.memory_space<vmem_shared>> -> memref<768x128xf32, #tpu.memory_space<vmem_shared>>
        %dma_wait3A_19 = arith.constant 0 : i32
        %dma_wait3A_20 = tpu.memref_slice %arg2[%mul3A_2, %dma_wait3A_19] : memref<12288x128xf32, #tpu.memory_space<hbm>> -> memref<768x128xf32, #tpu.memory_space<hbm>>
        tpu.wait_dma2 semaphore(%run_scoped3A : memref<!tpu.dma_semaphore, #tpu.memory_space<semaphore_mem>>) src(%dma_wait3A_20 : memref<768x128xf32, #tpu.memory_space<hbm>>) dst(%dma_wait3A_18 : memref<768x128xf32, #tpu.memory_space<vmem_shared>>)
        tpu.yield
      }) : () -> ()
    } else {
    }
    %ne3A = arith.constant 0 : i32
    %ne3A_5 = arith.cmpi ne, %arg0, %ne3A : i32
    %convert_element_type3A_6 = arith.extui %ne3A_5 : i1 to i32
    %cond3A_7 = arith.constant 0 : i32
    %cond3A_8 = arith.cmpi ne, %convert_element_type3A_6, %cond3A_7 : i32
    scf.if %cond3A_8 {
      "tpu.region"() ({
        %run_scoped3A = tpu.sem_alloc : memref<!tpu.dma_semaphore, #tpu.memory_space<semaphore_mem>>
        %dma_start3A = arith.constant 0 : i32
        %dma_start3A_15 = tpu.memref_slice %arg7[%mul3A_2, %dma_start3A] : memref<12288x128xf32, #tpu.memory_space<vmem_shared>> -> memref<768x128xf32, #tpu.memory_space<vmem_shared>>
        %dma_start3A_16 = arith.constant 0 : i32
        %dma_start3A_17 = tpu.memref_slice %arg5[%mul3A_2, %dma_start3A_16] : memref<12288x128xf32, #tpu.memory_space<hbm>> -> memref<768x128xf32, #tpu.memory_space<hbm>>
        tpu.enqueue_dma source(%dma_start3A_17 : memref<768x128xf32, #tpu.memory_space<hbm>>) target(%dma_start3A_15 : memref<768x128xf32, #tpu.memory_space<vmem_shared>>) target_semaphore(%run_scoped3A : memref<!tpu.dma_semaphore, #tpu.memory_space<semaphore_mem>>)
        %dma_wait3A = arith.constant 0 : i32
        %dma_wait3A_18 = tpu.memref_slice %arg7[%mul3A_2, %dma_wait3A] : memref<12288x128xf32, #tpu.memory_space<vmem_shared>> -> memref<768x128xf32, #tpu.memory_space<vmem_shared>>
        %dma_wait3A_19 = arith.constant 0 : i32
        %dma_wait3A_20 = tpu.memref_slice %arg5[%mul3A_2, %dma_wait3A_19] : memref<12288x128xf32, #tpu.memory_space<hbm>> -> memref<768x128xf32, #tpu.memory_space<hbm>>
        tpu.wait_dma2 semaphore(%run_scoped3A : memref<!tpu.dma_semaphore, #tpu.memory_space<semaphore_mem>>) src(%dma_wait3A_20 : memref<768x128xf32, #tpu.memory_space<hbm>>) dst(%dma_wait3A_18 : memref<768x128xf32, #tpu.memory_space<vmem_shared>>)
        tpu.yield
      }) : () -> ()
    } else {
    }
    %barrier3A = arith.constant 0 : index
    tpu.barrier barrier_id(%barrier3A)
    %scan3A = arith.constant 0 : i32
    %scan3A_9 = arith.constant 0 : i32
    %scan3A_10 = arith.constant 5 : i32
    %scan3A_11 = arith.addi %scan3A_9, %scan3A_10 : i32
    %scan3A_12 = arith.constant 1 : i32
    scf.for %scan3A_15 = %scan3A_9 to %scan3A_11 step %scan3A_12  : i32 {
      %mul3A_16 = arith.constant 16 : i32
      %mul3A_17 = arith.muli %scan3A_15, %mul3A_16 : i32
      "tpu.region"() ({
        %run_scoped3A = tpu.sem_alloc : memref<!tpu.dma_semaphore, #tpu.memory_space<semaphore_mem>>
        %dma_start3A = arith.constant 0 : i32
        %dma_start3A_26 = tpu.memref_slice %arg3[%add3A, %mul3A_17, %dma_start3A] : memref<32x80x128xi32, #tpu.memory_space<hbm>> -> memref<1x16x128xi32, #tpu.memory_space<hbm>>
        %dma_start3A_27 = tpu.memref_squeeze %dma_start3A_26 : memref<1x16x128xi32, #tpu.memory_space<hbm>> -> memref<16x128xi32, #tpu.memory_space<hbm>>
        %dma_start3A_28 = arith.constant 0 : i32
        %dma_start3A_29 = tpu.memref_slice %arg3[%add3A, %mul3A_17, %dma_start3A_28] : memref<32x80x128xi32, #tpu.memory_space<hbm>> -> memref<1x16x128xi32, #tpu.memory_space<hbm>>
        %dma_start3A_30 = tpu.memref_squeeze %dma_start3A_29 : memref<1x16x128xi32, #tpu.memory_space<hbm>> -> memref<16x128xi32, #tpu.memory_space<hbm>>
        tpu.enqueue_dma source(%dma_start3A_30 : memref<16x128xi32, #tpu.memory_space<hbm>>) target(%arg8 : memref<16x128xi32, #tpu.memory_space<vmem>>) target_semaphore(%run_scoped3A : memref<!tpu.dma_semaphore, #tpu.memory_space<semaphore_mem>>)
        %dma_wait3A = arith.constant 0 : i32
        %dma_wait3A_31 = tpu.memref_slice %arg3[%add3A, %mul3A_17, %dma_wait3A] : memref<32x80x128xi32, #tpu.memory_space<hbm>> -> memref<1x16x128xi32, #tpu.memory_space<hbm>>
        %dma_wait3A_32 = tpu.memref_squeeze %dma_wait3A_31 : memref<1x16x128xi32, #tpu.memory_space<hbm>> -> memref<16x128xi32, #tpu.memory_space<hbm>>
        %dma_wait3A_33 = arith.constant 0 : i32
        %dma_wait3A_34 = tpu.memref_slice %arg3[%add3A, %mul3A_17, %dma_wait3A_33] : memref<32x80x128xi32, #tpu.memory_space<hbm>> -> memref<1x16x128xi32, #tpu.memory_space<hbm>>
        %dma_wait3A_35 = tpu.memref_squeeze %dma_wait3A_34 : memref<1x16x128xi32, #tpu.memory_space<hbm>> -> memref<16x128xi32, #tpu.memory_space<hbm>>
        tpu.wait_dma2 semaphore(%run_scoped3A : memref<!tpu.dma_semaphore, #tpu.memory_space<semaphore_mem>>) src(%dma_wait3A_35 : memref<16x128xi32, #tpu.memory_space<hbm>>) dst(%arg8 : memref<16x128xi32, #tpu.memory_space<vmem>>)
        tpu.yield
      }) : () -> ()
      %mul3A_18 = arith.constant 16 : i32
      %mul3A_19 = arith.muli %scan3A_15, %mul3A_18 : i32
      "tpu.region"() ({
        %run_scoped3A = tpu.sem_alloc : memref<!tpu.dma_semaphore, #tpu.memory_space<semaphore_mem>>
        %dma_start3A = arith.constant 0 : i32
        %dma_start3A_26 = tpu.memref_slice %arg4[%add3A, %mul3A_19, %dma_start3A] : memref<32x80x128xi32, #tpu.memory_space<hbm>> -> memref<1x16x128xi32, #tpu.memory_space<hbm>>
        %dma_start3A_27 = tpu.memref_squeeze %dma_start3A_26 : memref<1x16x128xi32, #tpu.memory_space<hbm>> -> memref<16x128xi32, #tpu.memory_space<hbm>>
        %dma_start3A_28 = arith.constant 0 : i32
        %dma_start3A_29 = tpu.memref_slice %arg4[%add3A, %mul3A_19, %dma_start3A_28] : memref<32x80x128xi32, #tpu.memory_space<hbm>> -> memref<1x16x128xi32, #tpu.memory_space<hbm>>
        %dma_start3A_30 = tpu.memref_squeeze %dma_start3A_29 : memref<1x16x128xi32, #tpu.memory_space<hbm>> -> memref<16x128xi32, #tpu.memory_space<hbm>>
        tpu.enqueue_dma source(%dma_start3A_30 : memref<16x128xi32, #tpu.memory_space<hbm>>) target(%arg9 : memref<16x128xi32, #tpu.memory_space<vmem>>) target_semaphore(%run_scoped3A : memref<!tpu.dma_semaphore, #tpu.memory_space<semaphore_mem>>)
        %dma_wait3A = arith.constant 0 : i32
        %dma_wait3A_31 = tpu.memref_slice %arg4[%add3A, %mul3A_19, %dma_wait3A] : memref<32x80x128xi32, #tpu.memory_space<hbm>> -> memref<1x16x128xi32, #tpu.memory_space<hbm>>
        %dma_wait3A_32 = tpu.memref_squeeze %dma_wait3A_31 : memref<1x16x128xi32, #tpu.memory_space<hbm>> -> memref<16x128xi32, #tpu.memory_space<hbm>>
        %dma_wait3A_33 = arith.constant 0 : i32
        %dma_wait3A_34 = tpu.memref_slice %arg4[%add3A, %mul3A_19, %dma_wait3A_33] : memref<32x80x128xi32, #tpu.memory_space<hbm>> -> memref<1x16x128xi32, #tpu.memory_space<hbm>>
        %dma_wait3A_35 = tpu.memref_squeeze %dma_wait3A_34 : memref<1x16x128xi32, #tpu.memory_space<hbm>> -> memref<16x128xi32, #tpu.memory_space<hbm>>
        tpu.wait_dma2 semaphore(%run_scoped3A : memref<!tpu.dma_semaphore, #tpu.memory_space<semaphore_mem>>) src(%dma_wait3A_35 : memref<16x128xi32, #tpu.memory_space<hbm>>) dst(%arg9 : memref<16x128xi32, #tpu.memory_space<vmem>>)
        tpu.yield
      }) : () -> ()
      %scan3A_20 = arith.constant 0 : i32
      %scan3A_21 = arith.constant 0 : i32
      %scan3A_22 = arith.constant 16 : i32
      %scan3A_23 = arith.addi %scan3A_21, %scan3A_22 : i32
      %scan3A_24 = arith.constant 1 : i32
      scf.for %scan3A_26 = %scan3A_21 to %scan3A_23 step %scan3A_24  : i32 {
        %dma_start3A = arith.constant 0 : i32
        %dma_start3A_27 = tpu.memref_slice %arg8[%scan3A_26, %dma_start3A] : memref<16x128xi32, #tpu.memory_space<vmem>> -> memref<1x128xi32, #tpu.memory_space<vmem>>
        %dma_start3A_28 = tpu.memref_squeeze %dma_start3A_27 : memref<1x128xi32, #tpu.memory_space<vmem>> -> memref<128xi32, #tpu.memory_space<vmem>>
        %dma_start3A_29 = arith.constant 0 : i32
        %dma_start3A_30 = arith.constant 0 : i32
        %dma_start3A_31 = tpu.memref_slice %arg2[%dma_start3A_29, %dma_start3A_30] : memref<12288x128xf32, #tpu.memory_space<hbm>> -> memref<12288x128xf32, #tpu.memory_space<hbm>>
        tpu.enqueue_indirect_dma source(%dma_start3A_31 : memref<12288x128xf32, #tpu.memory_space<hbm>>) target(%arg10 : memref<128x128xf32, #tpu.memory_space<vmem>>) offsets(%dma_start3A_28 : memref<128xi32, #tpu.memory_space<vmem>>) semaphore(%arg11 : memref<!tpu.dma_semaphore, #tpu.memory_space<semaphore_mem>>)
        %dma_wait3A = arith.constant 0 : i32
        %dma_wait3A_32 = tpu.memref_slice %arg8[%scan3A_26, %dma_wait3A] : memref<16x128xi32, #tpu.memory_space<vmem>> -> memref<1x128xi32, #tpu.memory_space<vmem>>
        %dma_wait3A_33 = tpu.memref_squeeze %dma_wait3A_32 : memref<1x128xi32, #tpu.memory_space<vmem>> -> memref<128xi32, #tpu.memory_space<vmem>>
        %dma_wait3A_34 = arith.constant 0 : i32
        %dma_wait3A_35 = arith.constant 0 : i32
        %dma_wait3A_36 = tpu.memref_slice %arg2[%dma_wait3A_34, %dma_wait3A_35] : memref<12288x128xf32, #tpu.memory_space<hbm>> -> memref<12288x128xf32, #tpu.memory_space<hbm>>
        tpu.wait_indirect_dma semaphore(%arg11 : memref<!tpu.dma_semaphore, #tpu.memory_space<semaphore_mem>>) src(%dma_wait3A_36 : memref<12288x128xf32, #tpu.memory_space<hbm>>) dst(%arg10 : memref<128x128xf32, #tpu.memory_space<vmem>>)
        "tpu.region"() ({
          %run_scoped3A = tpu.sem_alloc : memref<!tpu.dma_semaphore, #tpu.memory_space<semaphore_mem>>
          %dma_start3A_37 = arith.constant 0 : i32
          %dma_start3A_38 = tpu.memref_slice %arg9[%scan3A_26, %dma_start3A_37] : memref<16x128xi32, #tpu.memory_space<vmem>> -> memref<1x128xi32, #tpu.memory_space<vmem>>
          %dma_start3A_39 = tpu.memref_squeeze %dma_start3A_38 : memref<1x128xi32, #tpu.memory_space<vmem>> -> memref<128xi32, #tpu.memory_space<vmem>>
          %dma_start3A_40 = arith.constant 0 : i32
          %dma_start3A_41 = arith.constant 0 : i32
          %dma_start3A_42 = tpu.memref_slice %arg7[%dma_start3A_40, %dma_start3A_41] : memref<12288x128xf32, #tpu.memory_space<vmem_shared>> -> memref<12288x128xf32, #tpu.memory_space<vmem_shared>>
          tpu.enqueue_indirect_dma source(%arg10 : memref<128x128xf32, #tpu.memory_space<vmem>>) target(%dma_start3A_42 : memref<12288x128xf32, #tpu.memory_space<vmem_shared>>) offsets(%dma_start3A_39 : memref<128xi32, #tpu.memory_space<vmem>>) semaphore(%run_scoped3A : memref<!tpu.dma_semaphore, #tpu.memory_space<semaphore_mem>>) {add = true}
          %dma_wait3A_43 = arith.constant 0 : i32
          %dma_wait3A_44 = tpu.memref_slice %arg9[%scan3A_26, %dma_wait3A_43] : memref<16x128xi32, #tpu.memory_space<vmem>> -> memref<1x128xi32, #tpu.memory_space<vmem>>
          %dma_wait3A_45 = tpu.memref_squeeze %dma_wait3A_44 : memref<1x128xi32, #tpu.memory_space<vmem>> -> memref<128xi32, #tpu.memory_space<vmem>>
          %dma_wait3A_46 = arith.constant 0 : i32
          %dma_wait3A_47 = arith.constant 0 : i32
          %dma_wait3A_48 = tpu.memref_slice %arg7[%dma_wait3A_46, %dma_wait3A_47] : memref<12288x128xf32, #tpu.memory_space<vmem_shared>> -> memref<12288x128xf32, #tpu.memory_space<vmem_shared>>
          tpu.wait_indirect_dma semaphore(%run_scoped3A : memref<!tpu.dma_semaphore, #tpu.memory_space<semaphore_mem>>) src(%arg10 : memref<128x128xf32, #tpu.memory_space<vmem>>) dst(%dma_wait3A_48 : memref<12288x128xf32, #tpu.memory_space<vmem_shared>>)
          tpu.yield
        }) : () -> ()
      }
      %scan3A_25 = arith.constant 16 : i32
    }
    %scan3A_13 = arith.constant 5 : i32
    %barrier3A_14 = arith.constant 0 : index
    tpu.barrier barrier_id(%barrier3A_14)
    "tpu.region"() ({
      %run_scoped3A = tpu.sem_alloc : memref<!tpu.dma_semaphore, #tpu.memory_space<semaphore_mem>>
      %dma_start3A = arith.constant 0 : i32
      %dma_start3A_15 = tpu.memref_slice %arg6[%arg0, %mul3A_2, %dma_start3A] : memref<2x12288x128xf32, #tpu.memory_space<hbm>> -> memref<1x768x128xf32, #tpu.memory_space<hbm>>
      %dma_start3A_16 = tpu.memref_squeeze %dma_start3A_15 : memref<1x768x128xf32, #tpu.memory_space<hbm>> -> memref<768x128xf32, #tpu.memory_space<hbm>>
      %dma_start3A_17 = arith.constant 0 : i32
      %dma_start3A_18 = tpu.memref_slice %arg7[%mul3A_2, %dma_start3A_17] : memref<12288x128xf32, #tpu.memory_space<vmem_shared>> -> memref<768x128xf32, #tpu.memory_space<vmem_shared>>
      tpu.enqueue_dma source(%dma_start3A_18 : memref<768x128xf32, #tpu.memory_space<vmem_shared>>) target(%dma_start3A_16 : memref<768x128xf32, #tpu.memory_space<hbm>>) target_semaphore(%run_scoped3A : memref<!tpu.dma_semaphore, #tpu.memory_space<semaphore_mem>>)
      %dma_wait3A = arith.constant 0 : i32
      %dma_wait3A_19 = tpu.memref_slice %arg6[%arg0, %mul3A_2, %dma_wait3A] : memref<2x12288x128xf32, #tpu.memory_space<hbm>> -> memref<1x768x128xf32, #tpu.memory_space<hbm>>
      %dma_wait3A_20 = tpu.memref_squeeze %dma_wait3A_19 : memref<1x768x128xf32, #tpu.memory_space<hbm>> -> memref<768x128xf32, #tpu.memory_space<hbm>>
      %dma_wait3A_21 = arith.constant 0 : i32
      %dma_wait3A_22 = tpu.memref_slice %arg7[%mul3A_2, %dma_wait3A_21] : memref<12288x128xf32, #tpu.memory_space<vmem_shared>> -> memref<768x128xf32, #tpu.memory_space<vmem_shared>>
      tpu.wait_dma2 semaphore(%run_scoped3A : memref<!tpu.dma_semaphore, #tpu.memory_space<semaphore_mem>>) src(%dma_wait3A_22 : memref<768x128xf32, #tpu.memory_space<vmem_shared>>) dst(%dma_wait3A_20 : memref<768x128xf32, #tpu.memory_space<hbm>>)
      tpu.yield
    }) : () -> ()
    return
  }
}

#map = affine_map<(d0, d1) -> (0, 0)>
#map1 = affine_map<(d0, d1) -> (0, 0, 0)>
module attributes {stable_mosaic.version = 14 : i64} {
  func.func @msg_kernel(%arg0: i32, %arg1: i32, %arg2: memref<12288x128xf32, #tpu.memory_space<hbm>>, %arg3: memref<32x80x128xi32, #tpu.memory_space<hbm>>, %arg4: memref<32x80x128xi32, #tpu.memory_space<hbm>>, %arg5: memref<12288x128xf32, #tpu.memory_space<hbm>>, %arg6: memref<2x12288x128xf32, #tpu.memory_space<hbm>>, %arg7: memref<12288x128xf32, #tpu.memory_space<vmem_shared>>, %arg8: memref<16x128xi32, #tpu.memory_space<vmem>>, %arg9: memref<16x128xi32, #tpu.memory_space<vmem>>, %arg10: memref<128x128xf32, #tpu.memory_space<vmem>>, %arg11: memref<!tpu.dma_semaphore, #tpu.memory_space<semaphore_mem>>) attributes {dimension_semantics = [#tpu.dimension_semantics<core_parallel>, #tpu.dimension_semantics<subcore_parallel>], iteration_bounds = array<i64: 2, 16>, scalar_prefetch = 0 : i64, scratch_operands = 5 : i64, tpu.core_type = #tpu.core_type<sc_vector_subcore>, window_params = [{transform_indices = #map}, {transform_indices = #map1}, {transform_indices = #map1}, {transform_indices = #map}, {transform_indices = #map1}]} {
    %mul3A = arith.constant 2 : i32
    %mul3A_0 = arith.muli %arg1, %mul3A : i32
    %add3A = arith.addi %mul3A_0, %arg0 : i32
    %mul3A_1 = arith.constant 768 : i32
    %mul3A_2 = arith.muli %arg1, %mul3A_1 : i32
    %eq3A = arith.constant 0 : i32
    %eq3A_3 = arith.cmpi eq, %arg0, %eq3A : i32
    %convert_element_type3A = arith.extui %eq3A_3 : i1 to i32
    %cond3A = arith.constant 0 : i32
    %cond3A_4 = arith.cmpi ne, %convert_element_type3A, %cond3A : i32
    scf.if %cond3A_4 {
      "tpu.region"() ({
        %run_scoped3A = tpu.sem_alloc : memref<!tpu.dma_semaphore, #tpu.memory_space<semaphore_mem>>
        %dma_start3A = arith.constant 0 : i32
        %dma_start3A_15 = tpu.memref_slice %arg7[%mul3A_2, %dma_start3A] : memref<12288x128xf32, #tpu.memory_space<vmem_shared>> -> memref<768x128xf32, #tpu.memory_space<vmem_shared>>
        %dma_start3A_16 = arith.constant 0 : i32
        %dma_start3A_17 = tpu.memref_slice %arg2[%mul3A_2, %dma_start3A_16] : memref<12288x128xf32, #tpu.memory_space<hbm>> -> memref<768x128xf32, #tpu.memory_space<hbm>>
        tpu.enqueue_dma source(%dma_start3A_17 : memref<768x128xf32, #tpu.memory_space<hbm>>) target(%dma_start3A_15 : memref<768x128xf32, #tpu.memory_space<vmem_shared>>) target_semaphore(%run_scoped3A : memref<!tpu.dma_semaphore, #tpu.memory_space<semaphore_mem>>)
        %dma_wait3A = arith.constant 0 : i32
        %dma_wait3A_18 = tpu.memref_slice %arg7[%mul3A_2, %dma_wait3A] : memref<12288x128xf32, #tpu.memory_space<vmem_shared>> -> memref<768x128xf32, #tpu.memory_space<vmem_shared>>
        %dma_wait3A_19 = arith.constant 0 : i32
        %dma_wait3A_20 = tpu.memref_slice %arg2[%mul3A_2, %dma_wait3A_19] : memref<12288x128xf32, #tpu.memory_space<hbm>> -> memref<768x128xf32, #tpu.memory_space<hbm>>
        tpu.wait_dma2 semaphore(%run_scoped3A : memref<!tpu.dma_semaphore, #tpu.memory_space<semaphore_mem>>) src(%dma_wait3A_20 : memref<768x128xf32, #tpu.memory_space<hbm>>) dst(%dma_wait3A_18 : memref<768x128xf32, #tpu.memory_space<vmem_shared>>)
        tpu.yield
      }) : () -> ()
    } else {
    }
    %ne3A = arith.constant 0 : i32
    %ne3A_5 = arith.cmpi ne, %arg0, %ne3A : i32
    %convert_element_type3A_6 = arith.extui %ne3A_5 : i1 to i32
    %cond3A_7 = arith.constant 0 : i32
    %cond3A_8 = arith.cmpi ne, %convert_element_type3A_6, %cond3A_7 : i32
    scf.if %cond3A_8 {
      "tpu.region"() ({
        %run_scoped3A = tpu.sem_alloc : memref<!tpu.dma_semaphore, #tpu.memory_space<semaphore_mem>>
        %dma_start3A = arith.constant 0 : i32
        %dma_start3A_15 = tpu.memref_slice %arg7[%mul3A_2, %dma_start3A] : memref<12288x128xf32, #tpu.memory_space<vmem_shared>> -> memref<768x128xf32, #tpu.memory_space<vmem_shared>>
        %dma_start3A_16 = arith.constant 0 : i32
        %dma_start3A_17 = tpu.memref_slice %arg5[%mul3A_2, %dma_start3A_16] : memref<12288x128xf32, #tpu.memory_space<hbm>> -> memref<768x128xf32, #tpu.memory_space<hbm>>
        tpu.enqueue_dma source(%dma_start3A_17 : memref<768x128xf32, #tpu.memory_space<hbm>>) target(%dma_start3A_15 : memref<768x128xf32, #tpu.memory_space<vmem_shared>>) target_semaphore(%run_scoped3A : memref<!tpu.dma_semaphore, #tpu.memory_space<semaphore_mem>>)
        %dma_wait3A = arith.constant 0 : i32
        %dma_wait3A_18 = tpu.memref_slice %arg7[%mul3A_2, %dma_wait3A] : memref<12288x128xf32, #tpu.memory_space<vmem_shared>> -> memref<768x128xf32, #tpu.memory_space<vmem_shared>>
        %dma_wait3A_19 = arith.constant 0 : i32
        %dma_wait3A_20 = tpu.memref_slice %arg5[%mul3A_2, %dma_wait3A_19] : memref<12288x128xf32, #tpu.memory_space<hbm>> -> memref<768x128xf32, #tpu.memory_space<hbm>>
        tpu.wait_dma2 semaphore(%run_scoped3A : memref<!tpu.dma_semaphore, #tpu.memory_space<semaphore_mem>>) src(%dma_wait3A_20 : memref<768x128xf32, #tpu.memory_space<hbm>>) dst(%dma_wait3A_18 : memref<768x128xf32, #tpu.memory_space<vmem_shared>>)
        tpu.yield
      }) : () -> ()
    } else {
    }
    %barrier3A = arith.constant 0 : index
    tpu.barrier barrier_id(%barrier3A)
    %scan3A = arith.constant 0 : i32
    %scan3A_9 = arith.constant 0 : i32
    %scan3A_10 = arith.constant 5 : i32
    %scan3A_11 = arith.addi %scan3A_9, %scan3A_10 : i32
    %scan3A_12 = arith.constant 1 : i32
    scf.for %scan3A_15 = %scan3A_9 to %scan3A_11 step %scan3A_12  : i32 {
      %mul3A_16 = arith.constant 16 : i32
      %mul3A_17 = arith.muli %scan3A_15, %mul3A_16 : i32
      "tpu.region"() ({
        %run_scoped3A = tpu.sem_alloc : memref<!tpu.dma_semaphore, #tpu.memory_space<semaphore_mem>>
        %dma_start3A = arith.constant 0 : i32
        %dma_start3A_26 = tpu.memref_slice %arg3[%add3A, %mul3A_17, %dma_start3A] : memref<32x80x128xi32, #tpu.memory_space<hbm>> -> memref<1x16x128xi32, #tpu.memory_space<hbm>>
        %dma_start3A_27 = tpu.memref_squeeze %dma_start3A_26 : memref<1x16x128xi32, #tpu.memory_space<hbm>> -> memref<16x128xi32, #tpu.memory_space<hbm>>
        %dma_start3A_28 = arith.constant 0 : i32
        %dma_start3A_29 = tpu.memref_slice %arg3[%add3A, %mul3A_17, %dma_start3A_28] : memref<32x80x128xi32, #tpu.memory_space<hbm>> -> memref<1x16x128xi32, #tpu.memory_space<hbm>>
        %dma_start3A_30 = tpu.memref_squeeze %dma_start3A_29 : memref<1x16x128xi32, #tpu.memory_space<hbm>> -> memref<16x128xi32, #tpu.memory_space<hbm>>
        tpu.enqueue_dma source(%dma_start3A_30 : memref<16x128xi32, #tpu.memory_space<hbm>>) target(%arg8 : memref<16x128xi32, #tpu.memory_space<vmem>>) target_semaphore(%run_scoped3A : memref<!tpu.dma_semaphore, #tpu.memory_space<semaphore_mem>>)
        %dma_wait3A = arith.constant 0 : i32
        %dma_wait3A_31 = tpu.memref_slice %arg3[%add3A, %mul3A_17, %dma_wait3A] : memref<32x80x128xi32, #tpu.memory_space<hbm>> -> memref<1x16x128xi32, #tpu.memory_space<hbm>>
        %dma_wait3A_32 = tpu.memref_squeeze %dma_wait3A_31 : memref<1x16x128xi32, #tpu.memory_space<hbm>> -> memref<16x128xi32, #tpu.memory_space<hbm>>
        %dma_wait3A_33 = arith.constant 0 : i32
        %dma_wait3A_34 = tpu.memref_slice %arg3[%add3A, %mul3A_17, %dma_wait3A_33] : memref<32x80x128xi32, #tpu.memory_space<hbm>> -> memref<1x16x128xi32, #tpu.memory_space<hbm>>
        %dma_wait3A_35 = tpu.memref_squeeze %dma_wait3A_34 : memref<1x16x128xi32, #tpu.memory_space<hbm>> -> memref<16x128xi32, #tpu.memory_space<hbm>>
        tpu.wait_dma2 semaphore(%run_scoped3A : memref<!tpu.dma_semaphore, #tpu.memory_space<semaphore_mem>>) src(%dma_wait3A_35 : memref<16x128xi32, #tpu.memory_space<hbm>>) dst(%arg8 : memref<16x128xi32, #tpu.memory_space<vmem>>)
        tpu.yield
      }) : () -> ()
      %mul3A_18 = arith.constant 16 : i32
      %mul3A_19 = arith.muli %scan3A_15, %mul3A_18 : i32
      "tpu.region"() ({
        %run_scoped3A = tpu.sem_alloc : memref<!tpu.dma_semaphore, #tpu.memory_space<semaphore_mem>>
        %dma_start3A = arith.constant 0 : i32
        %dma_start3A_26 = tpu.memref_slice %arg4[%add3A, %mul3A_19, %dma_start3A] : memref<32x80x128xi32, #tpu.memory_space<hbm>> -> memref<1x16x128xi32, #tpu.memory_space<hbm>>
        %dma_start3A_27 = tpu.memref_squeeze %dma_start3A_26 : memref<1x16x128xi32, #tpu.memory_space<hbm>> -> memref<16x128xi32, #tpu.memory_space<hbm>>
        %dma_start3A_28 = arith.constant 0 : i32
        %dma_start3A_29 = tpu.memref_slice %arg4[%add3A, %mul3A_19, %dma_start3A_28] : memref<32x80x128xi32, #tpu.memory_space<hbm>> -> memref<1x16x128xi32, #tpu.memory_space<hbm>>
        %dma_start3A_30 = tpu.memref_squeeze %dma_start3A_29 : memref<1x16x128xi32, #tpu.memory_space<hbm>> -> memref<16x128xi32, #tpu.memory_space<hbm>>
        tpu.enqueue_dma source(%dma_start3A_30 : memref<16x128xi32, #tpu.memory_space<hbm>>) target(%arg9 : memref<16x128xi32, #tpu.memory_space<vmem>>) target_semaphore(%run_scoped3A : memref<!tpu.dma_semaphore, #tpu.memory_space<semaphore_mem>>)
        %dma_wait3A = arith.constant 0 : i32
        %dma_wait3A_31 = tpu.memref_slice %arg4[%add3A, %mul3A_19, %dma_wait3A] : memref<32x80x128xi32, #tpu.memory_space<hbm>> -> memref<1x16x128xi32, #tpu.memory_space<hbm>>
        %dma_wait3A_32 = tpu.memref_squeeze %dma_wait3A_31 : memref<1x16x128xi32, #tpu.memory_space<hbm>> -> memref<16x128xi32, #tpu.memory_space<hbm>>
        %dma_wait3A_33 = arith.constant 0 : i32
        %dma_wait3A_34 = tpu.memref_slice %arg4[%add3A, %mul3A_19, %dma_wait3A_33] : memref<32x80x128xi32, #tpu.memory_space<hbm>> -> memref<1x16x128xi32, #tpu.memory_space<hbm>>
        %dma_wait3A_35 = tpu.memref_squeeze %dma_wait3A_34 : memref<1x16x128xi32, #tpu.memory_space<hbm>> -> memref<16x128xi32, #tpu.memory_space<hbm>>
        tpu.wait_dma2 semaphore(%run_scoped3A : memref<!tpu.dma_semaphore, #tpu.memory_space<semaphore_mem>>) src(%dma_wait3A_35 : memref<16x128xi32, #tpu.memory_space<hbm>>) dst(%arg9 : memref<16x128xi32, #tpu.memory_space<vmem>>)
        tpu.yield
      }) : () -> ()
      %scan3A_20 = arith.constant 0 : i32
      %scan3A_21 = arith.constant 0 : i32
      %scan3A_22 = arith.constant 16 : i32
      %scan3A_23 = arith.addi %scan3A_21, %scan3A_22 : i32
      %scan3A_24 = arith.constant 1 : i32
      scf.for %scan3A_26 = %scan3A_21 to %scan3A_23 step %scan3A_24  : i32 {
        %dma_start3A = arith.constant 0 : i32
        %dma_start3A_27 = tpu.memref_slice %arg8[%scan3A_26, %dma_start3A] : memref<16x128xi32, #tpu.memory_space<vmem>> -> memref<1x128xi32, #tpu.memory_space<vmem>>
        %dma_start3A_28 = tpu.memref_squeeze %dma_start3A_27 : memref<1x128xi32, #tpu.memory_space<vmem>> -> memref<128xi32, #tpu.memory_space<vmem>>
        %dma_start3A_29 = arith.constant 0 : i32
        %dma_start3A_30 = arith.constant 0 : i32
        %dma_start3A_31 = tpu.memref_slice %arg2[%dma_start3A_29, %dma_start3A_30] : memref<12288x128xf32, #tpu.memory_space<hbm>> -> memref<12288x128xf32, #tpu.memory_space<hbm>>
        tpu.enqueue_indirect_dma source(%dma_start3A_31 : memref<12288x128xf32, #tpu.memory_space<hbm>>) target(%arg10 : memref<128x128xf32, #tpu.memory_space<vmem>>) offsets(%dma_start3A_28 : memref<128xi32, #tpu.memory_space<vmem>>) semaphore(%arg11 : memref<!tpu.dma_semaphore, #tpu.memory_space<semaphore_mem>>)
        %dma_wait3A = arith.constant 0 : i32
        %dma_wait3A_32 = tpu.memref_slice %arg8[%scan3A_26, %dma_wait3A] : memref<16x128xi32, #tpu.memory_space<vmem>> -> memref<1x128xi32, #tpu.memory_space<vmem>>
        %dma_wait3A_33 = tpu.memref_squeeze %dma_wait3A_32 : memref<1x128xi32, #tpu.memory_space<vmem>> -> memref<128xi32, #tpu.memory_space<vmem>>
        %dma_wait3A_34 = arith.constant 0 : i32
        %dma_wait3A_35 = arith.constant 0 : i32
        %dma_wait3A_36 = tpu.memref_slice %arg2[%dma_wait3A_34, %dma_wait3A_35] : memref<12288x128xf32, #tpu.memory_space<hbm>> -> memref<12288x128xf32, #tpu.memory_space<hbm>>
        tpu.wait_indirect_dma semaphore(%arg11 : memref<!tpu.dma_semaphore, #tpu.memory_space<semaphore_mem>>) src(%dma_wait3A_36 : memref<12288x128xf32, #tpu.memory_space<hbm>>) dst(%arg10 : memref<128x128xf32, #tpu.memory_space<vmem>>)
        "tpu.region"() ({
          %run_scoped3A = tpu.sem_alloc : memref<!tpu.dma_semaphore, #tpu.memory_space<semaphore_mem>>
          %dma_start3A_37 = arith.constant 0 : i32
          %dma_start3A_38 = tpu.memref_slice %arg9[%scan3A_26, %dma_start3A_37] : memref<16x128xi32, #tpu.memory_space<vmem>> -> memref<1x128xi32, #tpu.memory_space<vmem>>
          %dma_start3A_39 = tpu.memref_squeeze %dma_start3A_38 : memref<1x128xi32, #tpu.memory_space<vmem>> -> memref<128xi32, #tpu.memory_space<vmem>>
          %dma_start3A_40 = arith.constant 0 : i32
          %dma_start3A_41 = arith.constant 0 : i32
          %dma_start3A_42 = tpu.memref_slice %arg7[%dma_start3A_40, %dma_start3A_41] : memref<12288x128xf32, #tpu.memory_space<vmem_shared>> -> memref<12288x128xf32, #tpu.memory_space<vmem_shared>>
          tpu.enqueue_indirect_dma source(%arg10 : memref<128x128xf32, #tpu.memory_space<vmem>>) target(%dma_start3A_42 : memref<12288x128xf32, #tpu.memory_space<vmem_shared>>) offsets(%dma_start3A_39 : memref<128xi32, #tpu.memory_space<vmem>>) semaphore(%run_scoped3A : memref<!tpu.dma_semaphore, #tpu.memory_space<semaphore_mem>>) {add = true}
          %dma_wait3A_43 = arith.constant 0 : i32
          %dma_wait3A_44 = tpu.memref_slice %arg9[%scan3A_26, %dma_wait3A_43] : memref<16x128xi32, #tpu.memory_space<vmem>> -> memref<1x128xi32, #tpu.memory_space<vmem>>
          %dma_wait3A_45 = tpu.memref_squeeze %dma_wait3A_44 : memref<1x128xi32, #tpu.memory_space<vmem>> -> memref<128xi32, #tpu.memory_space<vmem>>
          %dma_wait3A_46 = arith.constant 0 : i32
          %dma_wait3A_47 = arith.constant 0 : i32
          %dma_wait3A_48 = tpu.memref_slice %arg7[%dma_wait3A_46, %dma_wait3A_47] : memref<12288x128xf32, #tpu.memory_space<vmem_shared>> -> memref<12288x128xf32, #tpu.memory_space<vmem_shared>>
          tpu.wait_indirect_dma semaphore(%run_scoped3A : memref<!tpu.dma_semaphore, #tpu.memory_space<semaphore_mem>>) src(%arg10 : memref<128x128xf32, #tpu.memory_space<vmem>>) dst(%dma_wait3A_48 : memref<12288x128xf32, #tpu.memory_space<vmem_shared>>)
          tpu.yield
        }) : () -> ()
      }
      %scan3A_25 = arith.constant 16 : i32
    }
    %scan3A_13 = arith.constant 5 : i32
    %barrier3A_14 = arith.constant 0 : index
    tpu.barrier barrier_id(%barrier3A_14)
    "tpu.region"() ({
      %run_scoped3A = tpu.sem_alloc : memref<!tpu.dma_semaphore, #tpu.memory_space<semaphore_mem>>
      %dma_start3A = arith.constant 0 : i32
      %dma_start3A_15 = tpu.memref_slice %arg6[%arg0, %mul3A_2, %dma_start3A] : memref<2x12288x128xf32, #tpu.memory_space<hbm>> -> memref<1x768x128xf32, #tpu.memory_space<hbm>>
      %dma_start3A_16 = tpu.memref_squeeze %dma_start3A_15 : memref<1x768x128xf32, #tpu.memory_space<hbm>> -> memref<768x128xf32, #tpu.memory_space<hbm>>
      %dma_start3A_17 = arith.constant 0 : i32
      %dma_start3A_18 = tpu.memref_slice %arg7[%mul3A_2, %dma_start3A_17] : memref<12288x128xf32, #tpu.memory_space<vmem_shared>> -> memref<768x128xf32, #tpu.memory_space<vmem_shared>>
      tpu.enqueue_dma source(%dma_start3A_18 : memref<768x128xf32, #tpu.memory_space<vmem_shared>>) target(%dma_start3A_16 : memref<768x128xf32, #tpu.memory_space<hbm>>) target_semaphore(%run_scoped3A : memref<!tpu.dma_semaphore, #tpu.memory_space<semaphore_mem>>)
      %dma_wait3A = arith.constant 0 : i32
      %dma_wait3A_19 = tpu.memref_slice %arg6[%arg0, %mul3A_2, %dma_wait3A] : memref<2x12288x128xf32, #tpu.memory_space<hbm>> -> memref<1x768x128xf32, #tpu.memory_space<hbm>>
      %dma_wait3A_20 = tpu.memref_squeeze %dma_wait3A_19 : memref<1x768x128xf32, #tpu.memory_space<hbm>> -> memref<768x128xf32, #tpu.memory_space<hbm>>
      %dma_wait3A_21 = arith.constant 0 : i32
      %dma_wait3A_22 = tpu.memref_slice %arg7[%mul3A_2, %dma_wait3A_21] : memref<12288x128xf32, #tpu.memory_space<vmem_shared>> -> memref<768x128xf32, #tpu.memory_space<vmem_shared>>
      tpu.wait_dma2 semaphore(%run_scoped3A : memref<!tpu.dma_semaphore, #tpu.memory_space<semaphore_mem>>) src(%dma_wait3A_22 : memref<768x128xf32, #tpu.memory_space<vmem_shared>>) dst(%dma_wait3A_20 : memref<768x128xf32, #tpu.memory_space<hbm>>)
      tpu.yield
    }) : () -> ()
    return
  }
}

#map = affine_map<(d0, d1) -> (0, 0, 0)>
#map1 = affine_map<(d0, d1) -> (0)>
#map2 = affine_map<(d0, d1) -> (0, 0)>
module attributes {stable_mosaic.version = 14 : i64} {
  func.func @deg_kernel(%arg0: i32, %arg1: i32, %arg2: memref<32x80x128xi32, #tpu.memory_space<hbm>>, %arg3: memref<128xf32, #tpu.memory_space<hbm>>, %arg4: memref<12288xf32, #tpu.memory_space<hbm>>, %arg5: memref<2x12288xf32, #tpu.memory_space<hbm>>, %arg6: memref<12288xf32, #tpu.memory_space<vmem_shared>>, %arg7: memref<80x128xi32, #tpu.memory_space<vmem>>, %arg8: memref<128xf32, #tpu.memory_space<vmem>>, %arg9: memref<!tpu.dma_semaphore, #tpu.memory_space<semaphore_mem>>) attributes {dimension_semantics = [#tpu.dimension_semantics<core_parallel>, #tpu.dimension_semantics<subcore_parallel>], iteration_bounds = array<i64: 2, 16>, scalar_prefetch = 0 : i64, scratch_operands = 4 : i64, tpu.core_type = #tpu.core_type<sc_vector_subcore>, window_params = [{transform_indices = #map}, {transform_indices = #map1}, {transform_indices = #map1}, {transform_indices = #map2}]} {
    %mul3A = arith.constant 2 : i32
    %mul3A_0 = arith.muli %arg1, %mul3A : i32
    %add3A = arith.addi %mul3A_0, %arg0 : i32
    %mul3A_1 = arith.constant 768 : i32
    %mul3A_2 = arith.muli %arg1, %mul3A_1 : i32
    "tpu.region"() ({
      %run_scoped3A = tpu.sem_alloc : memref<!tpu.dma_semaphore, #tpu.memory_space<semaphore_mem>>
      %dma_start3A = tpu.memref_slice %arg6[%mul3A_2] : memref<12288xf32, #tpu.memory_space<vmem_shared>> -> memref<768xf32, #tpu.memory_space<vmem_shared>>
      %dma_start3A_9 = tpu.memref_slice %arg4[%mul3A_2] : memref<12288xf32, #tpu.memory_space<hbm>> -> memref<768xf32, #tpu.memory_space<hbm>>
      tpu.enqueue_dma source(%dma_start3A_9 : memref<768xf32, #tpu.memory_space<hbm>>) target(%dma_start3A : memref<768xf32, #tpu.memory_space<vmem_shared>>) target_semaphore(%run_scoped3A : memref<!tpu.dma_semaphore, #tpu.memory_space<semaphore_mem>>)
      %dma_wait3A = tpu.memref_slice %arg6[%mul3A_2] : memref<12288xf32, #tpu.memory_space<vmem_shared>> -> memref<768xf32, #tpu.memory_space<vmem_shared>>
      %dma_wait3A_10 = tpu.memref_slice %arg4[%mul3A_2] : memref<12288xf32, #tpu.memory_space<hbm>> -> memref<768xf32, #tpu.memory_space<hbm>>
      tpu.wait_dma2 semaphore(%run_scoped3A : memref<!tpu.dma_semaphore, #tpu.memory_space<semaphore_mem>>) src(%dma_wait3A_10 : memref<768xf32, #tpu.memory_space<hbm>>) dst(%dma_wait3A : memref<768xf32, #tpu.memory_space<vmem_shared>>)
      tpu.yield
    }) : () -> ()
    "tpu.region"() ({
      %run_scoped3A = tpu.sem_alloc : memref<!tpu.dma_semaphore, #tpu.memory_space<semaphore_mem>>
      tpu.enqueue_dma source(%arg3 : memref<128xf32, #tpu.memory_space<hbm>>) target(%arg8 : memref<128xf32, #tpu.memory_space<vmem>>) target_semaphore(%run_scoped3A : memref<!tpu.dma_semaphore, #tpu.memory_space<semaphore_mem>>)
      tpu.wait_dma2 semaphore(%run_scoped3A : memref<!tpu.dma_semaphore, #tpu.memory_space<semaphore_mem>>) src(%arg3 : memref<128xf32, #tpu.memory_space<hbm>>) dst(%arg8 : memref<128xf32, #tpu.memory_space<vmem>>)
      tpu.yield
    }) : () -> ()
    "tpu.region"() ({
      %run_scoped3A = tpu.sem_alloc : memref<!tpu.dma_semaphore, #tpu.memory_space<semaphore_mem>>
      %dma_start3A = arith.constant 0 : i32
      %dma_start3A_9 = arith.constant 0 : i32
      %dma_start3A_10 = tpu.memref_slice %arg2[%add3A, %dma_start3A, %dma_start3A_9] : memref<32x80x128xi32, #tpu.memory_space<hbm>> -> memref<1x80x128xi32, #tpu.memory_space<hbm>>
      %dma_start3A_11 = tpu.memref_squeeze %dma_start3A_10 : memref<1x80x128xi32, #tpu.memory_space<hbm>> -> memref<80x128xi32, #tpu.memory_space<hbm>>
      %dma_start3A_12 = arith.constant 0 : i32
      %dma_start3A_13 = arith.constant 0 : i32
      %dma_start3A_14 = tpu.memref_slice %arg2[%add3A, %dma_start3A_12, %dma_start3A_13] : memref<32x80x128xi32, #tpu.memory_space<hbm>> -> memref<1x80x128xi32, #tpu.memory_space<hbm>>
      %dma_start3A_15 = tpu.memref_squeeze %dma_start3A_14 : memref<1x80x128xi32, #tpu.memory_space<hbm>> -> memref<80x128xi32, #tpu.memory_space<hbm>>
      tpu.enqueue_dma source(%dma_start3A_15 : memref<80x128xi32, #tpu.memory_space<hbm>>) target(%arg7 : memref<80x128xi32, #tpu.memory_space<vmem>>) target_semaphore(%run_scoped3A : memref<!tpu.dma_semaphore, #tpu.memory_space<semaphore_mem>>)
      %dma_wait3A = arith.constant 0 : i32
      %dma_wait3A_16 = arith.constant 0 : i32
      %dma_wait3A_17 = tpu.memref_slice %arg2[%add3A, %dma_wait3A, %dma_wait3A_16] : memref<32x80x128xi32, #tpu.memory_space<hbm>> -> memref<1x80x128xi32, #tpu.memory_space<hbm>>
      %dma_wait3A_18 = tpu.memref_squeeze %dma_wait3A_17 : memref<1x80x128xi32, #tpu.memory_space<hbm>> -> memref<80x128xi32, #tpu.memory_space<hbm>>
      %dma_wait3A_19 = arith.constant 0 : i32
      %dma_wait3A_20 = arith.constant 0 : i32
      %dma_wait3A_21 = tpu.memref_slice %arg2[%add3A, %dma_wait3A_19, %dma_wait3A_20] : memref<32x80x128xi32, #tpu.memory_space<hbm>> -> memref<1x80x128xi32, #tpu.memory_space<hbm>>
      %dma_wait3A_22 = tpu.memref_squeeze %dma_wait3A_21 : memref<1x80x128xi32, #tpu.memory_space<hbm>> -> memref<80x128xi32, #tpu.memory_space<hbm>>
      tpu.wait_dma2 semaphore(%run_scoped3A : memref<!tpu.dma_semaphore, #tpu.memory_space<semaphore_mem>>) src(%dma_wait3A_22 : memref<80x128xi32, #tpu.memory_space<hbm>>) dst(%arg7 : memref<80x128xi32, #tpu.memory_space<vmem>>)
      tpu.yield
    }) : () -> ()
    %barrier3A = arith.constant 0 : index
    tpu.barrier barrier_id(%barrier3A)
    %scan3A = arith.constant 0 : i32
    %scan3A_3 = arith.constant 0 : i32
    %scan3A_4 = arith.constant 80 : i32
    %scan3A_5 = arith.addi %scan3A_3, %scan3A_4 : i32
    %scan3A_6 = arith.constant 1 : i32
    scf.for %scan3A_9 = %scan3A_3 to %scan3A_5 step %scan3A_6  : i32 {
      "tpu.region"() ({
        %run_scoped3A = tpu.sem_alloc : memref<!tpu.dma_semaphore, #tpu.memory_space<semaphore_mem>>
        %dma_start3A = arith.constant 0 : i32
        %dma_start3A_10 = tpu.memref_slice %arg7[%scan3A_9, %dma_start3A] : memref<80x128xi32, #tpu.memory_space<vmem>> -> memref<1x128xi32, #tpu.memory_space<vmem>>
        %dma_start3A_11 = tpu.memref_squeeze %dma_start3A_10 : memref<1x128xi32, #tpu.memory_space<vmem>> -> memref<128xi32, #tpu.memory_space<vmem>>
        %dma_start3A_12 = arith.constant 0 : i32
        %dma_start3A_13 = tpu.memref_slice %arg6[%dma_start3A_12] : memref<12288xf32, #tpu.memory_space<vmem_shared>> -> memref<12288xf32, #tpu.memory_space<vmem_shared>>
        tpu.enqueue_indirect_dma source(%arg8 : memref<128xf32, #tpu.memory_space<vmem>>) target(%dma_start3A_13 : memref<12288xf32, #tpu.memory_space<vmem_shared>>) offsets(%dma_start3A_11 : memref<128xi32, #tpu.memory_space<vmem>>) semaphore(%run_scoped3A : memref<!tpu.dma_semaphore, #tpu.memory_space<semaphore_mem>>) {add = true}
        %dma_wait3A = arith.constant 0 : i32
        %dma_wait3A_14 = tpu.memref_slice %arg7[%scan3A_9, %dma_wait3A] : memref<80x128xi32, #tpu.memory_space<vmem>> -> memref<1x128xi32, #tpu.memory_space<vmem>>
        %dma_wait3A_15 = tpu.memref_squeeze %dma_wait3A_14 : memref<1x128xi32, #tpu.memory_space<vmem>> -> memref<128xi32, #tpu.memory_space<vmem>>
        %dma_wait3A_16 = arith.constant 0 : i32
        %dma_wait3A_17 = tpu.memref_slice %arg6[%dma_wait3A_16] : memref<12288xf32, #tpu.memory_space<vmem_shared>> -> memref<12288xf32, #tpu.memory_space<vmem_shared>>
        tpu.wait_indirect_dma semaphore(%run_scoped3A : memref<!tpu.dma_semaphore, #tpu.memory_space<semaphore_mem>>) src(%arg8 : memref<128xf32, #tpu.memory_space<vmem>>) dst(%dma_wait3A_17 : memref<12288xf32, #tpu.memory_space<vmem_shared>>)
        tpu.yield
      }) : () -> ()
    }
    %scan3A_7 = arith.constant 80 : i32
    %barrier3A_8 = arith.constant 0 : index
    tpu.barrier barrier_id(%barrier3A_8)
    "tpu.region"() ({
      %run_scoped3A = tpu.sem_alloc : memref<!tpu.dma_semaphore, #tpu.memory_space<semaphore_mem>>
      %dma_start3A = tpu.memref_slice %arg5[%arg0, %mul3A_2] : memref<2x12288xf32, #tpu.memory_space<hbm>> -> memref<1x768xf32, #tpu.memory_space<hbm>>
      %dma_start3A_9 = tpu.memref_squeeze %dma_start3A : memref<1x768xf32, #tpu.memory_space<hbm>> -> memref<768xf32, #tpu.memory_space<hbm>>
      %dma_start3A_10 = tpu.memref_slice %arg6[%mul3A_2] : memref<12288xf32, #tpu.memory_space<vmem_shared>> -> memref<768xf32, #tpu.memory_space<vmem_shared>>
      tpu.enqueue_dma source(%dma_start3A_10 : memref<768xf32, #tpu.memory_space<vmem_shared>>) target(%dma_start3A_9 : memref<768xf32, #tpu.memory_space<hbm>>) target_semaphore(%run_scoped3A : memref<!tpu.dma_semaphore, #tpu.memory_space<semaphore_mem>>)
      %dma_wait3A = tpu.memref_slice %arg5[%arg0, %mul3A_2] : memref<2x12288xf32, #tpu.memory_space<hbm>> -> memref<1x768xf32, #tpu.memory_space<hbm>>
      %dma_wait3A_11 = tpu.memref_squeeze %dma_wait3A : memref<1x768xf32, #tpu.memory_space<hbm>> -> memref<768xf32, #tpu.memory_space<hbm>>
      %dma_wait3A_12 = tpu.memref_slice %arg6[%mul3A_2] : memref<12288xf32, #tpu.memory_space<vmem_shared>> -> memref<768xf32, #tpu.memory_space<vmem_shared>>
      tpu.wait_dma2 semaphore(%run_scoped3A : memref<!tpu.dma_semaphore, #tpu.memory_space<semaphore_mem>>) src(%dma_wait3A_12 : memref<768xf32, #tpu.memory_space<vmem_shared>>) dst(%dma_wait3A_11 : memref<768xf32, #tpu.memory_space<hbm>>)
      tpu.yield
    }) : () -> ()
    return
  }
}

#map = affine_map<(d0, d1) -> (0, 0)>
#map1 = affine_map<(d0, d1) -> (0, 0, 0)>
module attributes {stable_mosaic.version = 14 : i64} {
  func.func @pool_kernel(%arg0: i32, %arg1: i32, %arg2: memref<12288x128xf32, #tpu.memory_space<hbm>>, %arg3: memref<32x3x128xi32, #tpu.memory_space<hbm>>, %arg4: memref<128x128xf32, #tpu.memory_space<hbm>>, %arg5: memref<12288x128xf32, #tpu.memory_space<hbm>>, %arg6: memref<2x72x128xf32, #tpu.memory_space<hbm>>, %arg7: memref<2x72x128xf32, #tpu.memory_space<hbm>>, %arg8: memref<72x128xf32, #tpu.memory_space<vmem_shared>>, %arg9: memref<72x128xf32, #tpu.memory_space<vmem_shared>>, %arg10: memref<3x128xi32, #tpu.memory_space<vmem>>, %arg11: memref<128x128xf32, #tpu.memory_space<vmem>>, %arg12: memref<128x128xf32, #tpu.memory_space<vmem>>, %arg13: memref<!tpu.dma_semaphore, #tpu.memory_space<semaphore_mem>>) attributes {dimension_semantics = [#tpu.dimension_semantics<core_parallel>, #tpu.dimension_semantics<subcore_parallel>], iteration_bounds = array<i64: 2, 16>, scalar_prefetch = 0 : i64, scratch_operands = 6 : i64, tpu.core_type = #tpu.core_type<sc_vector_subcore>, window_params = [{transform_indices = #map}, {transform_indices = #map1}, {transform_indices = #map}, {transform_indices = #map}, {transform_indices = #map1}, {transform_indices = #map1}]} {
    %mul3A = arith.constant 2 : i32
    %mul3A_0 = arith.muli %arg1, %mul3A : i32
    %add3A = arith.addi %mul3A_0, %arg0 : i32
    %eq3A = arith.constant 0 : i32
    %eq3A_1 = arith.cmpi eq, %arg1, %eq3A : i32
    %convert_element_type3A = arith.extui %eq3A_1 : i1 to i32
    %cond3A = arith.constant 0 : i32
    %cond3A_2 = arith.cmpi ne, %convert_element_type3A, %cond3A : i32
    scf.if %cond3A_2 {
      "tpu.region"() ({
        %run_scoped3A = tpu.sem_alloc : memref<!tpu.dma_semaphore, #tpu.memory_space<semaphore_mem>>
        %dma_start3A = arith.constant 0 : i32
        %dma_start3A_14 = arith.constant 0 : i32
        %dma_start3A_15 = tpu.memref_slice %arg5[%dma_start3A, %dma_start3A_14] : memref<12288x128xf32, #tpu.memory_space<hbm>> -> memref<72x128xf32, #tpu.memory_space<hbm>>
        tpu.enqueue_dma source(%dma_start3A_15 : memref<72x128xf32, #tpu.memory_space<hbm>>) target(%arg8 : memref<72x128xf32, #tpu.memory_space<vmem_shared>>) target_semaphore(%run_scoped3A : memref<!tpu.dma_semaphore, #tpu.memory_space<semaphore_mem>>)
        %dma_wait3A = arith.constant 0 : i32
        %dma_wait3A_16 = arith.constant 0 : i32
        %dma_wait3A_17 = tpu.memref_slice %arg5[%dma_wait3A, %dma_wait3A_16] : memref<12288x128xf32, #tpu.memory_space<hbm>> -> memref<72x128xf32, #tpu.memory_space<hbm>>
        tpu.wait_dma2 semaphore(%run_scoped3A : memref<!tpu.dma_semaphore, #tpu.memory_space<semaphore_mem>>) src(%dma_wait3A_17 : memref<72x128xf32, #tpu.memory_space<hbm>>) dst(%arg8 : memref<72x128xf32, #tpu.memory_space<vmem_shared>>)
        tpu.yield
      }) : () -> ()
      "tpu.region"() ({
        %run_scoped3A = tpu.sem_alloc : memref<!tpu.dma_semaphore, #tpu.memory_space<semaphore_mem>>
        %dma_start3A = arith.constant 0 : i32
        %dma_start3A_14 = arith.constant 0 : i32
        %dma_start3A_15 = tpu.memref_slice %arg5[%dma_start3A, %dma_start3A_14] : memref<12288x128xf32, #tpu.memory_space<hbm>> -> memref<72x128xf32, #tpu.memory_space<hbm>>
        tpu.enqueue_dma source(%dma_start3A_15 : memref<72x128xf32, #tpu.memory_space<hbm>>) target(%arg9 : memref<72x128xf32, #tpu.memory_space<vmem_shared>>) target_semaphore(%run_scoped3A : memref<!tpu.dma_semaphore, #tpu.memory_space<semaphore_mem>>)
        %dma_wait3A = arith.constant 0 : i32
        %dma_wait3A_16 = arith.constant 0 : i32
        %dma_wait3A_17 = tpu.memref_slice %arg5[%dma_wait3A, %dma_wait3A_16] : memref<12288x128xf32, #tpu.memory_space<hbm>> -> memref<72x128xf32, #tpu.memory_space<hbm>>
        tpu.wait_dma2 semaphore(%run_scoped3A : memref<!tpu.dma_semaphore, #tpu.memory_space<semaphore_mem>>) src(%dma_wait3A_17 : memref<72x128xf32, #tpu.memory_space<hbm>>) dst(%arg9 : memref<72x128xf32, #tpu.memory_space<vmem_shared>>)
        tpu.yield
      }) : () -> ()
    } else {
    }
    "tpu.region"() ({
      %run_scoped3A = tpu.sem_alloc : memref<!tpu.dma_semaphore, #tpu.memory_space<semaphore_mem>>
      tpu.enqueue_dma source(%arg4 : memref<128x128xf32, #tpu.memory_space<hbm>>) target(%arg12 : memref<128x128xf32, #tpu.memory_space<vmem>>) target_semaphore(%run_scoped3A : memref<!tpu.dma_semaphore, #tpu.memory_space<semaphore_mem>>)
      tpu.wait_dma2 semaphore(%run_scoped3A : memref<!tpu.dma_semaphore, #tpu.memory_space<semaphore_mem>>) src(%arg4 : memref<128x128xf32, #tpu.memory_space<hbm>>) dst(%arg12 : memref<128x128xf32, #tpu.memory_space<vmem>>)
      tpu.yield
    }) : () -> ()
    "tpu.region"() ({
      %run_scoped3A = tpu.sem_alloc : memref<!tpu.dma_semaphore, #tpu.memory_space<semaphore_mem>>
      %dma_start3A = arith.constant 0 : i32
      %dma_start3A_14 = arith.constant 0 : i32
      %dma_start3A_15 = tpu.memref_slice %arg3[%add3A, %dma_start3A, %dma_start3A_14] : memref<32x3x128xi32, #tpu.memory_space<hbm>> -> memref<1x3x128xi32, #tpu.memory_space<hbm>>
      %dma_start3A_16 = tpu.memref_squeeze %dma_start3A_15 : memref<1x3x128xi32, #tpu.memory_space<hbm>> -> memref<3x128xi32, #tpu.memory_space<hbm>>
      %dma_start3A_17 = arith.constant 0 : i32
      %dma_start3A_18 = arith.constant 0 : i32
      %dma_start3A_19 = tpu.memref_slice %arg3[%add3A, %dma_start3A_17, %dma_start3A_18] : memref<32x3x128xi32, #tpu.memory_space<hbm>> -> memref<1x3x128xi32, #tpu.memory_space<hbm>>
      %dma_start3A_20 = tpu.memref_squeeze %dma_start3A_19 : memref<1x3x128xi32, #tpu.memory_space<hbm>> -> memref<3x128xi32, #tpu.memory_space<hbm>>
      tpu.enqueue_dma source(%dma_start3A_20 : memref<3x128xi32, #tpu.memory_space<hbm>>) target(%arg10 : memref<3x128xi32, #tpu.memory_space<vmem>>) target_semaphore(%run_scoped3A : memref<!tpu.dma_semaphore, #tpu.memory_space<semaphore_mem>>)
      %dma_wait3A = arith.constant 0 : i32
      %dma_wait3A_21 = arith.constant 0 : i32
      %dma_wait3A_22 = tpu.memref_slice %arg3[%add3A, %dma_wait3A, %dma_wait3A_21] : memref<32x3x128xi32, #tpu.memory_space<hbm>> -> memref<1x3x128xi32, #tpu.memory_space<hbm>>
      %dma_wait3A_23 = tpu.memref_squeeze %dma_wait3A_22 : memref<1x3x128xi32, #tpu.memory_space<hbm>> -> memref<3x128xi32, #tpu.memory_space<hbm>>
      %dma_wait3A_24 = arith.constant 0 : i32
      %dma_wait3A_25 = arith.constant 0 : i32
      %dma_wait3A_26 = tpu.memref_slice %arg3[%add3A, %dma_wait3A_24, %dma_wait3A_25] : memref<32x3x128xi32, #tpu.memory_space<hbm>> -> memref<1x3x128xi32, #tpu.memory_space<hbm>>
      %dma_wait3A_27 = tpu.memref_squeeze %dma_wait3A_26 : memref<1x3x128xi32, #tpu.memory_space<hbm>> -> memref<3x128xi32, #tpu.memory_space<hbm>>
      tpu.wait_dma2 semaphore(%run_scoped3A : memref<!tpu.dma_semaphore, #tpu.memory_space<semaphore_mem>>) src(%dma_wait3A_27 : memref<3x128xi32, #tpu.memory_space<hbm>>) dst(%arg10 : memref<3x128xi32, #tpu.memory_space<vmem>>)
      tpu.yield
    }) : () -> ()
    %barrier3A = arith.constant 0 : index
    tpu.barrier barrier_id(%barrier3A)
    %scan3A = arith.constant 0 : i32
    %scan3A_3 = arith.constant 0 : i32
    %scan3A_4 = arith.constant 3 : i32
    %scan3A_5 = arith.addi %scan3A_3, %scan3A_4 : i32
    %scan3A_6 = arith.constant 1 : i32
    scf.for %scan3A_14 = %scan3A_3 to %scan3A_5 step %scan3A_6  : i32 {
      %mul3A_15 = arith.constant 384 : i32
      %mul3A_16 = arith.muli %add3A, %mul3A_15 : i32
      %mul3A_17 = arith.constant 128 : i32
      %mul3A_18 = arith.muli %scan3A_14, %mul3A_17 : i32
      %add3A_19 = arith.addi %mul3A_16, %mul3A_18 : i32
      "tpu.region"() ({
        %run_scoped3A = tpu.sem_alloc : memref<!tpu.dma_semaphore, #tpu.memory_space<semaphore_mem>>
        %dma_start3A = arith.constant 0 : i32
        %dma_start3A_20 = tpu.memref_slice %arg2[%add3A_19, %dma_start3A] : memref<12288x128xf32, #tpu.memory_space<hbm>> -> memref<128x128xf32, #tpu.memory_space<hbm>>
        %dma_start3A_21 = arith.constant 0 : i32
        %dma_start3A_22 = tpu.memref_slice %arg2[%add3A_19, %dma_start3A_21] : memref<12288x128xf32, #tpu.memory_space<hbm>> -> memref<128x128xf32, #tpu.memory_space<hbm>>
        tpu.enqueue_dma source(%dma_start3A_22 : memref<128x128xf32, #tpu.memory_space<hbm>>) target(%arg11 : memref<128x128xf32, #tpu.memory_space<vmem>>) target_semaphore(%run_scoped3A : memref<!tpu.dma_semaphore, #tpu.memory_space<semaphore_mem>>)
        %dma_wait3A = arith.constant 0 : i32
        %dma_wait3A_23 = tpu.memref_slice %arg2[%add3A_19, %dma_wait3A] : memref<12288x128xf32, #tpu.memory_space<hbm>> -> memref<128x128xf32, #tpu.memory_space<hbm>>
        %dma_wait3A_24 = arith.constant 0 : i32
        %dma_wait3A_25 = tpu.memref_slice %arg2[%add3A_19, %dma_wait3A_24] : memref<12288x128xf32, #tpu.memory_space<hbm>> -> memref<128x128xf32, #tpu.memory_space<hbm>>
        tpu.wait_dma2 semaphore(%run_scoped3A : memref<!tpu.dma_semaphore, #tpu.memory_space<semaphore_mem>>) src(%dma_wait3A_25 : memref<128x128xf32, #tpu.memory_space<hbm>>) dst(%arg11 : memref<128x128xf32, #tpu.memory_space<vmem>>)
        tpu.yield
      }) : () -> ()
      "tpu.region"() ({
        %run_scoped3A = tpu.sem_alloc : memref<!tpu.dma_semaphore, #tpu.memory_space<semaphore_mem>>
        %dma_start3A = arith.constant 0 : i32
        %dma_start3A_20 = tpu.memref_slice %arg10[%scan3A_14, %dma_start3A] : memref<3x128xi32, #tpu.memory_space<vmem>> -> memref<1x128xi32, #tpu.memory_space<vmem>>
        %dma_start3A_21 = tpu.memref_squeeze %dma_start3A_20 : memref<1x128xi32, #tpu.memory_space<vmem>> -> memref<128xi32, #tpu.memory_space<vmem>>
        %dma_start3A_22 = arith.constant 0 : i32
        %dma_start3A_23 = arith.constant 0 : i32
        %dma_start3A_24 = tpu.memref_slice %arg8[%dma_start3A_22, %dma_start3A_23] : memref<72x128xf32, #tpu.memory_space<vmem_shared>> -> memref<72x128xf32, #tpu.memory_space<vmem_shared>>
        tpu.enqueue_indirect_dma source(%arg11 : memref<128x128xf32, #tpu.memory_space<vmem>>) target(%dma_start3A_24 : memref<72x128xf32, #tpu.memory_space<vmem_shared>>) offsets(%dma_start3A_21 : memref<128xi32, #tpu.memory_space<vmem>>) semaphore(%run_scoped3A : memref<!tpu.dma_semaphore, #tpu.memory_space<semaphore_mem>>) {add = true}
        %dma_wait3A = arith.constant 0 : i32
        %dma_wait3A_25 = tpu.memref_slice %arg10[%scan3A_14, %dma_wait3A] : memref<3x128xi32, #tpu.memory_space<vmem>> -> memref<1x128xi32, #tpu.memory_space<vmem>>
        %dma_wait3A_26 = tpu.memref_squeeze %dma_wait3A_25 : memref<1x128xi32, #tpu.memory_space<vmem>> -> memref<128xi32, #tpu.memory_space<vmem>>
        %dma_wait3A_27 = arith.constant 0 : i32
        %dma_wait3A_28 = arith.constant 0 : i32
        %dma_wait3A_29 = tpu.memref_slice %arg8[%dma_wait3A_27, %dma_wait3A_28] : memref<72x128xf32, #tpu.memory_space<vmem_shared>> -> memref<72x128xf32, #tpu.memory_space<vmem_shared>>
        tpu.wait_indirect_dma semaphore(%run_scoped3A : memref<!tpu.dma_semaphore, #tpu.memory_space<semaphore_mem>>) src(%arg11 : memref<128x128xf32, #tpu.memory_space<vmem>>) dst(%dma_wait3A_29 : memref<72x128xf32, #tpu.memory_space<vmem_shared>>)
        tpu.yield
      }) : () -> ()
      "tpu.region"() ({
        %run_scoped3A = tpu.sem_alloc : memref<!tpu.dma_semaphore, #tpu.memory_space<semaphore_mem>>
        %dma_start3A = arith.constant 0 : i32
        %dma_start3A_20 = tpu.memref_slice %arg10[%scan3A_14, %dma_start3A] : memref<3x128xi32, #tpu.memory_space<vmem>> -> memref<1x128xi32, #tpu.memory_space<vmem>>
        %dma_start3A_21 = tpu.memref_squeeze %dma_start3A_20 : memref<1x128xi32, #tpu.memory_space<vmem>> -> memref<128xi32, #tpu.memory_space<vmem>>
        %dma_start3A_22 = arith.constant 0 : i32
        %dma_start3A_23 = arith.constant 0 : i32
        %dma_start3A_24 = tpu.memref_slice %arg9[%dma_start3A_22, %dma_start3A_23] : memref<72x128xf32, #tpu.memory_space<vmem_shared>> -> memref<72x128xf32, #tpu.memory_space<vmem_shared>>
        tpu.enqueue_indirect_dma source(%arg12 : memref<128x128xf32, #tpu.memory_space<vmem>>) target(%dma_start3A_24 : memref<72x128xf32, #tpu.memory_space<vmem_shared>>) offsets(%dma_start3A_21 : memref<128xi32, #tpu.memory_space<vmem>>) semaphore(%run_scoped3A : memref<!tpu.dma_semaphore, #tpu.memory_space<semaphore_mem>>) {add = true}
        %dma_wait3A = arith.constant 0 : i32
        %dma_wait3A_25 = tpu.memref_slice %arg10[%scan3A_14, %dma_wait3A] : memref<3x128xi32, #tpu.memory_space<vmem>> -> memref<1x128xi32, #tpu.memory_space<vmem>>
        %dma_wait3A_26 = tpu.memref_squeeze %dma_wait3A_25 : memref<1x128xi32, #tpu.memory_space<vmem>> -> memref<128xi32, #tpu.memory_space<vmem>>
        %dma_wait3A_27 = arith.constant 0 : i32
        %dma_wait3A_28 = arith.constant 0 : i32
        %dma_wait3A_29 = tpu.memref_slice %arg9[%dma_wait3A_27, %dma_wait3A_28] : memref<72x128xf32, #tpu.memory_space<vmem_shared>> -> memref<72x128xf32, #tpu.memory_space<vmem_shared>>
        tpu.wait_indirect_dma semaphore(%run_scoped3A : memref<!tpu.dma_semaphore, #tpu.memory_space<semaphore_mem>>) src(%arg12 : memref<128x128xf32, #tpu.memory_space<vmem>>) dst(%dma_wait3A_29 : memref<72x128xf32, #tpu.memory_space<vmem_shared>>)
        tpu.yield
      }) : () -> ()
    }
    %scan3A_7 = arith.constant 3 : i32
    %barrier3A_8 = arith.constant 0 : index
    tpu.barrier barrier_id(%barrier3A_8)
    %eq3A_9 = arith.constant 0 : i32
    %eq3A_10 = arith.cmpi eq, %arg1, %eq3A_9 : i32
    %convert_element_type3A_11 = arith.extui %eq3A_10 : i1 to i32
    %cond3A_12 = arith.constant 0 : i32
    %cond3A_13 = arith.cmpi ne, %convert_element_type3A_11, %cond3A_12 : i32
    scf.if %cond3A_13 {
      "tpu.region"() ({
        %run_scoped3A = tpu.sem_alloc : memref<!tpu.dma_semaphore, #tpu.memory_space<semaphore_mem>>
        %dma_start3A = arith.constant 0 : i32
        %dma_start3A_14 = arith.constant 0 : i32
        %dma_start3A_15 = tpu.memref_slice %arg6[%arg0, %dma_start3A, %dma_start3A_14] : memref<2x72x128xf32, #tpu.memory_space<hbm>> -> memref<1x72x128xf32, #tpu.memory_space<hbm>>
        %dma_start3A_16 = tpu.memref_squeeze %dma_start3A_15 : memref<1x72x128xf32, #tpu.memory_space<hbm>> -> memref<72x128xf32, #tpu.memory_space<hbm>>
        tpu.enqueue_dma source(%arg8 : memref<72x128xf32, #tpu.memory_space<vmem_shared>>) target(%dma_start3A_16 : memref<72x128xf32, #tpu.memory_space<hbm>>) target_semaphore(%run_scoped3A : memref<!tpu.dma_semaphore, #tpu.memory_space<semaphore_mem>>)
        %dma_wait3A = arith.constant 0 : i32
        %dma_wait3A_17 = arith.constant 0 : i32
        %dma_wait3A_18 = tpu.memref_slice %arg6[%arg0, %dma_wait3A, %dma_wait3A_17] : memref<2x72x128xf32, #tpu.memory_space<hbm>> -> memref<1x72x128xf32, #tpu.memory_space<hbm>>
        %dma_wait3A_19 = tpu.memref_squeeze %dma_wait3A_18 : memref<1x72x128xf32, #tpu.memory_space<hbm>> -> memref<72x128xf32, #tpu.memory_space<hbm>>
        tpu.wait_dma2 semaphore(%run_scoped3A : memref<!tpu.dma_semaphore, #tpu.memory_space<semaphore_mem>>) src(%arg8 : memref<72x128xf32, #tpu.memory_space<vmem_shared>>) dst(%dma_wait3A_19 : memref<72x128xf32, #tpu.memory_space<hbm>>)
        tpu.yield
      }) : () -> ()
      "tpu.region"() ({
        %run_scoped3A = tpu.sem_alloc : memref<!tpu.dma_semaphore, #tpu.memory_space<semaphore_mem>>
        %dma_start3A = arith.constant 0 : i32
        %dma_start3A_14 = arith.constant 0 : i32
        %dma_start3A_15 = tpu.memref_slice %arg7[%arg0, %dma_start3A, %dma_start3A_14] : memref<2x72x128xf32, #tpu.memory_space<hbm>> -> memref<1x72x128xf32, #tpu.memory_space<hbm>>
        %dma_start3A_16 = tpu.memref_squeeze %dma_start3A_15 : memref<1x72x128xf32, #tpu.memory_space<hbm>> -> memref<72x128xf32, #tpu.memory_space<hbm>>
        tpu.enqueue_dma source(%arg9 : memref<72x128xf32, #tpu.memory_space<vmem_shared>>) target(%dma_start3A_16 : memref<72x128xf32, #tpu.memory_space<hbm>>) target_semaphore(%run_scoped3A : memref<!tpu.dma_semaphore, #tpu.memory_space<semaphore_mem>>)
        %dma_wait3A = arith.constant 0 : i32
        %dma_wait3A_17 = arith.constant 0 : i32
        %dma_wait3A_18 = tpu.memref_slice %arg7[%arg0, %dma_wait3A, %dma_wait3A_17] : memref<2x72x128xf32, #tpu.memory_space<hbm>> -> memref<1x72x128xf32, #tpu.memory_space<hbm>>
        %dma_wait3A_19 = tpu.memref_squeeze %dma_wait3A_18 : memref<1x72x128xf32, #tpu.memory_space<hbm>> -> memref<72x128xf32, #tpu.memory_space<hbm>>
        tpu.wait_dma2 semaphore(%run_scoped3A : memref<!tpu.dma_semaphore, #tpu.memory_space<semaphore_mem>>) src(%arg9 : memref<72x128xf32, #tpu.memory_space<vmem_shared>>) dst(%dma_wait3A_19 : memref<72x128xf32, #tpu.memory_space<hbm>>)
        tpu.yield
      }) : () -> ()
    } else {
    }
    return
  }
}

module attributes {stable_mosaic.version = 14 : i64} {
  func.func @_tc_pre_body(%arg0: i32, %arg1: memref<512x128xf32, #tpu.memory_space<vmem>>, %arg2: memref<128x128xf32, #tpu.memory_space<vmem>>, %arg3: memref<1x128xf32, #tpu.memory_space<vmem>>, %arg4: memref<128x128xf32, #tpu.memory_space<vmem>>, %arg5: memref<512x1xf32, #tpu.memory_space<vmem>>, %arg6: memref<512x1xf32, #tpu.memory_space<vmem>>, %arg7: memref<512x128xf32, #tpu.memory_space<vmem>>, %arg8: memref<512x128xf32, #tpu.memory_space<vmem>>, %arg9: memref<512x1xf32, #tpu.memory_space<vmem>>) attributes {dimension_semantics = [#tpu.dimension_semantics<arbitrary>], iteration_bounds = array<i64: 24>, scalar_prefetch = 0 : i64, scratch_operands = 0 : i64, tpu.core_type = #tpu.core_type<tc>, window_params = [{transform_indices = @transform_0, window_bounds = array<i64: 512, 128>}, {pipeline_mode = #tpu.pipeline_mode<synchronous>, transform_indices = @transform_1, window_bounds = array<i64: 128, 128>}, {pipeline_mode = #tpu.pipeline_mode<synchronous>, transform_indices = @transform_2, window_bounds = array<i64: 1, 128>}, {pipeline_mode = #tpu.pipeline_mode<synchronous>, transform_indices = @transform_3, window_bounds = array<i64: 128, 128>}, {transform_indices = @transform_4, window_bounds = array<i64: 512, 1>}, {transform_indices = @transform_5, window_bounds = array<i64: 512, 1>}, {transform_indices = @transform_6, window_bounds = array<i64: 512, 128>}, {transform_indices = @transform_7, window_bounds = array<i64: 512, 128>}, {transform_indices = @transform_8, window_bounds = array<i64: 512, 1>}]} {
    %get3A = arith.constant 0 : index
    %get3A_0 = arith.constant 0 : index
    %get3A_1 = vector.load %arg5[%get3A, %get3A_0] : memref<512x1xf32, #tpu.memory_space<vmem>>, vector<512x1xf32>
    %add3A = arith.constant 1.000000e+00 : f32
    %add3A_2 = vector.broadcast %add3A : f32 to vector<512x1xf32>
    %add3A_3 = arith.addf %add3A_2, %get3A_1 : vector<512x1xf32>
    %get3A_4 = arith.constant 0 : index
    %get3A_5 = arith.constant 0 : index
    %get3A_6 = vector.load %arg6[%get3A_4, %get3A_5] : memref<512x1xf32, #tpu.memory_space<vmem>>, vector<512x1xf32>
    %add3A_7 = arith.addf %add3A_3, %get3A_6 : vector<512x1xf32>
    %rsqrt3A = math.rsqrt %add3A_7 : vector<512x1xf32>
    %get3A_8 = arith.constant 0 : index
    %get3A_9 = arith.constant 0 : index
    %get3A_10 = vector.load %arg1[%get3A_8, %get3A_9] : memref<512x128xf32, #tpu.memory_space<vmem>>, vector<512x128xf32>
    %get3A_11 = arith.constant 0 : index
    %get3A_12 = arith.constant 0 : index
    %get3A_13 = vector.load %arg2[%get3A_11, %get3A_12] : memref<128x128xf32, #tpu.memory_space<vmem>>, vector<128x128xf32>
    %dot_general3A = arith.constant dense<0.000000e+00> : vector<512x128xf32>
    %dot_general3A_14 = tpu.matmul %get3A_10, %get3A_13, %dot_general3A {dimension_numbers = #tpu.dot_dimension_numbers<[1], [0], [0], [1], [0, 0, 1, 1], [], []>, transpose_lhs_hint = false} : vector<512x128xf32>, vector<128x128xf32>, vector<512x128xf32> -> vector<512x128xf32>
    %get3A_15 = arith.constant 0 : index
    %get3A_16 = arith.constant 0 : index
    %get3A_17 = vector.load %arg3[%get3A_15, %get3A_16] : memref<1x128xf32, #tpu.memory_space<vmem>>, vector<1x128xf32>
    %add3A_18 = vector.broadcast %get3A_17 : vector<1x128xf32> to vector<512x128xf32>
    %add3A_19 = arith.addf %dot_general3A_14, %add3A_18 : vector<512x128xf32>
    %max3A = arith.constant 0.000000e+00 : f32
    %max3A_20 = vector.broadcast %max3A : f32 to vector<512x128xf32>
    %max3A_21 = arith.maximumf %add3A_19, %max3A_20 : vector<512x128xf32>
    %get3A_22 = arith.constant 0 : index
    %get3A_23 = arith.constant 0 : index
    %get3A_24 = vector.load %arg4[%get3A_22, %get3A_23] : memref<128x128xf32, #tpu.memory_space<vmem>>, vector<128x128xf32>
    %dot_general3A_25 = arith.constant dense<0.000000e+00> : vector<512x128xf32>
    %dot_general3A_26 = tpu.matmul %max3A_21, %get3A_24, %dot_general3A_25 {dimension_numbers = #tpu.dot_dimension_numbers<[1], [0], [0], [1], [0, 0, 1, 1], [], []>, transpose_lhs_hint = false} : vector<512x128xf32>, vector<128x128xf32>, vector<512x128xf32> -> vector<512x128xf32>
    %swap3A = arith.constant 0 : index
    %swap3A_27 = arith.constant 0 : index
    %swap3A_28 = vector.load %arg7[%swap3A, %swap3A_27] : memref<512x128xf32, #tpu.memory_space<vmem>>, vector<512x128xf32>
    tpu.vector_store %arg7[%swap3A, %swap3A_27], %max3A_21 {strides = array<i32>} : memref<512x128xf32, #tpu.memory_space<vmem>>, vector<512x128xf32>,
    %mul3A = vector.broadcast %rsqrt3A : vector<512x1xf32> to vector<512x128xf32>
    %mul3A_29 = arith.mulf %dot_general3A_26, %mul3A : vector<512x128xf32>
    %swap3A_30 = arith.constant 0 : index
    %swap3A_31 = arith.constant 0 : index
    %swap3A_32 = vector.load %arg8[%swap3A_30, %swap3A_31] : memref<512x128xf32, #tpu.memory_space<vmem>>, vector<512x128xf32>
    tpu.vector_store %arg8[%swap3A_30, %swap3A_31], %mul3A_29 {strides = array<i32>} : memref<512x128xf32, #tpu.memory_space<vmem>>, vector<512x128xf32>,
    %swap3A_33 = arith.constant 0 : index
    %swap3A_34 = arith.constant 0 : index
    %swap3A_35 = vector.load %arg9[%swap3A_33, %swap3A_34] : memref<512x1xf32, #tpu.memory_space<vmem>>, vector<512x1xf32>
    tpu.vector_store %arg9[%swap3A_33, %swap3A_34], %rsqrt3A {strides = array<i32>} : memref<512x1xf32, #tpu.memory_space<vmem>>, vector<512x1xf32>,
    return
  }
  func.func @transform_0(%arg0: i32) -> (i32, i32) {
    %c0_i32 = arith.constant 0 : i32
    %c0_i32_0 = arith.constant 0 : i32
    return %arg0, %c0_i32 : i32, i32
  }
  func.func @transform_1(%arg0: i32) -> (i32, i32) {
    %c0_i32 = arith.constant 0 : i32
    %c0_i32_0 = arith.constant 0 : i32
    %c0_i32_1 = arith.constant 0 : i32
    return %c0_i32, %c0_i32_0 : i32, i32
  }
  func.func @transform_2(%arg0: i32) -> (i32, i32) {
    %c0_i32 = arith.constant 0 : i32
    %c0_i32_0 = arith.constant 0 : i32
    %c0_i32_1 = arith.constant 0 : i32
    return %c0_i32, %c0_i32_0 : i32, i32
  }
  func.func @transform_3(%arg0: i32) -> (i32, i32) {
    %c0_i32 = arith.constant 0 : i32
    %c0_i32_0 = arith.constant 0 : i32
    %c0_i32_1 = arith.constant 0 : i32
    return %c0_i32, %c0_i32_0 : i32, i32
  }
  func.func @transform_4(%arg0: i32) -> (i32, i32) {
    %c0_i32 = arith.constant 0 : i32
    %c0_i32_0 = arith.constant 0 : i32
    return %arg0, %c0_i32 : i32, i32
  }
  func.func @transform_5(%arg0: i32) -> (i32, i32) {
    %c0_i32 = arith.constant 0 : i32
    %c0_i32_0 = arith.constant 0 : i32
    return %arg0, %c0_i32 : i32, i32
  }
  func.func @transform_6(%arg0: i32) -> (i32, i32) {
    %c0_i32 = arith.constant 0 : i32
    %c0_i32_0 = arith.constant 0 : i32
    return %arg0, %c0_i32 : i32, i32
  }
  func.func @transform_7(%arg0: i32) -> (i32, i32) {
    %c0_i32 = arith.constant 0 : i32
    %c0_i32_0 = arith.constant 0 : i32
    return %arg0, %c0_i32 : i32, i32
  }
  func.func @transform_8(%arg0: i32) -> (i32, i32) {
    %c0_i32 = arith.constant 0 : i32
    %c0_i32_0 = arith.constant 0 : i32
    return %arg0, %c0_i32 : i32, i32
  }
}

module attributes {stable_mosaic.version = 14 : i64} {
  func.func @_tc_layer_body(%arg0: i32, %arg1: memref<512x128xf32, #tpu.memory_space<vmem>>, %arg2: memref<512x128xf32, #tpu.memory_space<vmem>>, %arg3: memref<512x1xf32, #tpu.memory_space<vmem>>, %arg4: memref<512x128xf32, #tpu.memory_space<vmem>>, %arg5: memref<1x128xf32, #tpu.memory_space<vmem>>, %arg6: memref<128x384xf32, #tpu.memory_space<vmem>>, %arg7: memref<1x384xf32, #tpu.memory_space<vmem>>, %arg8: memref<128x384xf32, #tpu.memory_space<vmem>>, %arg9: memref<1x384xf32, #tpu.memory_space<vmem>>, %arg10: memref<128x128xf32, #tpu.memory_space<vmem>>, %arg11: memref<512x128xf32, #tpu.memory_space<vmem>>, %arg12: memref<512x128xf32, #tpu.memory_space<vmem>>) attributes {dimension_semantics = [#tpu.dimension_semantics<arbitrary>], iteration_bounds = array<i64: 24>, scalar_prefetch = 0 : i64, scratch_operands = 0 : i64, tpu.core_type = #tpu.core_type<tc>, window_params = [{transform_indices = @transform_0, window_bounds = array<i64: 512, 128>}, {transform_indices = @transform_1, window_bounds = array<i64: 512, 128>}, {transform_indices = @transform_2, window_bounds = array<i64: 512, 1>}, {transform_indices = @transform_3, window_bounds = array<i64: 512, 128>}, {pipeline_mode = #tpu.pipeline_mode<synchronous>, transform_indices = @transform_4, window_bounds = array<i64: 1, 128>}, {pipeline_mode = #tpu.pipeline_mode<synchronous>, transform_indices = @transform_5, window_bounds = array<i64: 128, 384>}, {pipeline_mode = #tpu.pipeline_mode<synchronous>, transform_indices = @transform_6, window_bounds = array<i64: 1, 384>}, {pipeline_mode = #tpu.pipeline_mode<synchronous>, transform_indices = @transform_7, window_bounds = array<i64: 128, 384>}, {pipeline_mode = #tpu.pipeline_mode<synchronous>, transform_indices = @transform_8, window_bounds = array<i64: 1, 384>}, {pipeline_mode = #tpu.pipeline_mode<synchronous>, transform_indices = @transform_9, window_bounds = array<i64: 128, 128>}, {transform_indices = @transform_10, window_bounds = array<i64: 512, 128>}, {transform_indices = @transform_11, window_bounds = array<i64: 512, 128>}]} {
    %get3A = arith.constant 0 : index
    %get3A_0 = arith.constant 0 : index
    %get3A_1 = vector.load %arg3[%get3A, %get3A_0] : memref<512x1xf32, #tpu.memory_space<vmem>>, vector<512x1xf32>
    %get3A_2 = arith.constant 0 : index
    %get3A_3 = arith.constant 0 : index
    %get3A_4 = vector.load %arg1[%get3A_2, %get3A_3] : memref<512x128xf32, #tpu.memory_space<vmem>>, vector<512x128xf32>
    %get3A_5 = arith.constant 0 : index
    %get3A_6 = arith.constant 0 : index
    %get3A_7 = vector.load %arg2[%get3A_5, %get3A_6] : memref<512x128xf32, #tpu.memory_space<vmem>>, vector<512x128xf32>
    %add3A = arith.addf %get3A_4, %get3A_7 : vector<512x128xf32>
    %mul3A = vector.broadcast %get3A_1 : vector<512x1xf32> to vector<512x128xf32>
    %mul3A_8 = arith.mulf %mul3A, %add3A : vector<512x128xf32>
    %get3A_9 = arith.constant 0 : index
    %get3A_10 = arith.constant 0 : index
    %get3A_11 = vector.load %arg5[%get3A_9, %get3A_10] : memref<1x128xf32, #tpu.memory_space<vmem>>, vector<1x128xf32>
    %add3A_12 = vector.broadcast %get3A_11 : vector<1x128xf32> to vector<512x128xf32>
    %add3A_13 = arith.addf %mul3A_8, %add3A_12 : vector<512x128xf32>
    %max3A = arith.constant 0.000000e+00 : f32
    %max3A_14 = vector.broadcast %max3A : f32 to vector<512x128xf32>
    %max3A_15 = arith.maximumf %add3A_13, %max3A_14 : vector<512x128xf32>
    %get3A_16 = arith.constant 0 : index
    %get3A_17 = arith.constant 0 : index
    %get3A_18 = vector.load %arg4[%get3A_16, %get3A_17] : memref<512x128xf32, #tpu.memory_space<vmem>>, vector<512x128xf32>
    %get3A_19 = arith.constant 0 : index
    %get3A_20 = arith.constant 0 : index
    %get3A_21 = vector.load %arg6[%get3A_19, %get3A_20] : memref<128x384xf32, #tpu.memory_space<vmem>>, vector<128x384xf32>
    %dot_general3A = arith.constant dense<0.000000e+00> : vector<512x384xf32>
    %dot_general3A_22 = tpu.matmul %max3A_15, %get3A_21, %dot_general3A {dimension_numbers = #tpu.dot_dimension_numbers<[1], [0], [0], [1], [0, 0, 1, 1], [], []>, transpose_lhs_hint = false} : vector<512x128xf32>, vector<128x384xf32>, vector<512x384xf32> -> vector<512x384xf32>
    %get3A_23 = arith.constant 0 : index
    %get3A_24 = arith.constant 0 : index
    %get3A_25 = vector.load %arg7[%get3A_23, %get3A_24] : memref<1x384xf32, #tpu.memory_space<vmem>>, vector<1x384xf32>
    %add3A_26 = vector.broadcast %get3A_25 : vector<1x384xf32> to vector<512x384xf32>
    %add3A_27 = arith.addf %dot_general3A_22, %add3A_26 : vector<512x384xf32>
    %get3A_28 = arith.constant 0 : index
    %get3A_29 = arith.constant 0 : index
    %get3A_30 = vector.load %arg8[%get3A_28, %get3A_29] : memref<128x384xf32, #tpu.memory_space<vmem>>, vector<128x384xf32>
    %dot_general3A_31 = arith.constant dense<0.000000e+00> : vector<512x384xf32>
    %dot_general3A_32 = tpu.matmul %get3A_18, %get3A_30, %dot_general3A_31 {dimension_numbers = #tpu.dot_dimension_numbers<[1], [0], [0], [1], [0, 0, 1, 1], [], []>, transpose_lhs_hint = false} : vector<512x128xf32>, vector<128x384xf32>, vector<512x384xf32> -> vector<512x384xf32>
    %get3A_33 = arith.constant 0 : index
    %get3A_34 = arith.constant 0 : index
    %get3A_35 = vector.load %arg9[%get3A_33, %get3A_34] : memref<1x384xf32, #tpu.memory_space<vmem>>, vector<1x384xf32>
    %add3A_36 = vector.broadcast %get3A_35 : vector<1x384xf32> to vector<512x384xf32>
    %add3A_37 = arith.addf %dot_general3A_32, %add3A_36 : vector<512x384xf32>
    %slice3A = vector.extract_strided_slice %add3A_27 {offsets = [0, 0], sizes = [512, 128], strides = [1, 1]} : vector<512x384xf32> to vector<512x128xf32>
    %slice3A_38 = vector.extract_strided_slice %add3A_37 {offsets = [0, 0], sizes = [512, 128], strides = [1, 1]} : vector<512x384xf32> to vector<512x128xf32>
    %add3A_39 = arith.addf %slice3A, %slice3A_38 : vector<512x128xf32>
    %logistic3A = arith.negf %add3A_39 : vector<512x128xf32>
    %logistic3A_40 = math.exp %logistic3A : vector<512x128xf32>
    %logistic3A_41 = arith.constant 1.000000e+00 : f32
    %logistic3A_42 = vector.broadcast %logistic3A_41 : f32 to vector<512x128xf32>
    %logistic3A_43 = arith.addf %logistic3A_42, %logistic3A_40 : vector<512x128xf32>
    %logistic3A_44 = arith.divf %logistic3A_42, %logistic3A_43 : vector<512x128xf32>
    %slice3A_45 = vector.extract_strided_slice %add3A_27 {offsets = [0, 128], sizes = [512, 128], strides = [1, 1]} : vector<512x384xf32> to vector<512x128xf32>
    %slice3A_46 = vector.extract_strided_slice %add3A_37 {offsets = [0, 128], sizes = [512, 128], strides = [1, 1]} : vector<512x384xf32> to vector<512x128xf32>
    %add3A_47 = arith.addf %slice3A_45, %slice3A_46 : vector<512x128xf32>
    %logistic3A_48 = arith.negf %add3A_47 : vector<512x128xf32>
    %logistic3A_49 = math.exp %logistic3A_48 : vector<512x128xf32>
    %logistic3A_50 = arith.constant 1.000000e+00 : f32
    %logistic3A_51 = vector.broadcast %logistic3A_50 : f32 to vector<512x128xf32>
    %logistic3A_52 = arith.addf %logistic3A_51, %logistic3A_49 : vector<512x128xf32>
    %logistic3A_53 = arith.divf %logistic3A_51, %logistic3A_52 : vector<512x128xf32>
    %slice3A_54 = vector.extract_strided_slice %add3A_27 {offsets = [0, 256], sizes = [512, 128], strides = [1, 1]} : vector<512x384xf32> to vector<512x128xf32>
    %slice3A_55 = vector.extract_strided_slice %add3A_37 {offsets = [0, 256], sizes = [512, 128], strides = [1, 1]} : vector<512x384xf32> to vector<512x128xf32>
    %mul3A_56 = arith.mulf %logistic3A_44, %slice3A_55 : vector<512x128xf32>
    %add3A_57 = arith.addf %slice3A_54, %mul3A_56 : vector<512x128xf32>
    %tanh3A = math.tanh %add3A_57 : vector<512x128xf32>
    %sub3A = arith.constant 1.000000e+00 : f32
    %sub3A_58 = vector.broadcast %sub3A : f32 to vector<512x128xf32>
    %sub3A_59 = arith.subf %sub3A_58, %logistic3A_53 : vector<512x128xf32>
    %mul3A_60 = arith.mulf %sub3A_59, %tanh3A : vector<512x128xf32>
    %mul3A_61 = arith.mulf %logistic3A_53, %get3A_18 : vector<512x128xf32>
    %add3A_62 = arith.addf %mul3A_60, %mul3A_61 : vector<512x128xf32>
    %swap3A = arith.constant 0 : index
    %swap3A_63 = arith.constant 0 : index
    %swap3A_64 = vector.load %arg11[%swap3A, %swap3A_63] : memref<512x128xf32, #tpu.memory_space<vmem>>, vector<512x128xf32>
    tpu.vector_store %arg11[%swap3A, %swap3A_63], %add3A_62 {strides = array<i32>} : memref<512x128xf32, #tpu.memory_space<vmem>>, vector<512x128xf32>,
    %get3A_65 = arith.constant 0 : index
    %get3A_66 = arith.constant 0 : index
    %get3A_67 = vector.load %arg10[%get3A_65, %get3A_66] : memref<128x128xf32, #tpu.memory_space<vmem>>, vector<128x128xf32>
    %dot_general3A_68 = arith.constant dense<0.000000e+00> : vector<512x128xf32>
    %dot_general3A_69 = tpu.matmul %add3A_62, %get3A_67, %dot_general3A_68 {dimension_numbers = #tpu.dot_dimension_numbers<[1], [0], [0], [1], [0, 0, 1, 1], [], []>, transpose_lhs_hint = false} : vector<512x128xf32>, vector<128x128xf32>, vector<512x128xf32> -> vector<512x128xf32>
    %mul3A_70 = vector.broadcast %get3A_1 : vector<512x1xf32> to vector<512x128xf32>
    %mul3A_71 = arith.mulf %dot_general3A_69, %mul3A_70 : vector<512x128xf32>
    %swap3A_72 = arith.constant 0 : index
    %swap3A_73 = arith.constant 0 : index
    %swap3A_74 = vector.load %arg12[%swap3A_72, %swap3A_73] : memref<512x128xf32, #tpu.memory_space<vmem>>, vector<512x128xf32>
    tpu.vector_store %arg12[%swap3A_72, %swap3A_73], %mul3A_71 {strides = array<i32>} : memref<512x128xf32, #tpu.memory_space<vmem>>, vector<512x128xf32>,
    return
  }
  func.func @transform_0(%arg0: i32) -> (i32, i32) {
    %c0_i32 = arith.constant 0 : i32
    %c0_i32_0 = arith.constant 0 : i32
    return %arg0, %c0_i32 : i32, i32
  }
  func.func @transform_1(%arg0: i32) -> (i32, i32) {
    %c0_i32 = arith.constant 0 : i32
    %c0_i32_0 = arith.constant 0 : i32
    return %arg0, %c0_i32 : i32, i32
  }
  func.func @transform_2(%arg0: i32) -> (i32, i32) {
    %c0_i32 = arith.constant 0 : i32
    %c0_i32_0 = arith.constant 0 : i32
    return %arg0, %c0_i32 : i32, i32
  }
  func.func @transform_3(%arg0: i32) -> (i32, i32) {
    %c0_i32 = arith.constant 0 : i32
    %c0_i32_0 = arith.constant 0 : i32
    return %arg0, %c0_i32 : i32, i32
  }
  func.func @transform_4(%arg0: i32) -> (i32, i32) {
    %c0_i32 = arith.constant 0 : i32
    %c0_i32_0 = arith.constant 0 : i32
    %c0_i32_1 = arith.constant 0 : i32
    return %c0_i32, %c0_i32_0 : i32, i32
  }
  func.func @transform_5(%arg0: i32) -> (i32, i32) {
    %c0_i32 = arith.constant 0 : i32
    %c0_i32_0 = arith.constant 0 : i32
    %c0_i32_1 = arith.constant 0 : i32
    return %c0_i32, %c0_i32_0 : i32, i32
  }
  func.func @transform_6(%arg0: i32) -> (i32, i32) {
    %c0_i32 = arith.constant 0 : i32
    %c0_i32_0 = arith.constant 0 : i32
    %c0_i32_1 = arith.constant 0 : i32
    return %c0_i32, %c0_i32_0 : i32, i32
  }
  func.func @transform_7(%arg0: i32) -> (i32, i32) {
    %c0_i32 = arith.constant 0 : i32
    %c0_i32_0 = arith.constant 0 : i32
    %c0_i32_1 = arith.constant 0 : i32
    return %c0_i32, %c0_i32_0 : i32, i32
  }
  func.func @transform_8(%arg0: i32) -> (i32, i32) {
    %c0_i32 = arith.constant 0 : i32
    %c0_i32_0 = arith.constant 0 : i32
    %c0_i32_1 = arith.constant 0 : i32
    return %c0_i32, %c0_i32_0 : i32, i32
  }
  func.func @transform_9(%arg0: i32) -> (i32, i32) {
    %c0_i32 = arith.constant 0 : i32
    %c0_i32_0 = arith.constant 0 : i32
    %c0_i32_1 = arith.constant 0 : i32
    return %c0_i32, %c0_i32_0 : i32, i32
  }
  func.func @transform_10(%arg0: i32) -> (i32, i32) {
    %c0_i32 = arith.constant 0 : i32
    %c0_i32_0 = arith.constant 0 : i32
    return %arg0, %c0_i32 : i32, i32
  }
  func.func @transform_11(%arg0: i32) -> (i32, i32) {
    %c0_i32 = arith.constant 0 : i32
    %c0_i32_0 = arith.constant 0 : i32
    return %arg0, %c0_i32 : i32, i32
  }
}

module attributes {stable_mosaic.version = 14 : i64} {
  func.func @_tc_layer_body(%arg0: i32, %arg1: memref<512x128xf32, #tpu.memory_space<vmem>>, %arg2: memref<512x128xf32, #tpu.memory_space<vmem>>, %arg3: memref<512x1xf32, #tpu.memory_space<vmem>>, %arg4: memref<512x128xf32, #tpu.memory_space<vmem>>, %arg5: memref<1x128xf32, #tpu.memory_space<vmem>>, %arg6: memref<128x384xf32, #tpu.memory_space<vmem>>, %arg7: memref<1x384xf32, #tpu.memory_space<vmem>>, %arg8: memref<128x384xf32, #tpu.memory_space<vmem>>, %arg9: memref<1x384xf32, #tpu.memory_space<vmem>>, %arg10: memref<128x128xf32, #tpu.memory_space<vmem>>, %arg11: memref<512x128xf32, #tpu.memory_space<vmem>>, %arg12: memref<512x128xf32, #tpu.memory_space<vmem>>) attributes {dimension_semantics = [#tpu.dimension_semantics<arbitrary>], iteration_bounds = array<i64: 24>, scalar_prefetch = 0 : i64, scratch_operands = 0 : i64, tpu.core_type = #tpu.core_type<tc>, window_params = [{transform_indices = @transform_0, window_bounds = array<i64: 512, 128>}, {transform_indices = @transform_1, window_bounds = array<i64: 512, 128>}, {transform_indices = @transform_2, window_bounds = array<i64: 512, 1>}, {transform_indices = @transform_3, window_bounds = array<i64: 512, 128>}, {pipeline_mode = #tpu.pipeline_mode<synchronous>, transform_indices = @transform_4, window_bounds = array<i64: 1, 128>}, {pipeline_mode = #tpu.pipeline_mode<synchronous>, transform_indices = @transform_5, window_bounds = array<i64: 128, 384>}, {pipeline_mode = #tpu.pipeline_mode<synchronous>, transform_indices = @transform_6, window_bounds = array<i64: 1, 384>}, {pipeline_mode = #tpu.pipeline_mode<synchronous>, transform_indices = @transform_7, window_bounds = array<i64: 128, 384>}, {pipeline_mode = #tpu.pipeline_mode<synchronous>, transform_indices = @transform_8, window_bounds = array<i64: 1, 384>}, {pipeline_mode = #tpu.pipeline_mode<synchronous>, transform_indices = @transform_9, window_bounds = array<i64: 128, 128>}, {transform_indices = @transform_10, window_bounds = array<i64: 512, 128>}, {transform_indices = @transform_11, window_bounds = array<i64: 512, 128>}]} {
    %get3A = arith.constant 0 : index
    %get3A_0 = arith.constant 0 : index
    %get3A_1 = vector.load %arg3[%get3A, %get3A_0] : memref<512x1xf32, #tpu.memory_space<vmem>>, vector<512x1xf32>
    %get3A_2 = arith.constant 0 : index
    %get3A_3 = arith.constant 0 : index
    %get3A_4 = vector.load %arg1[%get3A_2, %get3A_3] : memref<512x128xf32, #tpu.memory_space<vmem>>, vector<512x128xf32>
    %get3A_5 = arith.constant 0 : index
    %get3A_6 = arith.constant 0 : index
    %get3A_7 = vector.load %arg2[%get3A_5, %get3A_6] : memref<512x128xf32, #tpu.memory_space<vmem>>, vector<512x128xf32>
    %add3A = arith.addf %get3A_4, %get3A_7 : vector<512x128xf32>
    %mul3A = vector.broadcast %get3A_1 : vector<512x1xf32> to vector<512x128xf32>
    %mul3A_8 = arith.mulf %mul3A, %add3A : vector<512x128xf32>
    %get3A_9 = arith.constant 0 : index
    %get3A_10 = arith.constant 0 : index
    %get3A_11 = vector.load %arg5[%get3A_9, %get3A_10] : memref<1x128xf32, #tpu.memory_space<vmem>>, vector<1x128xf32>
    %add3A_12 = vector.broadcast %get3A_11 : vector<1x128xf32> to vector<512x128xf32>
    %add3A_13 = arith.addf %mul3A_8, %add3A_12 : vector<512x128xf32>
    %max3A = arith.constant 0.000000e+00 : f32
    %max3A_14 = vector.broadcast %max3A : f32 to vector<512x128xf32>
    %max3A_15 = arith.maximumf %add3A_13, %max3A_14 : vector<512x128xf32>
    %get3A_16 = arith.constant 0 : index
    %get3A_17 = arith.constant 0 : index
    %get3A_18 = vector.load %arg4[%get3A_16, %get3A_17] : memref<512x128xf32, #tpu.memory_space<vmem>>, vector<512x128xf32>
    %get3A_19 = arith.constant 0 : index
    %get3A_20 = arith.constant 0 : index
    %get3A_21 = vector.load %arg6[%get3A_19, %get3A_20] : memref<128x384xf32, #tpu.memory_space<vmem>>, vector<128x384xf32>
    %dot_general3A = arith.constant dense<0.000000e+00> : vector<512x384xf32>
    %dot_general3A_22 = tpu.matmul %max3A_15, %get3A_21, %dot_general3A {dimension_numbers = #tpu.dot_dimension_numbers<[1], [0], [0], [1], [0, 0, 1, 1], [], []>, transpose_lhs_hint = false} : vector<512x128xf32>, vector<128x384xf32>, vector<512x384xf32> -> vector<512x384xf32>
    %get3A_23 = arith.constant 0 : index
    %get3A_24 = arith.constant 0 : index
    %get3A_25 = vector.load %arg7[%get3A_23, %get3A_24] : memref<1x384xf32, #tpu.memory_space<vmem>>, vector<1x384xf32>
    %add3A_26 = vector.broadcast %get3A_25 : vector<1x384xf32> to vector<512x384xf32>
    %add3A_27 = arith.addf %dot_general3A_22, %add3A_26 : vector<512x384xf32>
    %get3A_28 = arith.constant 0 : index
    %get3A_29 = arith.constant 0 : index
    %get3A_30 = vector.load %arg8[%get3A_28, %get3A_29] : memref<128x384xf32, #tpu.memory_space<vmem>>, vector<128x384xf32>
    %dot_general3A_31 = arith.constant dense<0.000000e+00> : vector<512x384xf32>
    %dot_general3A_32 = tpu.matmul %get3A_18, %get3A_30, %dot_general3A_31 {dimension_numbers = #tpu.dot_dimension_numbers<[1], [0], [0], [1], [0, 0, 1, 1], [], []>, transpose_lhs_hint = false} : vector<512x128xf32>, vector<128x384xf32>, vector<512x384xf32> -> vector<512x384xf32>
    %get3A_33 = arith.constant 0 : index
    %get3A_34 = arith.constant 0 : index
    %get3A_35 = vector.load %arg9[%get3A_33, %get3A_34] : memref<1x384xf32, #tpu.memory_space<vmem>>, vector<1x384xf32>
    %add3A_36 = vector.broadcast %get3A_35 : vector<1x384xf32> to vector<512x384xf32>
    %add3A_37 = arith.addf %dot_general3A_32, %add3A_36 : vector<512x384xf32>
    %slice3A = vector.extract_strided_slice %add3A_27 {offsets = [0, 0], sizes = [512, 128], strides = [1, 1]} : vector<512x384xf32> to vector<512x128xf32>
    %slice3A_38 = vector.extract_strided_slice %add3A_37 {offsets = [0, 0], sizes = [512, 128], strides = [1, 1]} : vector<512x384xf32> to vector<512x128xf32>
    %add3A_39 = arith.addf %slice3A, %slice3A_38 : vector<512x128xf32>
    %logistic3A = arith.negf %add3A_39 : vector<512x128xf32>
    %logistic3A_40 = math.exp %logistic3A : vector<512x128xf32>
    %logistic3A_41 = arith.constant 1.000000e+00 : f32
    %logistic3A_42 = vector.broadcast %logistic3A_41 : f32 to vector<512x128xf32>
    %logistic3A_43 = arith.addf %logistic3A_42, %logistic3A_40 : vector<512x128xf32>
    %logistic3A_44 = arith.divf %logistic3A_42, %logistic3A_43 : vector<512x128xf32>
    %slice3A_45 = vector.extract_strided_slice %add3A_27 {offsets = [0, 128], sizes = [512, 128], strides = [1, 1]} : vector<512x384xf32> to vector<512x128xf32>
    %slice3A_46 = vector.extract_strided_slice %add3A_37 {offsets = [0, 128], sizes = [512, 128], strides = [1, 1]} : vector<512x384xf32> to vector<512x128xf32>
    %add3A_47 = arith.addf %slice3A_45, %slice3A_46 : vector<512x128xf32>
    %logistic3A_48 = arith.negf %add3A_47 : vector<512x128xf32>
    %logistic3A_49 = math.exp %logistic3A_48 : vector<512x128xf32>
    %logistic3A_50 = arith.constant 1.000000e+00 : f32
    %logistic3A_51 = vector.broadcast %logistic3A_50 : f32 to vector<512x128xf32>
    %logistic3A_52 = arith.addf %logistic3A_51, %logistic3A_49 : vector<512x128xf32>
    %logistic3A_53 = arith.divf %logistic3A_51, %logistic3A_52 : vector<512x128xf32>
    %slice3A_54 = vector.extract_strided_slice %add3A_27 {offsets = [0, 256], sizes = [512, 128], strides = [1, 1]} : vector<512x384xf32> to vector<512x128xf32>
    %slice3A_55 = vector.extract_strided_slice %add3A_37 {offsets = [0, 256], sizes = [512, 128], strides = [1, 1]} : vector<512x384xf32> to vector<512x128xf32>
    %mul3A_56 = arith.mulf %logistic3A_44, %slice3A_55 : vector<512x128xf32>
    %add3A_57 = arith.addf %slice3A_54, %mul3A_56 : vector<512x128xf32>
    %tanh3A = math.tanh %add3A_57 : vector<512x128xf32>
    %sub3A = arith.constant 1.000000e+00 : f32
    %sub3A_58 = vector.broadcast %sub3A : f32 to vector<512x128xf32>
    %sub3A_59 = arith.subf %sub3A_58, %logistic3A_53 : vector<512x128xf32>
    %mul3A_60 = arith.mulf %sub3A_59, %tanh3A : vector<512x128xf32>
    %mul3A_61 = arith.mulf %logistic3A_53, %get3A_18 : vector<512x128xf32>
    %add3A_62 = arith.addf %mul3A_60, %mul3A_61 : vector<512x128xf32>
    %swap3A = arith.constant 0 : index
    %swap3A_63 = arith.constant 0 : index
    %swap3A_64 = vector.load %arg11[%swap3A, %swap3A_63] : memref<512x128xf32, #tpu.memory_space<vmem>>, vector<512x128xf32>
    tpu.vector_store %arg11[%swap3A, %swap3A_63], %add3A_62 {strides = array<i32>} : memref<512x128xf32, #tpu.memory_space<vmem>>, vector<512x128xf32>,
    return
  }
  func.func @transform_0(%arg0: i32) -> (i32, i32) {
    %c0_i32 = arith.constant 0 : i32
    %c0_i32_0 = arith.constant 0 : i32
    return %arg0, %c0_i32 : i32, i32
  }
  func.func @transform_1(%arg0: i32) -> (i32, i32) {
    %c0_i32 = arith.constant 0 : i32
    %c0_i32_0 = arith.constant 0 : i32
    return %arg0, %c0_i32 : i32, i32
  }
  func.func @transform_2(%arg0: i32) -> (i32, i32) {
    %c0_i32 = arith.constant 0 : i32
    %c0_i32_0 = arith.constant 0 : i32
    return %arg0, %c0_i32 : i32, i32
  }
  func.func @transform_3(%arg0: i32) -> (i32, i32) {
    %c0_i32 = arith.constant 0 : i32
    %c0_i32_0 = arith.constant 0 : i32
    return %arg0, %c0_i32 : i32, i32
  }
  func.func @transform_4(%arg0: i32) -> (i32, i32) {
    %c0_i32 = arith.constant 0 : i32
    %c0_i32_0 = arith.constant 0 : i32
    %c0_i32_1 = arith.constant 0 : i32
    return %c0_i32, %c0_i32_0 : i32, i32
  }
  func.func @transform_5(%arg0: i32) -> (i32, i32) {
    %c0_i32 = arith.constant 0 : i32
    %c0_i32_0 = arith.constant 0 : i32
    %c0_i32_1 = arith.constant 0 : i32
    return %c0_i32, %c0_i32_0 : i32, i32
  }
  func.func @transform_6(%arg0: i32) -> (i32, i32) {
    %c0_i32 = arith.constant 0 : i32
    %c0_i32_0 = arith.constant 0 : i32
    %c0_i32_1 = arith.constant 0 : i32
    return %c0_i32, %c0_i32_0 : i32, i32
  }
  func.func @transform_7(%arg0: i32) -> (i32, i32) {
    %c0_i32 = arith.constant 0 : i32
    %c0_i32_0 = arith.constant 0 : i32
    %c0_i32_1 = arith.constant 0 : i32
    return %c0_i32, %c0_i32_0 : i32, i32
  }
  func.func @transform_8(%arg0: i32) -> (i32, i32) {
    %c0_i32 = arith.constant 0 : i32
    %c0_i32_0 = arith.constant 0 : i32
    %c0_i32_1 = arith.constant 0 : i32
    return %c0_i32, %c0_i32_0 : i32, i32
  }
  func.func @transform_9(%arg0: i32) -> (i32, i32) {
    %c0_i32 = arith.constant 0 : i32
    %c0_i32_0 = arith.constant 0 : i32
    %c0_i32_1 = arith.constant 0 : i32
    return %c0_i32, %c0_i32_0 : i32, i32
  }
  func.func @transform_10(%arg0: i32) -> (i32, i32) {
    %c0_i32 = arith.constant 0 : i32
    %c0_i32_0 = arith.constant 0 : i32
    return %arg0, %c0_i32 : i32, i32
  }
  func.func @transform_11(%arg0: i32) -> (i32, i32) {
    %c0_i32 = arith.constant 0 : i32
    %c0_i32_0 = arith.constant 0 : i32
    return %arg0, %c0_i32 : i32, i32
  }
}

module attributes {stable_mosaic.version = 14 : i64} {
  func.func @_tc_final_body(%arg0: i32, %arg1: memref<72x128xf32, #tpu.memory_space<vmem>>, %arg2: memref<72x128xf32, #tpu.memory_space<vmem>>, %arg3: memref<72x128xf32, #tpu.memory_space<vmem>>, %arg4: memref<72x128xf32, #tpu.memory_space<vmem>>, %arg5: memref<128x128xf32, #tpu.memory_space<vmem>>, %arg6: memref<1x128xf32, #tpu.memory_space<vmem>>, %arg7: memref<64x128xf32, #tpu.memory_space<vmem>>) attributes {dimension_semantics = [#tpu.dimension_semantics<arbitrary>], iteration_bounds = array<i64: 1>, scalar_prefetch = 0 : i64, scratch_operands = 0 : i64, tpu.core_type = #tpu.core_type<tc>, window_params = [{pipeline_mode = #tpu.pipeline_mode<synchronous>, transform_indices = @transform_0, window_bounds = array<i64: 72, 128>}, {pipeline_mode = #tpu.pipeline_mode<synchronous>, transform_indices = @transform_1, window_bounds = array<i64: 72, 128>}, {pipeline_mode = #tpu.pipeline_mode<synchronous>, transform_indices = @transform_2, window_bounds = array<i64: 72, 128>}, {pipeline_mode = #tpu.pipeline_mode<synchronous>, transform_indices = @transform_3, window_bounds = array<i64: 72, 128>}, {pipeline_mode = #tpu.pipeline_mode<synchronous>, transform_indices = @transform_4, window_bounds = array<i64: 128, 128>}, {pipeline_mode = #tpu.pipeline_mode<synchronous>, transform_indices = @transform_5, window_bounds = array<i64: 1, 128>}, {pipeline_mode = #tpu.pipeline_mode<synchronous>, transform_indices = @transform_6, window_bounds = array<i64: 64, 128>}]} {
    %get3A = arith.constant 0 : index
    %get3A_0 = arith.constant 0 : index
    %get3A_1 = vector.load %arg1[%get3A, %get3A_0] : memref<72x128xf32, #tpu.memory_space<vmem>>, vector<72x128xf32>
    %get3A_2 = arith.constant 0 : index
    %get3A_3 = arith.constant 0 : index
    %get3A_4 = vector.load %arg2[%get3A_2, %get3A_3] : memref<72x128xf32, #tpu.memory_space<vmem>>, vector<72x128xf32>
    %add3A = arith.addf %get3A_1, %get3A_4 : vector<72x128xf32>
    %get3A_5 = arith.constant 0 : index
    %get3A_6 = arith.constant 0 : index
    %get3A_7 = vector.load %arg3[%get3A_5, %get3A_6] : memref<72x128xf32, #tpu.memory_space<vmem>>, vector<72x128xf32>
    %get3A_8 = arith.constant 0 : index
    %get3A_9 = arith.constant 0 : index
    %get3A_10 = vector.load %arg4[%get3A_8, %get3A_9] : memref<72x128xf32, #tpu.memory_space<vmem>>, vector<72x128xf32>
    %add3A_11 = arith.addf %get3A_7, %get3A_10 : vector<72x128xf32>
    %jit3A = arith.constant 1.000000e+00 : f32
    %max3A = vector.broadcast %jit3A : f32 to vector<72x128xf32>
    %max3A_12 = arith.maximumf %max3A, %add3A_11 : vector<72x128xf32>
    %slice3A = vector.extract_strided_slice %add3A {offsets = [0, 0], sizes = [64, 128], strides = [1, 1]} : vector<72x128xf32> to vector<64x128xf32>
    %slice3A_13 = vector.extract_strided_slice %max3A_12 {offsets = [0, 0], sizes = [64, 128], strides = [1, 1]} : vector<72x128xf32> to vector<64x128xf32>
    %div3A = arith.divf %slice3A, %slice3A_13 : vector<64x128xf32>
    %get3A_14 = arith.constant 0 : index
    %get3A_15 = arith.constant 0 : index
    %get3A_16 = vector.load %arg5[%get3A_14, %get3A_15] : memref<128x128xf32, #tpu.memory_space<vmem>>, vector<128x128xf32>
    %dot_general3A = arith.constant dense<0.000000e+00> : vector<64x128xf32>
    %dot_general3A_17 = tpu.matmul %div3A, %get3A_16, %dot_general3A {dimension_numbers = #tpu.dot_dimension_numbers<[1], [0], [0], [1], [0, 0, 1, 1], [], []>, transpose_lhs_hint = false} : vector<64x128xf32>, vector<128x128xf32>, vector<64x128xf32> -> vector<64x128xf32>
    %get3A_18 = arith.constant 0 : index
    %get3A_19 = arith.constant 0 : index
    %get3A_20 = vector.load %arg6[%get3A_18, %get3A_19] : memref<1x128xf32, #tpu.memory_space<vmem>>, vector<1x128xf32>
    %add3A_21 = vector.broadcast %get3A_20 : vector<1x128xf32> to vector<64x128xf32>
    %add3A_22 = arith.addf %dot_general3A_17, %add3A_21 : vector<64x128xf32>
    %swap3A = arith.constant 0 : index
    %swap3A_23 = arith.constant 0 : index
    %swap3A_24 = vector.load %arg7[%swap3A, %swap3A_23] : memref<64x128xf32, #tpu.memory_space<vmem>>, vector<64x128xf32>
    tpu.vector_store %arg7[%swap3A, %swap3A_23], %add3A_22 {strides = array<i32>} : memref<64x128xf32, #tpu.memory_space<vmem>>, vector<64x128xf32>,
    return
  }
  func.func @transform_0(%arg0: i32) -> (i32, i32) {
    %c0_i32 = arith.constant 0 : i32
    %c0_i32_0 = arith.constant 0 : i32
    %c0_i32_1 = arith.constant 0 : i32
    return %c0_i32, %c0_i32_0 : i32, i32
  }
  func.func @transform_1(%arg0: i32) -> (i32, i32) {
    %c0_i32 = arith.constant 0 : i32
    %c0_i32_0 = arith.constant 0 : i32
    %c0_i32_1 = arith.constant 0 : i32
    return %c0_i32, %c0_i32_0 : i32, i32
  }
  func.func @transform_2(%arg0: i32) -> (i32, i32) {
    %c0_i32 = arith.constant 0 : i32
    %c0_i32_0 = arith.constant 0 : i32
    %c0_i32_1 = arith.constant 0 : i32
    return %c0_i32, %c0_i32_0 : i32, i32
  }
  func.func @transform_3(%arg0: i32) -> (i32, i32) {
    %c0_i32 = arith.constant 0 : i32
    %c0_i32_0 = arith.constant 0 : i32
    %c0_i32_1 = arith.constant 0 : i32
    return %c0_i32, %c0_i32_0 : i32, i32
  }
  func.func @transform_4(%arg0: i32) -> (i32, i32) {
    %c0_i32 = arith.constant 0 : i32
    %c0_i32_0 = arith.constant 0 : i32
    %c0_i32_1 = arith.constant 0 : i32
    return %c0_i32, %c0_i32_0 : i32, i32
  }
  func.func @transform_5(%arg0: i32) -> (i32, i32) {
    %c0_i32 = arith.constant 0 : i32
    %c0_i32_0 = arith.constant 0 : i32
    %c0_i32_1 = arith.constant 0 : i32
    return %c0_i32, %c0_i32_0 : i32, i32
  }
  func.func @transform_6(%arg0: i32) -> (i32, i32) {
    %c0_i32 = arith.constant 0 : i32
    %c0_i32_0 = arith.constant 0 : i32
    %c0_i32_1 = arith.constant 0 : i32
    return %c0_i32, %c0_i32_0 : i32, i32
  }
}

</mosaic_0001>

<sc_bundles>
// kernel: kernel.12.cloned.1.call-start
scs
__scs_entry_jumppad:
0x0: {  	(pc) =	sbr.rel $0x88, $3  }
0x1: {  	(tag) =	ssettag $0x0;
	lr =	simm.s32 $0x1  }
0x2: {  	[smem:$0x3F94] =	sst lr;
	_ =	strace $0xD0000000  }
0x3: {  	_ = 	snop  }
0x4: {  	_ = 	snop  }
0x5: {  	_ = 	snop  }
0x6: {  	_ = 	snop  }
0x7: {  	_ = 	snop  }
__scs_overlays_trampoline_lowered:
0x8: {  	[smem:$0x3FA3] =	sst s0  }
0x9: {  	[smem:$0x3FA4] =	sst s1  }
0xa: {  	[smem:$0x3FA5] =	sst s2  }
0xb: {  	[smem:$0x3FA6] =	sst s3  }
0xc: {  	[smem:$0x3FA7] =	sst s4  }
0xd: {  	[smem:$0x3FA8] =	sst s5  }
0xe: {  	[smem:$0x3FA9] =	sst s6  }
0xf: {  	[smem:$0x3FAA] =	sst s7  }
0x10: {  	[smem:$0x3FAB] =	sst s8  }
0x11: {  	[smem:$0x3FAC] =	sst s9;
	s0 =	simm.s32 @!p0 $0x0  }
0x12: {  	s1 =	sld [smem:$0x3F92];
	s0 =	simm.s32 @p0 $0x1  }
0x13: {  	[smem:$0x3FAD] =	sst s0;
	s0 =	simm.s32 @!p1 $0x0  }
0x14: {  	s2 =	sld [smem:$0x3F91];
	s0 =	simm.s32 @p1 $0x1  }
0x15: {  	[smem:$0x3FAE] =	sst s0;
	s0 =	simm.s32 @!p2 $0x0  }
0x16: {  	s3 =	sld [smem:$0x3FDB];
	s0 =	simm.s32 @p2 $0x1  }
0x17: {  	s4 =	simm.s32 $0x1BF5;
	[smem:$0x3FB0] =	sst s0  }
0x18: {  	s0 =	sld [smem:$0x3F93];
	_ =	swait.ge [sflag:s4], $0x0  }
0x19: {  	s7 =	sld [smem:$0x3F94]  }
0x1a: {  	s8 =	sadd.s32 $0xFFFFE003, lr  }
0x1b: {  	s9 =	sadd.s32 $0xFFFFFEF7, lr;
	s5 =	simm.s32 $0xFFFFFFFF;
	p2 =	slt.u32 s8, $0xFFFFF086  }
0x1c: {  	p1 =	slt.u32 s9, $0xF7A;
	s5 =	simm.s32 @!p2 $0x0  }
0x1d: {  	s5 =	simm.s32 @p1 $0x1;
	p0 =	seq.s32 s7, s2  }
0x1e: {  	s7 =	smul.u32 @!p0 $0xF7A, s2;
	p2 =	seq.s32 @!p0 s5, $0x0  }
0x1f: {  	s9 =	smul.u32 $0xF7A, s1;
	s8 =	simm.s32 @!p0 $0x1BF5;
	p2 =	por !p2, p0  }
0x20: {  	[sflag:s8] =	ssyncset.s32 @!p0 $0xFFFFF086;
	s6 =	sadd.s32 @!p0 s3, s7;
	s7 =	simm.s32 @!p0 $0x108  }
0x21: {  	s3 =	sadd.s32 s3, s9;
	s6 =	sadd.s32 @!p0 $0x88, s6;
	s7 =	simm.s32 @p2 $0x1082  }
0x22: {  	[simem:s7], [sflag:s8] =	dma.local @!p0 [hbm:s6], $0xF7A  }
0x23: {  	s9 =	sor.u32 $0xD0000000, s2;
	s6 =	simm.s32 $0x108;
	_ =	swait.ge @!p0 [sflag:s8], $0x0  }
0x24: {  	s3 =	sadd.s32 $0x88, s3;
	s6 =	simm.s32 @!p1 $0x1082;
	[sflag:s4] =	ssyncset.s32 $0xFFFFF086  }
0x25: {  	[simem:s6], [sflag:s4] =	dma.local [hbm:s3], $0xF7A  }
0x26: {  	[smem:$0x3F94] =	sst s1;
	(tag) =	ssettag s2;
	_ =	strace s9  }
0x27: {  	s1 =	sld [smem:$0x3FA4]  }
0x28: {  	s2 =	sld [smem:$0x3FA5]  }
0x29: {  	s4 =	sld [smem:$0x3FA7]  }
0x2a: {  	p0 =	seq.s32 s5, $0x0;
	s5 =	sld [smem:$0x3FA8]  }
0x2b: {  	s6 =	sld [smem:$0x3FA9]  }
0x2c: {  	s7 =	sld [smem:$0x3FAA]  }
0x2d: {  	s3 =	simm.s32 $0x108;
	s8 =	sld [smem:$0x3FAB]  }
0x2e: {  	s3 =	simm.s32 @!p0 $0x1082;
	s9 =	sld [smem:$0x3FAC]  }
0x2f: {  	lr =	sadd.s32 s0, s3;
	s0 =	sld [smem:$0x3FA3]  }
0x30: {  	s3 =	sld [smem:$0x3FA6]  }
0x31: {  	[smem:$0x3FAF] =	sst s10  }
0x32: {  	s10 =	sld [smem:$0x3FAD];
	_ =	sdelay $0x3  }
0x33: {  	p0 =	seq.s32 s10, $0x1;
	s10 =	sld [smem:$0x3FAF];
	_ =	sdelay $0x3  }
0x34: {  	[smem:$0x3FAF] =	sst s10  }
0x35: {  	s10 =	sld [smem:$0x3FAE];
	_ =	sdelay $0x3  }
0x36: {  	p1 =	seq.s32 s10, $0x1;
	s10 =	sld [smem:$0x3FAF];
	_ =	sdelay $0x3  }
0x37: {  	[smem:$0x3FAF] =	sst s10  }
0x38: {  	s10 =	sld [smem:$0x3FB0]  }
0x39: {  	_ = 	snop;
	(pc) =	sbr.ind lr, $3  }
0x3a: {  	_ = 	snop  }
0x3b: {  	_ = 	snop  }
0x3c: {  	p2 =	seq.s32 s10, $0x1;
	s10 =	sld [smem:$0x3FAF]  }
0x3d: {  	_ =	shalt  }
0x3e: {  	_ =	shalt  }
0x3f: {  	_ =	shalt  }
0x40: {  	_ =	shalt  }
0x41: {  	_ =	shalt  }
0x42: {  	_ =	shalt  }
0x43: {  	_ =	shalt  }
0x44: {  	_ =	shalt  }
0x45: {  	_ =	shalt  }
0x46: {  	_ =	shalt  }
0x47: {  	_ =	shalt  }
0x48: {  	_ =	shalt  }
0x49: {  	_ =	shalt  }
0x4a: {  	_ =	shalt  }
0x4b: {  	_ =	shalt  }
0x4c: {  	_ =	shalt  }
0x4d: {  	_ =	shalt  }
0x4e: {  	_ =	shalt  }
0x4f: {  	_ =	shalt  }
0x50: {  	_ =	shalt  }
0x51: {  	_ =	shalt  }
0x52: {  	_ =	shalt  }
0x53: {  	_ =	shalt  }
0x54: {  	_ =	shalt  }
0x55: {  	_ =	shalt  }
0x56: {  	_ =	shalt  }
0x57: {  	_ =	shalt  }
0x58: {  	_ =	shalt  }
0x59: {  	_ =	shalt  }
0x5a: {  	_ =	shalt  }
0x5b: {  	_ =	shalt  }
0x5c: {  	_ =	shalt  }
0x5d: {  	_ =	shalt  }
0x5e: {  	_ =	shalt  }
0x5f: {  	_ =	shalt  }
0x60: {  	_ =	shalt  }
0x61: {  	_ =	shalt  }
0x62: {  	_ =	shalt  }
0x63: {  	_ =	shalt  }
0x64: {  	_ =	shalt  }
0x65: {  	_ =	shalt  }
0x66: {  	_ =	shalt  }
0x67: {  	_ =	shalt  }
0x68: {  	_ =	shalt  }
0x69: {  	_ =	shalt  }
0x6a: {  	_ =	shalt  }
0x6b: {  	_ =	shalt  }
0x6c: {  	_ =	shalt  }
0x6d: {  	_ =	shalt  }
0x6e: {  	_ =	shalt  }
0x6f: {  	_ =	shalt  }
0x70: {  	_ =	shalt  }
0x71: {  	_ =	shalt  }
0x72: {  	_ =	shalt  }
0x73: {  	_ =	shalt  }
0x74: {  	_ =	shalt  }
0x75: {  	_ =	shalt  }
0x76: {  	_ =	shalt  }
0x77: {  	_ =	shalt  }
0x78: {  	_ =	shalt  }
0x79: {  	_ =	shalt  }
0x7a: {  	_ =	shalt  }
0x7b: {  	_ =	shalt  }
0x7c: {  	_ =	shalt  }
0x7d: {  	_ =	shalt  }
0x7e: {  	_ =	shalt  }
0x7f: {  	_ =	shalt  }
0x80: {  	_ =	shalt  }
0x81: {  	_ =	shalt  }
0x82: {  	_ =	shalt  }
0x83: {  	_ =	shalt  }
0x84: {  	_ =	shalt  }
0x85: {  	_ =	shalt  }
0x86: {  	_ =	shalt  }
0x87: {  	_ =	shalt  }
.Lfunc_end0:
.L_simem_size_0:
called_computation_lowered:
.L_overlay_start_0:
0x88: {  	s2 =	sld [smem:$0x3FD9]  }
0x89: {  	s3 =	sld [smem:$0x3FFE];
	_ =	sdelay $0x1  }
0x8a: {  	s1 =	srdreg.scid  }
0x8b: {  	s0 =	sand.u32 $0x1, s1  }
0x8c: {  	s17 =	sshll.u32 s0, $0xA;
	s2 =	sadd.s32 s3, s2  }
0x8d: {  	s2 =	sadd.s32 s2, s17  }
0x8e: {  	[smem:$0x3FBB] =	sst s2  }
0x8f: {  	_ = 	snop  }
0x90: {  	s2 =	sld [smem:$0x3FD0];
	(tm) =	ssettm $0x1  }
0x91: {  	s18 =	sld [smem:$0x3FFB];
	_ =	sdelay $0x3  }
0x92: {  	_ =	strace s18  }
0x93: {  	s3 =	sld [smem:$0x3FFC];
	_ =	sdelay $0x3  }
0x94: {  	_ =	strace s3  }
0x95: {  	s3 =	sld [smem:$0x3FFD];
	_ =	sdelay $0x3  }
0x96: {  	_ =	strace s3  }
0x97: {  	_ =	strace $0x8FFFFFFF  }
0x98: {  	s19 =	sld [smem:$0x3FDB];
	_ =	sdelay $0x1  }
0x99: {  	s4 =	simm.s32 $_scs_section_size  }
0x9a: {  	s5 =	simm.s32 $_size__tile_overlayer_lowered;
	s6 =	simm.s32 $_tile_overlayer_lowered  }
0x9b: {  	s22 =	simm.s32 $0x1BFF;
	s21 =	sshll.u32 s6, $0x1;
	s3 =	sadd.s32 s4, s19  }
0x9c: {  	s7 =	simm.s32 $0x0;
	s20 =	sshll.u32 s5, $0x1;
	s5 =	sadd.s32 s21, s3  }
0x9d: {  	[timem:s7], [sflag:s22] =	dma.local [hbm:s5], s20  }
0x9e: {  	_ =	swait.ge [sflag:s22], s20  }
0x9f: {  	s4 =	ssub.s32 $0x0, s20;
	[sflag:s22] =	ssyncset.done $0x0  }
0xa0: {  	[sflag:s22] =	ssyncadd.s32 s4;
	_ =	sdelay $0x1  }
0xa1: {  	s23 =	simm.s32 $0x1B8B  }
0xa2: {  	_ =	swait.ge [sflag:s23], $0x1  }
0xa3: {  	[sflag:s23] =	ssyncset.done $0x0  }
0xa4: {  	s25 =	simm.s32 $0x1B8E;
	s24 =	sld [smem:$0x3FFE];
	[sflag:s23] =	ssyncadd.s32 $0xFFFFFFFF  }
0xa5: {  	s26 =	simm.s32 $execute0_lowered;
	[smem:$0x3FD2] =	sst s25  }
0xa6: {  	s5 =	sshll.u32 s26, $0x1;
	_ =	strace $0x80000046;
	[dreg:$0x1] =	wrdreg $0xFFFFFFFF  }
0xa7: {  	s28 =	simm.s32 $_size_execute0_lowered;
	s3 =	sadd.s32 s3, s5;
	[dreg:$0x0] =	wrdreg $0x0  }
0xa8: {  	s5 =	sshll.u32 s28, $0x1;
	[dreg:$0x2] =	wrdreg s3  }
0xa9: {  	[dreg:$0x3] =	wrdreg s5  }
0xaa: {  	[dreg:$0x4] =	wrdreg $0xC0  }
0xab: {  	_ =	task [dreg:s7], $0x5FFFF  }
0xac: {  	[dreg:$0x1] =	wrdreg $0xFFFFFFFF  }
0xad: {  	[dreg:$0x0] =	wrdreg $0x60  }
0xae: {  	[dreg:$0x2] =	wrdreg s24  }
0xaf: {  	[dreg:$0x3] =	wrdreg s2  }
0xb0: {  	[dreg:$0x4] =	wrdreg $0x0  }
0xb1: {  	[dreg:$0x5] =	wrdreg $0x9  }
0xb2: {  	_ =	task.clear_ibuf [dreg:s7], $0x6FFFF;
	_ =	strace $0x90000046  }
0xb3: {  	s29 =	simm.s32 $0x9;
	_ =	strace $0x80000048  }
0xb4: {  	_ =	swait.ge [sflag:s29], $0x1  }
0xb5: {  	[sflag:s29] =	ssyncadd.s32 $0xFFFFFFFF  }
0xb6: {  	_ =	strace $0x90000048  }
0xb7: {  	_ =	sfence  }
0xb8: {  	s30 =	sld [smem:$0x0];
	_ =	sdelay $0x2  }
0xb9: {  	s31 =	sshll.u32 s1, $0xD;
	s1 =	sshrl.u32 s1, $0x2  }
0xba: {  	s3 =	sand.u32 $0x4000, s31;
	s1 =	sadd.s32 s1, s30  }
0xbb: {  	s0 =	sor.u32 s3, s0;
	s1 =	sshll.u32 s1, $0x11  }
0xbc: {  	s0 =	sor.u32 s1, s0  }
0xbd: {  	s0 =	sadd.s32 $0x8F2B, s0  }
0xbe: {  	[sflag:s0] =	ssyncadd.remote.s32 $0x1  }
0xbf: {  	_ =	sfence.sel $0xFFFF  }
0xc0: {  	[dreg:$0x0] =	wrdreg $0xFFFFFFFF;
	(pc) =	sbr.abs _section_cstart, $3  }
0xc1: {  	[dreg:$0x1] =	wrdreg $0xFFFFFFFF  }
0xc2: {  	_ =	task.clear_ibuf [dreg:s7], $0x2FFFF;
	_ =	strace $0x9FFFFFFF  }
0xc3: {  	(tm) =	ssettm $0x7FFFFFFF  }
tec
execute0_lowered:
.L_overlay_start_1:
0x0: {  	(tag) =	ssettag $0x1  }
0x1: {  	s5 =	rddreg [dreg:$0x0];
	s1 =	srdreg.scid  }
0x2: {  	s0 =	stileid.u32;
	s2 =	rddreg [dreg:$0x1]  }
0x3: {  	s3 =	rddreg [dreg:$0x2];
	s4 =	simm.s32 $0x0;
	s13 =	simm.s32 $0x300  }
0x4: {  	s14 =	simm.s32 $0x80;
	s15 =	simm.s32 $0x20;
	s16 =	simm.s32 $0x10  }
0x5: {  	s17 =	simm.s32 $0x0;
	s6 =	sand.u32 $0x1, s1;
	s1 =	rddreg [dreg:$0x3]  }
0x6: {  	s29 =	sshll.u32 s0, $0x1;
	[smem:$0x7FF] =	sst s4;
	s8 =	smul.u32 $0x600, s0  }
0x7: {  	s9 =	smul.u32 $0x300, s0;
	s31 =	sshll.u32 s0, $0x6;
	s7 =	sor.u32 s6, s29  }
0x8: {  	_ =	strace $0x80000047;
	s10 =	sshll.u32 s6, $0x7;
	s6 =	ssub.s32 $0x2, s6  }
0x9: {  	s7 =	smul.u32 $0x500, s7;
	s8 =	sor.u32 s10, s8;
	s30 =	sshrl.u32 s9, $0x3  }
0xa: {  	s11 =	sshrl.u32 s6, $0x1;
	s12 =	sadd.s32 s9, s3;
	s8 =	sshrl.u32 s8, $0x3  }
0xb: {  	s10 =	sadd.s32 s30, s5;
	s11 =	ssub.s32 s6, s11;
	s6 =	sor.u32 $0x1C01, s31  }
0xc: {  	s7 =	sadd.s32 s7, s5;
	s8 =	sadd.s32 s8, s5;
	s5 =	sadd.s32 $0xEE00, s10  }
0xd: {  	s9 =	smax.u32 s11, $0x1;
	s10 =	sshrl.u32 s12, $0x3;
	s11 =	simm.s32 $0x1  }
0xe: {  	s12 =	simm.s32 $0x2B00;
	s7 =	sadd.s32 $0x4E00, s7;
	s8 =	sadd.s32 $0xF400, s8  }
.LBB2_1:
0xf: {  	[spmem:s10], [sflag:s6] =	dma.local [hbm:s5], $0x60  }
0x10: {  	_ =	swait.ge [sflag:s11], $0x60  }
0x11: {  	[sflag:s11] =	ssyncset.done $0x0  }
0x12: {  	[sflag:s11] =	ssyncadd.s32 $0xFFFFFFA0  }
0x13: {  	[tilespmem:s12], [sflag:$0x1] =	stream.linear.gather [hbm4b:s2+s4], $0x80, $0x38;
	[tilespmem:$0x2B80] =	vst v63  }
0x14: {  	_ =	swait.ge [sflag:s11], $0x80  }
0x15: {  	[sflag:s11] =	ssyncset.done $0x0  }
0x16: {  	[sflag:s11] =	ssyncadd.s32 $0xFFFFFF80  }
0x17: {  	[tilespmem:s13], [sflag:$0x1] =	stream.linear.gather [hbm4b:s7+s4], $0x2800, $0x38;
	[tilespmem:$0x2B80] =	vst v63  }
0x18: {  	_ =	swait.ge [sflag:s11], $0x2800  }
0x19: {  	[sflag:s11] =	ssyncset.done $0x0  }
0x1a: {  	[sflag:s11] =	ssyncadd.s32 $0xFFFFD800  }
0x1b: {  	s18 =	simm.s32 $0x300;
	[bflag:$0x0] =	sbarrier.arrive $0xFFFF  }
0x1c: {  	[spmem:s3] =	stream.indirect.scatter.add.f32 [tilespmem:s12], [sflag:$0x1], $0x1, s18, s14, $0xb8;
	[tilespmem:$0x2B80] =	vst v63  }
0x1d: {  	s18 =	simm.s32 $0x200;
	_ =	swait.ge [sflag:s11], $0x80  }
.LBB2_2:
0x1e: {  	s19 =	sshra.s32 s18, $0x2;
	[sflag:s11] =	ssyncset.done $0x0;
	p0 =	sne.s32 s18, $0x9E00  }
.Ltmp0:
0x1f: {  	s19 =	sadd.s32 $0x300, s19;
	[sflag:s11] =	ssyncadd.s32 $0xFFFFFF80;
	(pc) =	sbr.rel @p0 .LBB2_2-.Ltmp0, $3  }
0x20: {  	[spmem:s3] =	stream.indirect.scatter.add.f32 [tilespmem:s12], [sflag:$0x1], $0x1, s19, s14, $0xb8;
	[tilespmem:$0x2B80] =	vst v63  }
0x21: {  	s18 =	sadd.s32 $0x200, s18;
	_ =	sdelay $0x1  }
0x22: {  	_ =	swait.ge [sflag:s11], $0x80  }
0x23: {  	[sflag:s11] =	ssyncset.done $0x0;
	s17 =	sadd.s32 $0x1, s17  }
0x24: {  	[sflag:s11] =	ssyncadd.s32 $0xFFFFFF80;
	p0 =	sne.s32 s17, s9  }
.Ltmp1:
0x25: {  	[bflag:$0x0] =	sbarrier.arrive $0xFFFF;
	(pc) =	sbr.rel @p0 .LBB2_1-.Ltmp1, $4  }
0x26: {  	[hbm:s8@s15], [sflag:s6] =	dma.strided [spmem:s10@s16], $0x60, s11, $0x10   }
0x27: {  	_ =	swait.ge [sflag:s11], $0x60  }
0x28: {  	[sflag:s11] =	ssyncset.done $0x0  }
0x29: {  	[sflag:s11] =	ssyncadd.s32 $0xFFFFFFA0  }
0x2a: {  	_ =	sfence.sel $0x180000  }
0x2b: {  	[bflag:$0x0] =	sbarrier.arrive $0xFFFF  }
0x2c: {  	p0 =	sne.s32 s0, $0x0;
	_ =	strace $0x90000047  }
0x2d: {  	s0 =	sadd.s32 @!p0 $0x100000, s1;
	[bflag:$0x2] =	sbarrier.arrive $0xFFFF  }
0x2e: {  	[sflag:s0] =	ssyncadd.tile.s32 @!p0 $0x1;
	_ =	shalt  }
.Lfunc_end2:
_tile_overlayer_lowered:
.L_overlay_start_2:
0x2f: {  	(tag) =	ssettag $0x2  }
0x30: {  	s0 =	rddreg [dreg:$0x0];
	s2 =	stileid.u32  }
0x31: {  	s1 =	rddreg [dreg:$0x1];
	p0 =	sne.s32 s2, $0x0  }
0x32: {  	s3 =	rddreg [dreg:$0x2];
	[bflag:$0x3] =	sbarrier.arrive $0xFFFF;
	s2 =	simm.s32 @!p0 $0x1C01  }
0x33: {  	[timem:s3], [sflag:s2] =	dma.local @!p0 [hbm:s0], s1  }
0x34: {  	s0 =	simm.s32 @!p0 $0x1  }
0x35: {  	_ =	swait.ge @!p0 [sflag:s0], s1  }
0x36: {  	s1 =	ssub.s32 @!p0 $0x0, s1;
	[sflag:s0] =	ssyncset.done @!p0 $0x0  }
0x37: {  	[sflag:s0] =	ssyncadd.s32 @!p0 s1  }
0x38: {  	[bflag:$0x3] =	sbarrier.arrive $0xFFFF  }
0x39: {  	_ =	shalt  }

// kernel: kernel.15.cloned.1.call-start
scs
__scs_entry_jumppad:
0x0: {  	(pc) =	sbr.rel $0x88, $3  }
0x1: {  	(tag) =	ssettag $0x0;
	lr =	simm.s32 $0x1  }
0x2: {  	[smem:$0x3F94] =	sst lr;
	_ =	strace $0xD0000000  }
0x3: {  	_ = 	snop  }
0x4: {  	_ = 	snop  }
0x5: {  	_ = 	snop  }
0x6: {  	_ = 	snop  }
0x7: {  	_ = 	snop  }
__scs_overlays_trampoline_lowered:
0x8: {  	[smem:$0x3FA3] =	sst s0  }
0x9: {  	[smem:$0x3FA4] =	sst s1  }
0xa: {  	[smem:$0x3FA5] =	sst s2  }
0xb: {  	[smem:$0x3FA6] =	sst s3  }
0xc: {  	[smem:$0x3FA7] =	sst s4  }
0xd: {  	[smem:$0x3FA8] =	sst s5  }
0xe: {  	[smem:$0x3FA9] =	sst s6  }
0xf: {  	[smem:$0x3FAA] =	sst s7  }
0x10: {  	[smem:$0x3FAB] =	sst s8  }
0x11: {  	[smem:$0x3FAC] =	sst s9;
	s0 =	simm.s32 @!p0 $0x0  }
0x12: {  	s1 =	sld [smem:$0x3F92];
	s0 =	simm.s32 @p0 $0x1  }
0x13: {  	[smem:$0x3FAD] =	sst s0;
	s0 =	simm.s32 @!p1 $0x0  }
0x14: {  	s2 =	sld [smem:$0x3F91];
	s0 =	simm.s32 @p1 $0x1  }
0x15: {  	[smem:$0x3FAE] =	sst s0;
	s0 =	simm.s32 @!p2 $0x0  }
0x16: {  	s3 =	sld [smem:$0x3FDB];
	s0 =	simm.s32 @p2 $0x1  }
0x17: {  	s4 =	simm.s32 $0x1BF5;
	[smem:$0x3FB0] =	sst s0  }
0x18: {  	s0 =	sld [smem:$0x3F93];
	_ =	swait.ge [sflag:s4], $0x0  }
0x19: {  	s7 =	sld [smem:$0x3F94]  }
0x1a: {  	s8 =	sadd.s32 $0xFFFFE003, lr  }
0x1b: {  	s9 =	sadd.s32 $0xFFFFFEF7, lr;
	s5 =	simm.s32 $0xFFFFFFFF;
	p2 =	slt.u32 s8, $0xFFFFF086  }
0x1c: {  	p1 =	slt.u32 s9, $0xF7A;
	s5 =	simm.s32 @!p2 $0x0  }
0x1d: {  	s5 =	simm.s32 @p1 $0x1;
	p0 =	seq.s32 s7, s2  }
0x1e: {  	s7 =	smul.u32 @!p0 $0xF7A, s2;
	p2 =	seq.s32 @!p0 s5, $0x0  }
0x1f: {  	s9 =	smul.u32 $0xF7A, s1;
	s8 =	simm.s32 @!p0 $0x1BF5;
	p2 =	por !p2, p0  }
0x20: {  	[sflag:s8] =	ssyncset.s32 @!p0 $0xFFFFF086;
	s6 =	sadd.s32 @!p0 s3, s7;
	s7 =	simm.s32 @!p0 $0x108  }
0x21: {  	s3 =	sadd.s32 s3, s9;
	s6 =	sadd.s32 @!p0 $0x88, s6;
	s7 =	simm.s32 @p2 $0x1082  }
0x22: {  	[simem:s7], [sflag:s8] =	dma.local @!p0 [hbm:s6], $0xF7A  }
0x23: {  	s9 =	sor.u32 $0xD0000000, s2;
	s6 =	simm.s32 $0x108;
	_ =	swait.ge @!p0 [sflag:s8], $0x0  }
0x24: {  	s3 =	sadd.s32 $0x88, s3;
	s6 =	simm.s32 @!p1 $0x1082;
	[sflag:s4] =	ssyncset.s32 $0xFFFFF086  }
0x25: {  	[simem:s6], [sflag:s4] =	dma.local [hbm:s3], $0xF7A  }
0x26: {  	[smem:$0x3F94] =	sst s1;
	(tag) =	ssettag s2;
	_ =	strace s9  }
0x27: {  	s1 =	sld [smem:$0x3FA4]  }
0x28: {  	s2 =	sld [smem:$0x3FA5]  }
0x29: {  	s4 =	sld [smem:$0x3FA7]  }
0x2a: {  	p0 =	seq.s32 s5, $0x0;
	s5 =	sld [smem:$0x3FA8]  }
0x2b: {  	s6 =	sld [smem:$0x3FA9]  }
0x2c: {  	s7 =	sld [smem:$0x3FAA]  }
0x2d: {  	s3 =	simm.s32 $0x108;
	s8 =	sld [smem:$0x3FAB]  }
0x2e: {  	s3 =	simm.s32 @!p0 $0x1082;
	s9 =	sld [smem:$0x3FAC]  }
0x2f: {  	lr =	sadd.s32 s0, s3;
	s0 =	sld [smem:$0x3FA3]  }
0x30: {  	s3 =	sld [smem:$0x3FA6]  }
0x31: {  	[smem:$0x3FAF] =	sst s10  }
0x32: {  	s10 =	sld [smem:$0x3FAD];
	_ =	sdelay $0x3  }
0x33: {  	p0 =	seq.s32 s10, $0x1;
	s10 =	sld [smem:$0x3FAF];
	_ =	sdelay $0x3  }
0x34: {  	[smem:$0x3FAF] =	sst s10  }
0x35: {  	s10 =	sld [smem:$0x3FAE];
	_ =	sdelay $0x3  }
0x36: {  	p1 =	seq.s32 s10, $0x1;
	s10 =	sld [smem:$0x3FAF];
	_ =	sdelay $0x3  }
0x37: {  	[smem:$0x3FAF] =	sst s10  }
0x38: {  	s10 =	sld [smem:$0x3FB0]  }
0x39: {  	_ = 	snop;
	(pc) =	sbr.ind lr, $3  }
0x3a: {  	_ = 	snop  }
0x3b: {  	_ = 	snop  }
0x3c: {  	p2 =	seq.s32 s10, $0x1;
	s10 =	sld [smem:$0x3FAF]  }
0x3d: {  	_ =	shalt  }
0x3e: {  	_ =	shalt  }
0x3f: {  	_ =	shalt  }
0x40: {  	_ =	shalt  }
0x41: {  	_ =	shalt  }
0x42: {  	_ =	shalt  }
0x43: {  	_ =	shalt  }
0x44: {  	_ =	shalt  }
0x45: {  	_ =	shalt  }
0x46: {  	_ =	shalt  }
0x47: {  	_ =	shalt  }
0x48: {  	_ =	shalt  }
0x49: {  	_ =	shalt  }
0x4a: {  	_ =	shalt  }
0x4b: {  	_ =	shalt  }
0x4c: {  	_ =	shalt  }
0x4d: {  	_ =	shalt  }
0x4e: {  	_ =	shalt  }
0x4f: {  	_ =	shalt  }
0x50: {  	_ =	shalt  }
0x51: {  	_ =	shalt  }
0x52: {  	_ =	shalt  }
0x53: {  	_ =	shalt  }
0x54: {  	_ =	shalt  }
0x55: {  	_ =	shalt  }
0x56: {  	_ =	shalt  }
0x57: {  	_ =	shalt  }
0x58: {  	_ =	shalt  }
0x59: {  	_ =	shalt  }
0x5a: {  	_ =	shalt  }
0x5b: {  	_ =	shalt  }
0x5c: {  	_ =	shalt  }
0x5d: {  	_ =	shalt  }
0x5e: {  	_ =	shalt  }
0x5f: {  	_ =	shalt  }
0x60: {  	_ =	shalt  }
0x61: {  	_ =	shalt  }
0x62: {  	_ =	shalt  }
0x63: {  	_ =	shalt  }
0x64: {  	_ =	shalt  }
0x65: {  	_ =	shalt  }
0x66: {  	_ =	shalt  }
0x67: {  	_ =	shalt  }
0x68: {  	_ =	shalt  }
0x69: {  	_ =	shalt  }
0x6a: {  	_ =	shalt  }
0x6b: {  	_ =	shalt  }
0x6c: {  	_ =	shalt  }
0x6d: {  	_ =	shalt  }
0x6e: {  	_ =	shalt  }
0x6f: {  	_ =	shalt  }
0x70: {  	_ =	shalt  }
0x71: {  	_ =	shalt  }
0x72: {  	_ =	shalt  }
0x73: {  	_ =	shalt  }
0x74: {  	_ =	shalt  }
0x75: {  	_ =	shalt  }
0x76: {  	_ =	shalt  }
0x77: {  	_ =	shalt  }
0x78: {  	_ =	shalt  }
0x79: {  	_ =	shalt  }
0x7a: {  	_ =	shalt  }
0x7b: {  	_ =	shalt  }
0x7c: {  	_ =	shalt  }
0x7d: {  	_ =	shalt  }
0x7e: {  	_ =	shalt  }
0x7f: {  	_ =	shalt  }
0x80: {  	_ =	shalt  }
0x81: {  	_ =	shalt  }
0x82: {  	_ =	shalt  }
0x83: {  	_ =	shalt  }
0x84: {  	_ =	shalt  }
0x85: {  	_ =	shalt  }
0x86: {  	_ =	shalt  }
0x87: {  	_ =	shalt  }
.Lfunc_end0:
.L_simem_size_0:
called_computation.1_lowered:
.L_overlay_start_0:
0x88: {  	s2 =	sld [smem:$0x3FD9]  }
0x89: {  	s3 =	sld [smem:$0x3FFE];
	_ =	sdelay $0x1  }
0x8a: {  	s1 =	srdreg.scid  }
0x8b: {  	s0 =	sand.u32 $0x1, s1  }
0x8c: {  	s16 =	sshll.u32 s0, $0xA;
	s2 =	sadd.s32 s3, s2  }
0x8d: {  	s2 =	sadd.s32 s2, s16  }
0x8e: {  	[smem:$0x3FBB] =	sst s2  }
0x8f: {  	_ = 	snop  }
0x90: {  	(tm) =	ssettm $0x1  }
0x91: {  	s17 =	sld [smem:$0x3FFB];
	_ =	sdelay $0x3  }
0x92: {  	_ =	strace s17  }
0x93: {  	s2 =	sld [smem:$0x3FFC];
	_ =	sdelay $0x3  }
0x94: {  	_ =	strace s2  }
0x95: {  	s2 =	sld [smem:$0x3FFD];
	_ =	sdelay $0x3  }
0x96: {  	_ =	strace s2  }
0x97: {  	_ =	strace $0x8FFFFFFF  }
0x98: {  	s18 =	sld [smem:$0x3FDB];
	_ =	sdelay $0x1  }
0x99: {  	s19 =	simm.s32 $_scs_section_size  }
0x9a: {  	s4 =	simm.s32 $_size__tile_overlayer_lowered;
	s5 =	simm.s32 $_tile_overlayer_lowered  }
0x9b: {  	s22 =	simm.s32 $0x1BFF;
	s21 =	sshll.u32 s5, $0x1;
	s2 =	sadd.s32 s19, s18  }
0x9c: {  	s6 =	simm.s32 $0x0;
	s20 =	sshll.u32 s4, $0x1;
	s4 =	sadd.s32 s21, s2  }
0x9d: {  	[timem:s6], [sflag:s22] =	dma.local [hbm:s4], s20  }
0x9e: {  	_ =	swait.ge [sflag:s22], s20  }
0x9f: {  	s3 =	ssub.s32 $0x0, s20;
	[sflag:s22] =	ssyncset.done $0x0  }
0xa0: {  	[sflag:s22] =	ssyncadd.s32 s3;
	_ =	sdelay $0x1  }
0xa1: {  	s23 =	simm.s32 $0x1B8B  }
0xa2: {  	_ =	swait.ge [sflag:s23], $0x1  }
0xa3: {  	[sflag:s23] =	ssyncset.done $0x0  }
0xa4: {  	s25 =	simm.s32 $0x1B8E;
	s24 =	sld [smem:$0x3FFE];
	[sflag:s23] =	ssyncadd.s32 $0xFFFFFFFF  }
0xa5: {  	s26 =	simm.s32 $execute0_lowered;
	[smem:$0x3FD2] =	sst s25  }
0xa6: {  	s4 =	sshll.u32 s26, $0x1;
	_ =	strace $0x80000049;
	[dreg:$0x1] =	wrdreg $0xFFFFFFFF  }
0xa7: {  	s28 =	simm.s32 $_size_execute0_lowered;
	s2 =	sadd.s32 s2, s4;
	[dreg:$0x0] =	wrdreg $0x0  }
0xa8: {  	s4 =	sshll.u32 s28, $0x1;
	[dreg:$0x2] =	wrdreg s2  }
0xa9: {  	[dreg:$0x3] =	wrdreg s4  }
0xaa: {  	[dreg:$0x4] =	wrdreg $0xC0  }
0xab: {  	_ =	task [dreg:s6], $0x5FFFF  }
0xac: {  	[dreg:$0x1] =	wrdreg $0xFFFFFFFF  }
0xad: {  	[dreg:$0x0] =	wrdreg $0x60  }
0xae: {  	[dreg:$0x2] =	wrdreg s24  }
0xaf: {  	[dreg:$0x3] =	wrdreg $0x0  }
0xb0: {  	[dreg:$0x4] =	wrdreg $0x9  }
0xb1: {  	_ =	task.clear_ibuf [dreg:s6], $0x5FFFF;
	_ =	strace $0x90000049  }
0xb2: {  	s29 =	simm.s32 $0x9;
	_ =	strace $0x8000004B  }
0xb3: {  	_ =	swait.ge [sflag:s29], $0x1  }
0xb4: {  	[sflag:s29] =	ssyncadd.s32 $0xFFFFFFFF  }
0xb5: {  	_ =	strace $0x9000004B  }
0xb6: {  	_ =	sfence  }
0xb7: {  	s30 =	sld [smem:$0x0];
	_ =	sdelay $0x2  }
0xb8: {  	s31 =	sshll.u32 s1, $0xD;
	s1 =	sshrl.u32 s1, $0x2  }
0xb9: {  	s3 =	sand.u32 $0x4000, s31;
	s1 =	sadd.s32 s1, s30  }
0xba: {  	s0 =	sor.u32 s3, s0;
	s1 =	sshll.u32 s1, $0x11  }
0xbb: {  	s0 =	sor.u32 s1, s0  }
0xbc: {  	s0 =	sadd.s32 $0x8F2B, s0  }
0xbd: {  	[sflag:s0] =	ssyncadd.remote.s32 $0x1  }
0xbe: {  	_ =	sfence.sel $0xFFFF  }
0xbf: {  	[dreg:$0x0] =	wrdreg $0xFFFFFFFF;
	(pc) =	sbr.abs _section_cstart, $3  }
0xc0: {  	[dreg:$0x1] =	wrdreg $0xFFFFFFFF  }
0xc1: {  	_ =	task.clear_ibuf [dreg:s6], $0x2FFFF;
	_ =	strace $0x9FFFFFFF  }
0xc2: {  	(tm) =	ssettm $0x7FFFFFFF  }
0xc3: {  	_ =	shalt  }
tec
execute0_lowered:
.L_overlay_start_1:
0x0: {  	(tag) =	ssettag $0x1  }
0x1: {  	s7 =	rddreg [dreg:$0x0]  }
0x2: {  	s1 =	rddreg [dreg:$0x1];
	s2 =	srdreg.scid  }
0x3: {  	s0 =	rddreg [dreg:$0x2];
	s3 =	simm.s32 $0x0;
	s15 =	simm.s32 $0x18800  }
0x4: {  	s16 =	simm.s32 $0x80;
	s17 =	simm.s32 $0x19000;
	s18 =	simm.s32 $0x1  }
0x5: {  	s8 =	sand.u32 $0x1, s2;
	s2 =	stileid.u32;
	[smem:$0x7FF] =	sst s3  }
0x6: {  	s4 =	sadd.s32 $0xEE00, s7;
	s5 =	sadd.s32 $0x40000, s7;
	s9 =	smul.u32 $0x180000, s8  }
0x7: {  	s6 =	sadd.s32 $0x4E00, s7;
	s10 =	smul.u32 $0x18000, s2;
	_ =	strace $0x8000004A  }
0x8: {  	s11 =	ssub.s32 $0x2, s8;
	s13 =	sshll.u32 s2, $0x1;
	s14 =	smul.u32 $0x60000, s2  }
0x9: {  	p0 =	seq.s32 s8, $0x0;
	s29 =	smul.u32 $0x3000, s2;
	s31 =	sshll.u32 s2, $0x6  }
0xa: {  	s12 =	sshrl.u32 s11, $0x1;
	s26 =	sor.u32 s8, s13;
	s13 =	simm.s32 $0x2  }
0xb: {  	s9 =	sadd.s32 s10, s9;
	s10 =	sadd.s32 $0xAA000, s7;
	s11 =	ssub.s32 s11, s12  }
0xc: {  	s28 =	sshrl.u32 s14, $0x2;
	s14 =	simm.s32 $0x18000;
	s9 =	sshrl.u32 s9, $0x3  }
0xd: {  	s30 =	sadd.s32 s28, s1;
	s10 =	smov.u32 @p0 s4;
	s9 =	sadd.s32 s9, s7  }
0xe: {  	s7 =	smul.u32 $0x2800, s26;
	s10 =	sadd.s32 s10, s29;
	s12 =	sshrl.u32 s30, $0x3  }
0xf: {  	s8 =	sadd.s32 $0xDA000, s9;
	s9 =	smax.u32 s11, $0x1;
	s11 =	sor.u32 $0x1C02, s31  }
.LBB2_1:
0x10: {  	[spmem:s12], [sflag:s11] =	dma.local [hbm:s10], $0x3000  }
0x11: {  	_ =	swait.ge [sflag:s13], $0x3000  }
0x12: {  	[sflag:s13] =	ssyncset.done $0x0  }
0x13: {  	[sflag:s13] =	ssyncadd.s32 $0xFFFFD000  }
0x14: {  	s19 =	simm.s32 $0x0;
	[bflag:$0x0] =	sbarrier.arrive $0xFFFF  }
.LBB2_2:
0x15: {  	s20 =	sshll.u32 s19, $0xB  }
0x16: {  	s20 =	sadd.s32 s7, s20  }
0x17: {  	s20 =	sshrl.u32 s20, $0x3  }
0x18: {  	s22 =	simm.s32 $0x0;
	s21 =	sadd.s32 s5, s20  }
0x19: {  	[tilespmem:s14], [sflag:$0x2] =	stream.linear.gather [hbm4b:s21+s22], $0x800, $0x38;
	[tilespmem:$0x1D000] =	vst v63  }
0x1a: {  	_ =	swait.ge [sflag:s13], $0x800  }
0x1b: {  	[sflag:s13] =	ssyncset.done $0x0  }
0x1c: {  	s20 =	sadd.s32 s6, s20;
	[sflag:s13] =	ssyncadd.s32 $0xFFFFF800  }
0x1d: {  	[tilespmem:s15], [sflag:$0x2] =	stream.linear.gather [hbm4b:s20+s22], $0x800, $0x38;
	[tilespmem:$0x1D000] =	vst v63  }
0x1e: {  	_ =	swait.ge [sflag:s13], $0x800  }
0x1f: {  	[sflag:s13] =	ssyncset.done $0x0  }
0x20: {  	s30 =	simm.s32 $0x18000;
	[sflag:s13] =	ssyncadd.s32 $0xFFFFF800  }
0x21: {  	[tilespmem:s17], [sflag:$0x1] =	stream.indirect.gather [hbm4b:s4+s16], $0x80, s30, s16, $0xb8;
	[tilespmem:$0x1D000] =	vst v63  }
0x22: {  	_ =	swait.ge [sflag:s18], $0x4000  }
0x23: {  	[sflag:s18] =	ssyncset.done $0x0  }
0x24: {  	s31 =	simm.s32 $0x18800;
	[sflag:s18] =	ssyncadd.s32 $0xFFFFC000  }
0x25: {  	[spmem:s1] =	stream.indirect.scatter.add.f32 [tilespmem:s17], [sflag:$0x2], $0x80, s31, s16, $0xb8;
	[tilespmem:$0x1D000] =	vst v63  }
0x26: {  	_ =	swait.ge [sflag:s13], $0x4000  }
0x27: {  	s21 =	simm.s32 $0x400;
	s20 =	simm.s32 $0x80;
	[sflag:s13] =	ssyncset.done $0x0  }
.LBB2_3:
0x28: {  	s22 =	sadd.s32 $0x18000, s20  }
0x29: {  	[sflag:s13] =	ssyncadd.s32 $0xFFFFC000;
	s23 =	smov.u32 s21;
	s24 =	sadd.s32 $0x200, s21  }
0x2a: {  	[tilespmem:s17], [sflag:$0x1] =	stream.indirect.gather [hbm4b:s4+s16], $0x80, s22, s16, $0xb8;
	[tilespmem:$0x1D000] =	vst v63  }
0x2b: {  	p0 =	sne.s32 s21, $0x1E00;
	_ =	swait.ge [sflag:s18], $0x4000  }
.Ltmp0:
0x2c: {  	[sflag:s18] =	ssyncset.done $0x0;
	(pc) =	sbr.rel @p0 .LBB2_3-.Ltmp0, $4  }
0x2d: {  	s20 =	sadd.s32 $0x18800, s20;
	[sflag:s18] =	ssyncadd.s32 $0xFFFFC000  }
0x2e: {  	[spmem:s1] =	stream.indirect.scatter.add.f32 [tilespmem:s17], [sflag:$0x2], $0x80, s20, s16, $0xb8;
	[tilespmem:$0x1D000] =	vst v63  }
0x2f: {  	_ =	swait.ge [sflag:s13], $0x4000  }
0x30: {  	s21 =	smov.u32 s24;
	s20 =	sshra.s32 s23, $0x2;
	[sflag:s13] =	ssyncset.done $0x0  }
0x31: {  	s21 =	sadd.s32 $0x18000, s20;
	[sflag:s13] =	ssyncadd.s32 $0xFFFFC000  }
0x32: {  	[tilespmem:s17], [sflag:$0x1] =	stream.indirect.gather [hbm4b:s4+s16], $0x80, s21, s16, $0xb8;
	[tilespmem:$0x1D000] =	vst v63  }
0x33: {  	s19 =	sadd.s32 $0x1, s19;
	_ =	swait.ge [sflag:s18], $0x4000  }
0x34: {  	p0 =	sne.s32 s19, $0x5;
	[sflag:s18] =	ssyncset.done $0x0  }
.Ltmp1:
0x35: {  	s31 =	sadd.s32 $0x18800, s20;
	[sflag:s18] =	ssyncadd.s32 $0xFFFFC000;
	(pc) =	sbr.rel @p0 .LBB2_2-.Ltmp1, $4  }
0x36: {  	[spmem:s1] =	stream.indirect.scatter.add.f32 [tilespmem:s17], [sflag:$0x2], $0x80, s31, s16, $0xb8;
	[tilespmem:$0x1D000] =	vst v63  }
0x37: {  	_ =	swait.ge [sflag:s13], $0x4000  }
0x38: {  	[sflag:s13] =	ssyncset.done $0x0  }
0x39: {  	[sflag:s13] =	ssyncadd.s32 $0xFFFFC000  }
0x3a: {  	s3 =	sadd.s32 $0x1, s3  }
0x3b: {  	p0 =	sne.s32 s3, s9  }
.Ltmp2:
0x3c: {  	[bflag:$0x0] =	sbarrier.arrive $0xFFFF;
	(pc) =	sbr.rel @p0 .LBB2_1-.Ltmp2, $4  }
0x3d: {  	[hbm:s8], [sflag:s11] =	dma.local [spmem:s12], $0x3000  }
0x3e: {  	_ =	swait.ge [sflag:s13], $0x3000  }
0x3f: {  	[sflag:s13] =	ssyncset.done $0x0  }
0x40: {  	[sflag:s13] =	ssyncadd.s32 $0xFFFFD000  }
0x41: {  	_ =	sfence.sel $0x180000  }
0x42: {  	[bflag:$0x0] =	sbarrier.arrive $0xFFFF  }
0x43: {  	p0 =	sne.s32 s2, $0x0;
	_ =	strace $0x9000004A  }
0x44: {  	s0 =	sadd.s32 @!p0 $0x100000, s0;
	[bflag:$0x2] =	sbarrier.arrive $0xFFFF  }
0x45: {  	[sflag:s0] =	ssyncadd.tile.s32 @!p0 $0x1;
	_ =	shalt  }
.Lfunc_end2:
_tile_overlayer_lowered:
.L_overlay_start_2:
0x46: {  	(tag) =	ssettag $0x2  }
0x47: {  	s0 =	rddreg [dreg:$0x0];
	s2 =	stileid.u32  }
0x48: {  	s1 =	rddreg [dreg:$0x1];
	p0 =	sne.s32 s2, $0x0  }
0x49: {  	s3 =	rddreg [dreg:$0x2];
	[bflag:$0x3] =	sbarrier.arrive $0xFFFF;
	s2 =	simm.s32 @!p0 $0x1C02  }
0x4a: {  	[timem:s3], [sflag:s2] =	dma.local @!p0 [hbm:s0], s1  }
0x4b: {  	s0 =	simm.s32 @!p0 $0x2  }
0x4c: {  	_ =	swait.ge @!p0 [sflag:s0], s1  }
0x4d: {  	s1 =	ssub.s32 @!p0 $0x0, s1;
	[sflag:s0] =	ssyncset.done @!p0 $0x0  }
0x4e: {  	[sflag:s0] =	ssyncadd.s32 @!p0 s1  }
0x4f: {  	[bflag:$0x3] =	sbarrier.arrive $0xFFFF  }
0x50: {  	_ =	shalt  }

// kernel: kernel.18.cloned.1.call-start
scs
__scs_entry_jumppad:
0x0: {  	(pc) =	sbr.rel $0x88, $3  }
0x1: {  	(tag) =	ssettag $0x0;
	lr =	simm.s32 $0x1  }
0x2: {  	[smem:$0x3F94] =	sst lr;
	_ =	strace $0xD0000000  }
0x3: {  	_ = 	snop  }
0x4: {  	_ = 	snop  }
0x5: {  	_ = 	snop  }
0x6: {  	_ = 	snop  }
0x7: {  	_ = 	snop  }
__scs_overlays_trampoline_lowered:
0x8: {  	[smem:$0x3FA3] =	sst s0  }
0x9: {  	[smem:$0x3FA4] =	sst s1  }
0xa: {  	[smem:$0x3FA5] =	sst s2  }
0xb: {  	[smem:$0x3FA6] =	sst s3  }
0xc: {  	[smem:$0x3FA7] =	sst s4  }
0xd: {  	[smem:$0x3FA8] =	sst s5  }
0xe: {  	[smem:$0x3FA9] =	sst s6  }
0xf: {  	[smem:$0x3FAA] =	sst s7  }
0x10: {  	[smem:$0x3FAB] =	sst s8  }
0x11: {  	[smem:$0x3FAC] =	sst s9;
	s0 =	simm.s32 @!p0 $0x0  }
0x12: {  	s1 =	sld [smem:$0x3F92];
	s0 =	simm.s32 @p0 $0x1  }
0x13: {  	[smem:$0x3FAD] =	sst s0;
	s0 =	simm.s32 @!p1 $0x0  }
0x14: {  	s2 =	sld [smem:$0x3F91];
	s0 =	simm.s32 @p1 $0x1  }
0x15: {  	[smem:$0x3FAE] =	sst s0;
	s0 =	simm.s32 @!p2 $0x0  }
0x16: {  	s3 =	sld [smem:$0x3FDB];
	s0 =	simm.s32 @p2 $0x1  }
0x17: {  	s4 =	simm.s32 $0x1BF5;
	[smem:$0x3FB0] =	sst s0  }
0x18: {  	s0 =	sld [smem:$0x3F93];
	_ =	swait.ge [sflag:s4], $0x0  }
0x19: {  	s7 =	sld [smem:$0x3F94]  }
0x1a: {  	s8 =	sadd.s32 $0xFFFFE003, lr  }
0x1b: {  	s9 =	sadd.s32 $0xFFFFFEF7, lr;
	s5 =	simm.s32 $0xFFFFFFFF;
	p2 =	slt.u32 s8, $0xFFFFF086  }
0x1c: {  	p1 =	slt.u32 s9, $0xF7A;
	s5 =	simm.s32 @!p2 $0x0  }
0x1d: {  	s5 =	simm.s32 @p1 $0x1;
	p0 =	seq.s32 s7, s2  }
0x1e: {  	s7 =	smul.u32 @!p0 $0xF7A, s2;
	p2 =	seq.s32 @!p0 s5, $0x0  }
0x1f: {  	s9 =	smul.u32 $0xF7A, s1;
	s8 =	simm.s32 @!p0 $0x1BF5;
	p2 =	por !p2, p0  }
0x20: {  	[sflag:s8] =	ssyncset.s32 @!p0 $0xFFFFF086;
	s6 =	sadd.s32 @!p0 s3, s7;
	s7 =	simm.s32 @!p0 $0x108  }
0x21: {  	s3 =	sadd.s32 s3, s9;
	s6 =	sadd.s32 @!p0 $0x88, s6;
	s7 =	simm.s32 @p2 $0x1082  }
0x22: {  	[simem:s7], [sflag:s8] =	dma.local @!p0 [hbm:s6], $0xF7A  }
0x23: {  	s9 =	sor.u32 $0xD0000000, s2;
	s6 =	simm.s32 $0x108;
	_ =	swait.ge @!p0 [sflag:s8], $0x0  }
0x24: {  	s3 =	sadd.s32 $0x88, s3;
	s6 =	simm.s32 @!p1 $0x1082;
	[sflag:s4] =	ssyncset.s32 $0xFFFFF086  }
0x25: {  	[simem:s6], [sflag:s4] =	dma.local [hbm:s3], $0xF7A  }
0x26: {  	[smem:$0x3F94] =	sst s1;
	(tag) =	ssettag s2;
	_ =	strace s9  }
0x27: {  	s1 =	sld [smem:$0x3FA4]  }
0x28: {  	s2 =	sld [smem:$0x3FA5]  }
0x29: {  	s4 =	sld [smem:$0x3FA7]  }
0x2a: {  	p0 =	seq.s32 s5, $0x0;
	s5 =	sld [smem:$0x3FA8]  }
0x2b: {  	s6 =	sld [smem:$0x3FA9]  }
0x2c: {  	s7 =	sld [smem:$0x3FAA]  }
0x2d: {  	s3 =	simm.s32 $0x108;
	s8 =	sld [smem:$0x3FAB]  }
0x2e: {  	s3 =	simm.s32 @!p0 $0x1082;
	s9 =	sld [smem:$0x3FAC]  }
0x2f: {  	lr =	sadd.s32 s0, s3;
	s0 =	sld [smem:$0x3FA3]  }
0x30: {  	s3 =	sld [smem:$0x3FA6]  }
0x31: {  	[smem:$0x3FAF] =	sst s10  }
0x32: {  	s10 =	sld [smem:$0x3FAD];
	_ =	sdelay $0x3  }
0x33: {  	p0 =	seq.s32 s10, $0x1;
	s10 =	sld [smem:$0x3FAF];
	_ =	sdelay $0x3  }
0x34: {  	[smem:$0x3FAF] =	sst s10  }
0x35: {  	s10 =	sld [smem:$0x3FAE];
	_ =	sdelay $0x3  }
0x36: {  	p1 =	seq.s32 s10, $0x1;
	s10 =	sld [smem:$0x3FAF];
	_ =	sdelay $0x3  }
0x37: {  	[smem:$0x3FAF] =	sst s10  }
0x38: {  	s10 =	sld [smem:$0x3FB0]  }
0x39: {  	_ = 	snop;
	(pc) =	sbr.ind lr, $3  }
0x3a: {  	_ = 	snop  }
0x3b: {  	_ = 	snop  }
0x3c: {  	p2 =	seq.s32 s10, $0x1;
	s10 =	sld [smem:$0x3FAF]  }
0x3d: {  	_ =	shalt  }
0x3e: {  	_ =	shalt  }
0x3f: {  	_ =	shalt  }
0x40: {  	_ =	shalt  }
0x41: {  	_ =	shalt  }
0x42: {  	_ =	shalt  }
0x43: {  	_ =	shalt  }
0x44: {  	_ =	shalt  }
0x45: {  	_ =	shalt  }
0x46: {  	_ =	shalt  }
0x47: {  	_ =	shalt  }
0x48: {  	_ =	shalt  }
0x49: {  	_ =	shalt  }
0x4a: {  	_ =	shalt  }
0x4b: {  	_ =	shalt  }
0x4c: {  	_ =	shalt  }
0x4d: {  	_ =	shalt  }
0x4e: {  	_ =	shalt  }
0x4f: {  	_ =	shalt  }
0x50: {  	_ =	shalt  }
0x51: {  	_ =	shalt  }
0x52: {  	_ =	shalt  }
0x53: {  	_ =	shalt  }
0x54: {  	_ =	shalt  }
0x55: {  	_ =	shalt  }
0x56: {  	_ =	shalt  }
0x57: {  	_ =	shalt  }
0x58: {  	_ =	shalt  }
0x59: {  	_ =	shalt  }
0x5a: {  	_ =	shalt  }
0x5b: {  	_ =	shalt  }
0x5c: {  	_ =	shalt  }
0x5d: {  	_ =	shalt  }
0x5e: {  	_ =	shalt  }
0x5f: {  	_ =	shalt  }
0x60: {  	_ =	shalt  }
0x61: {  	_ =	shalt  }
0x62: {  	_ =	shalt  }
0x63: {  	_ =	shalt  }
0x64: {  	_ =	shalt  }
0x65: {  	_ =	shalt  }
0x66: {  	_ =	shalt  }
0x67: {  	_ =	shalt  }
0x68: {  	_ =	shalt  }
0x69: {  	_ =	shalt  }
0x6a: {  	_ =	shalt  }
0x6b: {  	_ =	shalt  }
0x6c: {  	_ =	shalt  }
0x6d: {  	_ =	shalt  }
0x6e: {  	_ =	shalt  }
0x6f: {  	_ =	shalt  }
0x70: {  	_ =	shalt  }
0x71: {  	_ =	shalt  }
0x72: {  	_ =	shalt  }
0x73: {  	_ =	shalt  }
0x74: {  	_ =	shalt  }
0x75: {  	_ =	shalt  }
0x76: {  	_ =	shalt  }
0x77: {  	_ =	shalt  }
0x78: {  	_ =	shalt  }
0x79: {  	_ =	shalt  }
0x7a: {  	_ =	shalt  }
0x7b: {  	_ =	shalt  }
0x7c: {  	_ =	shalt  }
0x7d: {  	_ =	shalt  }
0x7e: {  	_ =	shalt  }
0x7f: {  	_ =	shalt  }
0x80: {  	_ =	shalt  }
0x81: {  	_ =	shalt  }
0x82: {  	_ =	shalt  }
0x83: {  	_ =	shalt  }
0x84: {  	_ =	shalt  }
0x85: {  	_ =	shalt  }
0x86: {  	_ =	shalt  }
0x87: {  	_ =	shalt  }
.Lfunc_end0:
.L_simem_size_0:
called_computation.2_lowered:
.L_overlay_start_0:
0x88: {  	s2 =	sld [smem:$0x3FD9]  }
0x89: {  	s3 =	sld [smem:$0x3FFE];
	_ =	sdelay $0x1  }
0x8a: {  	s1 =	srdreg.scid  }
0x8b: {  	s0 =	sand.u32 $0x1, s1  }
0x8c: {  	s16 =	sshll.u32 s0, $0xA;
	s2 =	sadd.s32 s3, s2  }
0x8d: {  	s2 =	sadd.s32 s2, s16  }
0x8e: {  	[smem:$0x3FBB] =	sst s2  }
0x8f: {  	_ = 	snop  }
0x90: {  	(tm) =	ssettm $0x1  }
0x91: {  	s17 =	sld [smem:$0x3FFB];
	_ =	sdelay $0x3  }
0x92: {  	_ =	strace s17  }
0x93: {  	s2 =	sld [smem:$0x3FFC];
	_ =	sdelay $0x3  }
0x94: {  	_ =	strace s2  }
0x95: {  	s2 =	sld [smem:$0x3FFD];
	_ =	sdelay $0x3  }
0x96: {  	_ =	strace s2  }
0x97: {  	_ =	strace $0x8FFFFFFF  }
0x98: {  	s18 =	sld [smem:$0x3FDB];
	_ =	sdelay $0x1  }
0x99: {  	s19 =	simm.s32 $_scs_section_size  }
0x9a: {  	s4 =	simm.s32 $_size__tile_overlayer_lowered;
	s5 =	simm.s32 $_tile_overlayer_lowered  }
0x9b: {  	s22 =	simm.s32 $0x1BFF;
	s21 =	sshll.u32 s5, $0x1;
	s2 =	sadd.s32 s19, s18  }
0x9c: {  	s6 =	simm.s32 $0x0;
	s20 =	sshll.u32 s4, $0x1;
	s4 =	sadd.s32 s21, s2  }
0x9d: {  	[timem:s6], [sflag:s22] =	dma.local [hbm:s4], s20  }
0x9e: {  	_ =	swait.ge [sflag:s22], s20  }
0x9f: {  	s3 =	ssub.s32 $0x0, s20;
	[sflag:s22] =	ssyncset.done $0x0  }
0xa0: {  	[sflag:s22] =	ssyncadd.s32 s3;
	_ =	sdelay $0x1  }
0xa1: {  	s23 =	simm.s32 $0x1B8B  }
0xa2: {  	_ =	swait.ge [sflag:s23], $0x1  }
0xa3: {  	[sflag:s23] =	ssyncset.done $0x0  }
0xa4: {  	s25 =	simm.s32 $0x1B8E;
	s24 =	sld [smem:$0x3FFE];
	[sflag:s23] =	ssyncadd.s32 $0xFFFFFFFF  }
0xa5: {  	s26 =	simm.s32 $execute0_lowered;
	[smem:$0x3FD2] =	sst s25  }
0xa6: {  	s4 =	sshll.u32 s26, $0x1;
	_ =	strace $0x8000004C;
	[dreg:$0x1] =	wrdreg $0xFFFFFFFF  }
0xa7: {  	s28 =	simm.s32 $_size_execute0_lowered;
	s2 =	sadd.s32 s2, s4;
	[dreg:$0x0] =	wrdreg $0x0  }
0xa8: {  	s4 =	sshll.u32 s28, $0x1;
	[dreg:$0x2] =	wrdreg s2  }
0xa9: {  	[dreg:$0x3] =	wrdreg s4  }
0xaa: {  	[dreg:$0x4] =	wrdreg $0xC0  }
0xab: {  	_ =	task [dreg:s6], $0x5FFFF  }
0xac: {  	[dreg:$0x1] =	wrdreg $0xFFFFFFFF  }
0xad: {  	[dreg:$0x0] =	wrdreg $0x60  }
0xae: {  	[dreg:$0x2] =	wrdreg s24  }
0xaf: {  	[dreg:$0x3] =	wrdreg $0x0  }
0xb0: {  	[dreg:$0x4] =	wrdreg $0x9  }
0xb1: {  	_ =	task.clear_ibuf [dreg:s6], $0x5FFFF;
	_ =	strace $0x9000004C  }
0xb2: {  	s29 =	simm.s32 $0x9;
	_ =	strace $0x8000004E  }
0xb3: {  	_ =	swait.ge [sflag:s29], $0x1  }
0xb4: {  	[sflag:s29] =	ssyncadd.s32 $0xFFFFFFFF  }
0xb5: {  	_ =	strace $0x9000004E  }
0xb6: {  	_ =	sfence  }
0xb7: {  	s30 =	sld [smem:$0x0];
	_ =	sdelay $0x2  }
0xb8: {  	s31 =	sshll.u32 s1, $0xD;
	s1 =	sshrl.u32 s1, $0x2  }
0xb9: {  	s3 =	sand.u32 $0x4000, s31;
	s1 =	sadd.s32 s1, s30  }
0xba: {  	s0 =	sor.u32 s3, s0;
	s1 =	sshll.u32 s1, $0x11  }
0xbb: {  	s0 =	sor.u32 s1, s0  }
0xbc: {  	s0 =	sadd.s32 $0x8F2B, s0  }
0xbd: {  	[sflag:s0] =	ssyncadd.remote.s32 $0x1  }
0xbe: {  	_ =	sfence.sel $0xFFFF  }
0xbf: {  	[dreg:$0x0] =	wrdreg $0xFFFFFFFF;
	(pc) =	sbr.abs _section_cstart, $3  }
0xc0: {  	[dreg:$0x1] =	wrdreg $0xFFFFFFFF  }
0xc1: {  	_ =	task.clear_ibuf [dreg:s6], $0x2FFFF;
	_ =	strace $0x9FFFFFFF  }
0xc2: {  	(tm) =	ssettm $0x7FFFFFFF  }
0xc3: {  	_ =	shalt  }
tec
execute0_lowered:
.L_overlay_start_1:
0x0: {  	(tag) =	ssettag $0x1  }
0x1: {  	s7 =	rddreg [dreg:$0x0]  }
0x2: {  	s1 =	rddreg [dreg:$0x1];
	s2 =	srdreg.scid  }
0x3: {  	s0 =	rddreg [dreg:$0x2];
	s3 =	simm.s32 $0x0;
	s15 =	simm.s32 $0x18800  }
0x4: {  	s16 =	simm.s32 $0x80;
	s17 =	simm.s32 $0x19000;
	s18 =	simm.s32 $0x1  }
0x5: {  	s8 =	sand.u32 $0x1, s2;
	s2 =	stileid.u32;
	[smem:$0x7FF] =	sst s3  }
0x6: {  	s4 =	sadd.s32 $0x7A000, s7;
	s5 =	sadd.s32 $0x40000, s7;
	s9 =	smul.u32 $0x180000, s8  }
0x7: {  	s6 =	sadd.s32 $0x4E00, s7;
	s10 =	smul.u32 $0x18000, s2;
	_ =	strace $0x8000004D  }
0x8: {  	s11 =	ssub.s32 $0x2, s8;
	s13 =	sshll.u32 s2, $0x1;
	s14 =	smul.u32 $0x60000, s2  }
0x9: {  	p0 =	seq.s32 s8, $0x0;
	s29 =	smul.u32 $0x3000, s2;
	s31 =	sshll.u32 s2, $0x6  }
0xa: {  	s12 =	sshrl.u32 s11, $0x1;
	s26 =	sor.u32 s8, s13;
	s13 =	simm.s32 $0x2  }
0xb: {  	s9 =	sadd.s32 s10, s9;
	s10 =	sadd.s32 $0xAA000, s7;
	s11 =	ssub.s32 s11, s12  }
0xc: {  	s28 =	sshrl.u32 s14, $0x2;
	s14 =	simm.s32 $0x18000;
	s9 =	sshrl.u32 s9, $0x3  }
0xd: {  	s30 =	sadd.s32 s28, s1;
	s10 =	smov.u32 @p0 s4;
	s9 =	sadd.s32 s9, s7  }
0xe: {  	s7 =	smul.u32 $0x2800, s26;
	s10 =	sadd.s32 s10, s29;
	s12 =	sshrl.u32 s30, $0x3  }
0xf: {  	s8 =	sadd.s32 $0xDA000, s9;
	s9 =	smax.u32 s11, $0x1;
	s11 =	sor.u32 $0x1C02, s31  }
.LBB2_1:
0x10: {  	[spmem:s12], [sflag:s11] =	dma.local [hbm:s10], $0x3000  }
0x11: {  	_ =	swait.ge [sflag:s13], $0x3000  }
0x12: {  	[sflag:s13] =	ssyncset.done $0x0  }
0x13: {  	[sflag:s13] =	ssyncadd.s32 $0xFFFFD000  }
0x14: {  	s19 =	simm.s32 $0x0;
	[bflag:$0x0] =	sbarrier.arrive $0xFFFF  }
.LBB2_2:
0x15: {  	s20 =	sshll.u32 s19, $0xB  }
0x16: {  	s20 =	sadd.s32 s7, s20  }
0x17: {  	s20 =	sshrl.u32 s20, $0x3  }
0x18: {  	s22 =	simm.s32 $0x0;
	s21 =	sadd.s32 s5, s20  }
0x19: {  	[tilespmem:s14], [sflag:$0x2] =	stream.linear.gather [hbm4b:s21+s22], $0x800, $0x38;
	[tilespmem:$0x1D000] =	vst v63  }
0x1a: {  	_ =	swait.ge [sflag:s13], $0x800  }
0x1b: {  	[sflag:s13] =	ssyncset.done $0x0  }
0x1c: {  	s20 =	sadd.s32 s6, s20;
	[sflag:s13] =	ssyncadd.s32 $0xFFFFF800  }
0x1d: {  	[tilespmem:s15], [sflag:$0x2] =	stream.linear.gather [hbm4b:s20+s22], $0x800, $0x38;
	[tilespmem:$0x1D000] =	vst v63  }
0x1e: {  	_ =	swait.ge [sflag:s13], $0x800  }
0x1f: {  	[sflag:s13] =	ssyncset.done $0x0  }
0x20: {  	s30 =	simm.s32 $0x18000;
	[sflag:s13] =	ssyncadd.s32 $0xFFFFF800  }
0x21: {  	[tilespmem:s17], [sflag:$0x1] =	stream.indirect.gather [hbm4b:s4+s16], $0x80, s30, s16, $0xb8;
	[tilespmem:$0x1D000] =	vst v63  }
0x22: {  	_ =	swait.ge [sflag:s18], $0x4000  }
0x23: {  	[sflag:s18] =	ssyncset.done $0x0  }
0x24: {  	s31 =	simm.s32 $0x18800;
	[sflag:s18] =	ssyncadd.s32 $0xFFFFC000  }
0x25: {  	[spmem:s1] =	stream.indirect.scatter.add.f32 [tilespmem:s17], [sflag:$0x2], $0x80, s31, s16, $0xb8;
	[tilespmem:$0x1D000] =	vst v63  }
0x26: {  	_ =	swait.ge [sflag:s13], $0x4000  }
0x27: {  	s21 =	simm.s32 $0x400;
	s20 =	simm.s32 $0x80;
	[sflag:s13] =	ssyncset.done $0x0  }
.LBB2_3:
0x28: {  	s22 =	sadd.s32 $0x18000, s20  }
0x29: {  	[sflag:s13] =	ssyncadd.s32 $0xFFFFC000;
	s23 =	smov.u32 s21;
	s24 =	sadd.s32 $0x200, s21  }
0x2a: {  	[tilespmem:s17], [sflag:$0x1] =	stream.indirect.gather [hbm4b:s4+s16], $0x80, s22, s16, $0xb8;
	[tilespmem:$0x1D000] =	vst v63  }
0x2b: {  	p0 =	sne.s32 s21, $0x1E00;
	_ =	swait.ge [sflag:s18], $0x4000  }
.Ltmp0:
0x2c: {  	[sflag:s18] =	ssyncset.done $0x0;
	(pc) =	sbr.rel @p0 .LBB2_3-.Ltmp0, $4  }
0x2d: {  	s20 =	sadd.s32 $0x18800, s20;
	[sflag:s18] =	ssyncadd.s32 $0xFFFFC000  }
0x2e: {  	[spmem:s1] =	stream.indirect.scatter.add.f32 [tilespmem:s17], [sflag:$0x2], $0x80, s20, s16, $0xb8;
	[tilespmem:$0x1D000] =	vst v63  }
0x2f: {  	_ =	swait.ge [sflag:s13], $0x4000  }
0x30: {  	s21 =	smov.u32 s24;
	s20 =	sshra.s32 s23, $0x2;
	[sflag:s13] =	ssyncset.done $0x0  }
0x31: {  	s21 =	sadd.s32 $0x18000, s20;
	[sflag:s13] =	ssyncadd.s32 $0xFFFFC000  }
0x32: {  	[tilespmem:s17], [sflag:$0x1] =	stream.indirect.gather [hbm4b:s4+s16], $0x80, s21, s16, $0xb8;
	[tilespmem:$0x1D000] =	vst v63  }
0x33: {  	s19 =	sadd.s32 $0x1, s19;
	_ =	swait.ge [sflag:s18], $0x4000  }
0x34: {  	p0 =	sne.s32 s19, $0x5;
	[sflag:s18] =	ssyncset.done $0x0  }
.Ltmp1:
0x35: {  	s31 =	sadd.s32 $0x18800, s20;
	[sflag:s18] =	ssyncadd.s32 $0xFFFFC000;
	(pc) =	sbr.rel @p0 .LBB2_2-.Ltmp1, $4  }
0x36: {  	[spmem:s1] =	stream.indirect.scatter.add.f32 [tilespmem:s17], [sflag:$0x2], $0x80, s31, s16, $0xb8;
	[tilespmem:$0x1D000] =	vst v63  }
0x37: {  	_ =	swait.ge [sflag:s13], $0x4000  }
0x38: {  	[sflag:s13] =	ssyncset.done $0x0  }
0x39: {  	[sflag:s13] =	ssyncadd.s32 $0xFFFFC000  }
0x3a: {  	s3 =	sadd.s32 $0x1, s3  }
0x3b: {  	p0 =	sne.s32 s3, s9  }
.Ltmp2:
0x3c: {  	[bflag:$0x0] =	sbarrier.arrive $0xFFFF;
	(pc) =	sbr.rel @p0 .LBB2_1-.Ltmp2, $4  }
0x3d: {  	[hbm:s8], [sflag:s11] =	dma.local [spmem:s12], $0x3000  }
0x3e: {  	_ =	swait.ge [sflag:s13], $0x3000  }
0x3f: {  	[sflag:s13] =	ssyncset.done $0x0  }
0x40: {  	[sflag:s13] =	ssyncadd.s32 $0xFFFFD000  }
0x41: {  	_ =	sfence.sel $0x180000  }
0x42: {  	[bflag:$0x0] =	sbarrier.arrive $0xFFFF  }
0x43: {  	p0 =	sne.s32 s2, $0x0;
	_ =	strace $0x9000004D  }
0x44: {  	s0 =	sadd.s32 @!p0 $0x100000, s0;
	[bflag:$0x2] =	sbarrier.arrive $0xFFFF  }
0x45: {  	[sflag:s0] =	ssyncadd.tile.s32 @!p0 $0x1;
	_ =	shalt  }
.Lfunc_end2:
_tile_overlayer_lowered:
.L_overlay_start_2:
0x46: {  	(tag) =	ssettag $0x2  }
0x47: {  	s0 =	rddreg [dreg:$0x0];
	s2 =	stileid.u32  }
0x48: {  	s1 =	rddreg [dreg:$0x1];
	p0 =	sne.s32 s2, $0x0  }
0x49: {  	s3 =	rddreg [dreg:$0x2];
	[bflag:$0x3] =	sbarrier.arrive $0xFFFF;
	s2 =	simm.s32 @!p0 $0x1C02  }
0x4a: {  	[timem:s3], [sflag:s2] =	dma.local @!p0 [hbm:s0], s1  }
0x4b: {  	s0 =	simm.s32 @!p0 $0x2  }
0x4c: {  	_ =	swait.ge @!p0 [sflag:s0], s1  }
0x4d: {  	s1 =	ssub.s32 @!p0 $0x0, s1;
	[sflag:s0] =	ssyncset.done @!p0 $0x0  }
0x4e: {  	[sflag:s0] =	ssyncadd.s32 @!p0 s1  }
0x4f: {  	[bflag:$0x3] =	sbarrier.arrive $0xFFFF  }
0x50: {  	_ =	shalt  }

// kernel: kernel.21.cloned.1.call-start
scs
__scs_entry_jumppad:
0x0: {  	(pc) =	sbr.rel $0x88, $3  }
0x1: {  	(tag) =	ssettag $0x0;
	lr =	simm.s32 $0x1  }
0x2: {  	[smem:$0x3F94] =	sst lr;
	_ =	strace $0xD0000000  }
0x3: {  	_ = 	snop  }
0x4: {  	_ = 	snop  }
0x5: {  	_ = 	snop  }
0x6: {  	_ = 	snop  }
0x7: {  	_ = 	snop  }
__scs_overlays_trampoline_lowered:
0x8: {  	[smem:$0x3FA3] =	sst s0  }
0x9: {  	[smem:$0x3FA4] =	sst s1  }
0xa: {  	[smem:$0x3FA5] =	sst s2  }
0xb: {  	[smem:$0x3FA6] =	sst s3  }
0xc: {  	[smem:$0x3FA7] =	sst s4  }
0xd: {  	[smem:$0x3FA8] =	sst s5  }
0xe: {  	[smem:$0x3FA9] =	sst s6  }
0xf: {  	[smem:$0x3FAA] =	sst s7  }
0x10: {  	[smem:$0x3FAB] =	sst s8  }
0x11: {  	[smem:$0x3FAC] =	sst s9;
	s0 =	simm.s32 @!p0 $0x0  }
0x12: {  	s1 =	sld [smem:$0x3F92];
	s0 =	simm.s32 @p0 $0x1  }
0x13: {  	[smem:$0x3FAD] =	sst s0;
	s0 =	simm.s32 @!p1 $0x0  }
0x14: {  	s2 =	sld [smem:$0x3F91];
	s0 =	simm.s32 @p1 $0x1  }
0x15: {  	[smem:$0x3FAE] =	sst s0;
	s0 =	simm.s32 @!p2 $0x0  }
0x16: {  	s3 =	sld [smem:$0x3FDB];
	s0 =	simm.s32 @p2 $0x1  }
0x17: {  	s4 =	simm.s32 $0x1BF5;
	[smem:$0x3FB0] =	sst s0  }
0x18: {  	s0 =	sld [smem:$0x3F93];
	_ =	swait.ge [sflag:s4], $0x0  }
0x19: {  	s7 =	sld [smem:$0x3F94]  }
0x1a: {  	s8 =	sadd.s32 $0xFFFFE003, lr  }
0x1b: {  	s9 =	sadd.s32 $0xFFFFFEF7, lr;
	s5 =	simm.s32 $0xFFFFFFFF;
	p2 =	slt.u32 s8, $0xFFFFF086  }
0x1c: {  	p1 =	slt.u32 s9, $0xF7A;
	s5 =	simm.s32 @!p2 $0x0  }
0x1d: {  	s5 =	simm.s32 @p1 $0x1;
	p0 =	seq.s32 s7, s2  }
0x1e: {  	s7 =	smul.u32 @!p0 $0xF7A, s2;
	p2 =	seq.s32 @!p0 s5, $0x0  }
0x1f: {  	s9 =	smul.u32 $0xF7A, s1;
	s8 =	simm.s32 @!p0 $0x1BF5;
	p2 =	por !p2, p0  }
0x20: {  	[sflag:s8] =	ssyncset.s32 @!p0 $0xFFFFF086;
	s6 =	sadd.s32 @!p0 s3, s7;
	s7 =	simm.s32 @!p0 $0x108  }
0x21: {  	s3 =	sadd.s32 s3, s9;
	s6 =	sadd.s32 @!p0 $0x88, s6;
	s7 =	simm.s32 @p2 $0x1082  }
0x22: {  	[simem:s7], [sflag:s8] =	dma.local @!p0 [hbm:s6], $0xF7A  }
0x23: {  	s9 =	sor.u32 $0xD0000000, s2;
	s6 =	simm.s32 $0x108;
	_ =	swait.ge @!p0 [sflag:s8], $0x0  }
0x24: {  	s3 =	sadd.s32 $0x88, s3;
	s6 =	simm.s32 @!p1 $0x1082;
	[sflag:s4] =	ssyncset.s32 $0xFFFFF086  }
0x25: {  	[simem:s6], [sflag:s4] =	dma.local [hbm:s3], $0xF7A  }
0x26: {  	[smem:$0x3F94] =	sst s1;
	(tag) =	ssettag s2;
	_ =	strace s9  }
0x27: {  	s1 =	sld [smem:$0x3FA4]  }
0x28: {  	s2 =	sld [smem:$0x3FA5]  }
0x29: {  	s4 =	sld [smem:$0x3FA7]  }
0x2a: {  	p0 =	seq.s32 s5, $0x0;
	s5 =	sld [smem:$0x3FA8]  }
0x2b: {  	s6 =	sld [smem:$0x3FA9]  }
0x2c: {  	s7 =	sld [smem:$0x3FAA]  }
0x2d: {  	s3 =	simm.s32 $0x108;
	s8 =	sld [smem:$0x3FAB]  }
0x2e: {  	s3 =	simm.s32 @!p0 $0x1082;
	s9 =	sld [smem:$0x3FAC]  }
0x2f: {  	lr =	sadd.s32 s0, s3;
	s0 =	sld [smem:$0x3FA3]  }
0x30: {  	s3 =	sld [smem:$0x3FA6]  }
0x31: {  	[smem:$0x3FAF] =	sst s10  }
0x32: {  	s10 =	sld [smem:$0x3FAD];
	_ =	sdelay $0x3  }
0x33: {  	p0 =	seq.s32 s10, $0x1;
	s10 =	sld [smem:$0x3FAF];
	_ =	sdelay $0x3  }
0x34: {  	[smem:$0x3FAF] =	sst s10  }
0x35: {  	s10 =	sld [smem:$0x3FAE];
	_ =	sdelay $0x3  }
0x36: {  	p1 =	seq.s32 s10, $0x1;
	s10 =	sld [smem:$0x3FAF];
	_ =	sdelay $0x3  }
0x37: {  	[smem:$0x3FAF] =	sst s10  }
0x38: {  	s10 =	sld [smem:$0x3FB0]  }
0x39: {  	_ = 	snop;
	(pc) =	sbr.ind lr, $3  }
0x3a: {  	_ = 	snop  }
0x3b: {  	_ = 	snop  }
0x3c: {  	p2 =	seq.s32 s10, $0x1;
	s10 =	sld [smem:$0x3FAF]  }
0x3d: {  	_ =	shalt  }
0x3e: {  	_ =	shalt  }
0x3f: {  	_ =	shalt  }
0x40: {  	_ =	shalt  }
0x41: {  	_ =	shalt  }
0x42: {  	_ =	shalt  }
0x43: {  	_ =	shalt  }
0x44: {  	_ =	shalt  }
0x45: {  	_ =	shalt  }
0x46: {  	_ =	shalt  }
0x47: {  	_ =	shalt  }
0x48: {  	_ =	shalt  }
0x49: {  	_ =	shalt  }
0x4a: {  	_ =	shalt  }
0x4b: {  	_ =	shalt  }
0x4c: {  	_ =	shalt  }
0x4d: {  	_ =	shalt  }
0x4e: {  	_ =	shalt  }
0x4f: {  	_ =	shalt  }
0x50: {  	_ =	shalt  }
0x51: {  	_ =	shalt  }
0x52: {  	_ =	shalt  }
0x53: {  	_ =	shalt  }
0x54: {  	_ =	shalt  }
0x55: {  	_ =	shalt  }
0x56: {  	_ =	shalt  }
0x57: {  	_ =	shalt  }
0x58: {  	_ =	shalt  }
0x59: {  	_ =	shalt  }
0x5a: {  	_ =	shalt  }
0x5b: {  	_ =	shalt  }
0x5c: {  	_ =	shalt  }
0x5d: {  	_ =	shalt  }
0x5e: {  	_ =	shalt  }
0x5f: {  	_ =	shalt  }
0x60: {  	_ =	shalt  }
0x61: {  	_ =	shalt  }
0x62: {  	_ =	shalt  }
0x63: {  	_ =	shalt  }
0x64: {  	_ =	shalt  }
0x65: {  	_ =	shalt  }
0x66: {  	_ =	shalt  }
0x67: {  	_ =	shalt  }
0x68: {  	_ =	shalt  }
0x69: {  	_ =	shalt  }
0x6a: {  	_ =	shalt  }
0x6b: {  	_ =	shalt  }
0x6c: {  	_ =	shalt  }
0x6d: {  	_ =	shalt  }
0x6e: {  	_ =	shalt  }
0x6f: {  	_ =	shalt  }
0x70: {  	_ =	shalt  }
0x71: {  	_ =	shalt  }
0x72: {  	_ =	shalt  }
0x73: {  	_ =	shalt  }
0x74: {  	_ =	shalt  }
0x75: {  	_ =	shalt  }
0x76: {  	_ =	shalt  }
0x77: {  	_ =	shalt  }
0x78: {  	_ =	shalt  }
0x79: {  	_ =	shalt  }
0x7a: {  	_ =	shalt  }
0x7b: {  	_ =	shalt  }
0x7c: {  	_ =	shalt  }
0x7d: {  	_ =	shalt  }
0x7e: {  	_ =	shalt  }
0x7f: {  	_ =	shalt  }
0x80: {  	_ =	shalt  }
0x81: {  	_ =	shalt  }
0x82: {  	_ =	shalt  }
0x83: {  	_ =	shalt  }
0x84: {  	_ =	shalt  }
0x85: {  	_ =	shalt  }
0x86: {  	_ =	shalt  }
0x87: {  	_ =	shalt  }
.Lfunc_end0:
.L_simem_size_0:
called_computation.3_lowered:
.L_overlay_start_0:
0x88: {  	s2 =	sld [smem:$0x3FD9]  }
0x89: {  	s3 =	sld [smem:$0x3FFE];
	_ =	sdelay $0x1  }
0x8a: {  	s1 =	srdreg.scid  }
0x8b: {  	s0 =	sand.u32 $0x1, s1  }
0x8c: {  	s16 =	sshll.u32 s0, $0xA;
	s2 =	sadd.s32 s3, s2  }
0x8d: {  	s2 =	sadd.s32 s2, s16  }
0x8e: {  	[smem:$0x3FBB] =	sst s2  }
0x8f: {  	_ = 	snop  }
0x90: {  	(tm) =	ssettm $0x1  }
0x91: {  	s17 =	sld [smem:$0x3FFB];
	_ =	sdelay $0x3  }
0x92: {  	_ =	strace s17  }
0x93: {  	s2 =	sld [smem:$0x3FFC];
	_ =	sdelay $0x3  }
0x94: {  	_ =	strace s2  }
0x95: {  	s2 =	sld [smem:$0x3FFD];
	_ =	sdelay $0x3  }
0x96: {  	_ =	strace s2  }
0x97: {  	_ =	strace $0x8FFFFFFF  }
0x98: {  	s18 =	sld [smem:$0x3FDB];
	_ =	sdelay $0x1  }
0x99: {  	s19 =	simm.s32 $_scs_section_size  }
0x9a: {  	s4 =	simm.s32 $_size__tile_overlayer_lowered;
	s5 =	simm.s32 $_tile_overlayer_lowered  }
0x9b: {  	s22 =	simm.s32 $0x1BFF;
	s21 =	sshll.u32 s5, $0x1;
	s2 =	sadd.s32 s19, s18  }
0x9c: {  	s6 =	simm.s32 $0x0;
	s20 =	sshll.u32 s4, $0x1;
	s4 =	sadd.s32 s21, s2  }
0x9d: {  	[timem:s6], [sflag:s22] =	dma.local [hbm:s4], s20  }
0x9e: {  	_ =	swait.ge [sflag:s22], s20  }
0x9f: {  	s3 =	ssub.s32 $0x0, s20;
	[sflag:s22] =	ssyncset.done $0x0  }
0xa0: {  	[sflag:s22] =	ssyncadd.s32 s3;
	_ =	sdelay $0x1  }
0xa1: {  	s23 =	simm.s32 $0x1B8B  }
0xa2: {  	_ =	swait.ge [sflag:s23], $0x1  }
0xa3: {  	[sflag:s23] =	ssyncset.done $0x0  }
0xa4: {  	s25 =	simm.s32 $0x1B8E;
	s24 =	sld [smem:$0x3FFE];
	[sflag:s23] =	ssyncadd.s32 $0xFFFFFFFF  }
0xa5: {  	s26 =	simm.s32 $execute0_lowered;
	[smem:$0x3FD2] =	sst s25  }
0xa6: {  	s4 =	sshll.u32 s26, $0x1;
	_ =	strace $0x8000004F;
	[dreg:$0x1] =	wrdreg $0xFFFFFFFF  }
0xa7: {  	s28 =	simm.s32 $_size_execute0_lowered;
	s2 =	sadd.s32 s2, s4;
	[dreg:$0x0] =	wrdreg $0x0  }
0xa8: {  	s4 =	sshll.u32 s28, $0x1;
	[dreg:$0x2] =	wrdreg s2  }
0xa9: {  	[dreg:$0x3] =	wrdreg s4  }
0xaa: {  	[dreg:$0x4] =	wrdreg $0xC0  }
0xab: {  	_ =	task [dreg:s6], $0x5FFFF  }
0xac: {  	[dreg:$0x1] =	wrdreg $0xFFFFFFFF  }
0xad: {  	[dreg:$0x0] =	wrdreg $0x60  }
0xae: {  	[dreg:$0x2] =	wrdreg s24  }
0xaf: {  	[dreg:$0x3] =	wrdreg $0x0  }
0xb0: {  	[dreg:$0x4] =	wrdreg $0x9  }
0xb1: {  	_ =	task.clear_ibuf [dreg:s6], $0x5FFFF;
	_ =	strace $0x9000004F  }
0xb2: {  	s29 =	simm.s32 $0x9;
	_ =	strace $0x80000051  }
0xb3: {  	_ =	swait.ge [sflag:s29], $0x1  }
0xb4: {  	[sflag:s29] =	ssyncadd.s32 $0xFFFFFFFF  }
0xb5: {  	_ =	strace $0x90000051  }
0xb6: {  	_ =	sfence  }
0xb7: {  	s30 =	sld [smem:$0x0];
	_ =	sdelay $0x2  }
0xb8: {  	s31 =	sshll.u32 s1, $0xD;
	s1 =	sshrl.u32 s1, $0x2  }
0xb9: {  	s3 =	sand.u32 $0x4000, s31;
	s1 =	sadd.s32 s1, s30  }
0xba: {  	s0 =	sor.u32 s3, s0;
	s1 =	sshll.u32 s1, $0x11  }
0xbb: {  	s0 =	sor.u32 s1, s0  }
0xbc: {  	s0 =	sadd.s32 $0x8F2B, s0  }
0xbd: {  	[sflag:s0] =	ssyncadd.remote.s32 $0x1  }
0xbe: {  	_ =	sfence.sel $0xFFFF  }
0xbf: {  	[dreg:$0x0] =	wrdreg $0xFFFFFFFF;
	(pc) =	sbr.abs _section_cstart, $3  }
0xc0: {  	[dreg:$0x1] =	wrdreg $0xFFFFFFFF  }
0xc1: {  	_ =	task.clear_ibuf [dreg:s6], $0x2FFFF;
	_ =	strace $0x9FFFFFFF  }
0xc2: {  	(tm) =	ssettm $0x7FFFFFFF  }
0xc3: {  	_ =	shalt  }
tec
execute0_lowered:
.L_overlay_start_1:
0x0: {  	(tag) =	ssettag $0x1  }
0x1: {  	s7 =	rddreg [dreg:$0x0]  }
0x2: {  	s1 =	rddreg [dreg:$0x1];
	s2 =	srdreg.scid  }
0x3: {  	s0 =	rddreg [dreg:$0x2];
	s3 =	simm.s32 $0x0;
	s15 =	simm.s32 $0x18800  }
0x4: {  	s16 =	simm.s32 $0x80;
	s17 =	simm.s32 $0x19000;
	s18 =	simm.s32 $0x1  }
0x5: {  	s8 =	sand.u32 $0x1, s2;
	s2 =	stileid.u32;
	[smem:$0x7FF] =	sst s3  }
0x6: {  	s4 =	sadd.s32 $0x7A000, s7;
	s5 =	sadd.s32 $0x40000, s7;
	s9 =	smul.u32 $0x180000, s8  }
0x7: {  	s6 =	sadd.s32 $0x4E00, s7;
	s10 =	smul.u32 $0x18000, s2;
	_ =	strace $0x80000050  }
0x8: {  	s11 =	ssub.s32 $0x2, s8;
	s13 =	sshll.u32 s2, $0x1;
	s14 =	smul.u32 $0x60000, s2  }
0x9: {  	p0 =	seq.s32 s8, $0x0;
	s29 =	smul.u32 $0x3000, s2;
	s31 =	sshll.u32 s2, $0x6  }
0xa: {  	s12 =	sshrl.u32 s11, $0x1;
	s26 =	sor.u32 s8, s13;
	s13 =	simm.s32 $0x2  }
0xb: {  	s9 =	sadd.s32 s10, s9;
	s10 =	sadd.s32 $0xAA000, s7;
	s11 =	ssub.s32 s11, s12  }
0xc: {  	s28 =	sshrl.u32 s14, $0x2;
	s14 =	simm.s32 $0x18000;
	s9 =	sshrl.u32 s9, $0x3  }
0xd: {  	s30 =	sadd.s32 s28, s1;
	s10 =	smov.u32 @p0 s4;
	s9 =	sadd.s32 s9, s7  }
0xe: {  	s7 =	smul.u32 $0x2800, s26;
	s10 =	sadd.s32 s10, s29;
	s12 =	sshrl.u32 s30, $0x3  }
0xf: {  	s8 =	sadd.s32 $0xDA000, s9;
	s9 =	smax.u32 s11, $0x1;
	s11 =	sor.u32 $0x1C02, s31  }
.LBB2_1:
0x10: {  	[spmem:s12], [sflag:s11] =	dma.local [hbm:s10], $0x3000  }
0x11: {  	_ =	swait.ge [sflag:s13], $0x3000  }
0x12: {  	[sflag:s13] =	ssyncset.done $0x0  }
0x13: {  	[sflag:s13] =	ssyncadd.s32 $0xFFFFD000  }
0x14: {  	s19 =	simm.s32 $0x0;
	[bflag:$0x0] =	sbarrier.arrive $0xFFFF  }
.LBB2_2:
0x15: {  	s20 =	sshll.u32 s19, $0xB  }
0x16: {  	s20 =	sadd.s32 s7, s20  }
0x17: {  	s20 =	sshrl.u32 s20, $0x3  }
0x18: {  	s22 =	simm.s32 $0x0;
	s21 =	sadd.s32 s5, s20  }
0x19: {  	[tilespmem:s14], [sflag:$0x2] =	stream.linear.gather [hbm4b:s21+s22], $0x800, $0x38;
	[tilespmem:$0x1D000] =	vst v63  }
0x1a: {  	_ =	swait.ge [sflag:s13], $0x800  }
0x1b: {  	[sflag:s13] =	ssyncset.done $0x0  }
0x1c: {  	s20 =	sadd.s32 s6, s20;
	[sflag:s13] =	ssyncadd.s32 $0xFFFFF800  }
0x1d: {  	[tilespmem:s15], [sflag:$0x2] =	stream.linear.gather [hbm4b:s20+s22], $0x800, $0x38;
	[tilespmem:$0x1D000] =	vst v63  }
0x1e: {  	_ =	swait.ge [sflag:s13], $0x800  }
0x1f: {  	[sflag:s13] =	ssyncset.done $0x0  }
0x20: {  	s30 =	simm.s32 $0x18000;
	[sflag:s13] =	ssyncadd.s32 $0xFFFFF800  }
0x21: {  	[tilespmem:s17], [sflag:$0x1] =	stream.indirect.gather [hbm4b:s4+s16], $0x80, s30, s16, $0xb8;
	[tilespmem:$0x1D000] =	vst v63  }
0x22: {  	_ =	swait.ge [sflag:s18], $0x4000  }
0x23: {  	[sflag:s18] =	ssyncset.done $0x0  }
0x24: {  	s31 =	simm.s32 $0x18800;
	[sflag:s18] =	ssyncadd.s32 $0xFFFFC000  }
0x25: {  	[spmem:s1] =	stream.indirect.scatter.add.f32 [tilespmem:s17], [sflag:$0x2], $0x80, s31, s16, $0xb8;
	[tilespmem:$0x1D000] =	vst v63  }
0x26: {  	_ =	swait.ge [sflag:s13], $0x4000  }
0x27: {  	s21 =	simm.s32 $0x400;
	s20 =	simm.s32 $0x80;
	[sflag:s13] =	ssyncset.done $0x0  }
.LBB2_3:
0x28: {  	s22 =	sadd.s32 $0x18000, s20  }
0x29: {  	[sflag:s13] =	ssyncadd.s32 $0xFFFFC000;
	s23 =	smov.u32 s21;
	s24 =	sadd.s32 $0x200, s21  }
0x2a: {  	[tilespmem:s17], [sflag:$0x1] =	stream.indirect.gather [hbm4b:s4+s16], $0x80, s22, s16, $0xb8;
	[tilespmem:$0x1D000] =	vst v63  }
0x2b: {  	p0 =	sne.s32 s21, $0x1E00;
	_ =	swait.ge [sflag:s18], $0x4000  }
.Ltmp0:
0x2c: {  	[sflag:s18] =	ssyncset.done $0x0;
	(pc) =	sbr.rel @p0 .LBB2_3-.Ltmp0, $4  }
0x2d: {  	s20 =	sadd.s32 $0x18800, s20;
	[sflag:s18] =	ssyncadd.s32 $0xFFFFC000  }
0x2e: {  	[spmem:s1] =	stream.indirect.scatter.add.f32 [tilespmem:s17], [sflag:$0x2], $0x80, s20, s16, $0xb8;
	[tilespmem:$0x1D000] =	vst v63  }
0x2f: {  	_ =	swait.ge [sflag:s13], $0x4000  }
0x30: {  	s21 =	smov.u32 s24;
	s20 =	sshra.s32 s23, $0x2;
	[sflag:s13] =	ssyncset.done $0x0  }
0x31: {  	s21 =	sadd.s32 $0x18000, s20;
	[sflag:s13] =	ssyncadd.s32 $0xFFFFC000  }
0x32: {  	[tilespmem:s17], [sflag:$0x1] =	stream.indirect.gather [hbm4b:s4+s16], $0x80, s21, s16, $0xb8;
	[tilespmem:$0x1D000] =	vst v63  }
0x33: {  	s19 =	sadd.s32 $0x1, s19;
	_ =	swait.ge [sflag:s18], $0x4000  }
0x34: {  	p0 =	sne.s32 s19, $0x5;
	[sflag:s18] =	ssyncset.done $0x0  }
.Ltmp1:
0x35: {  	s31 =	sadd.s32 $0x18800, s20;
	[sflag:s18] =	ssyncadd.s32 $0xFFFFC000;
	(pc) =	sbr.rel @p0 .LBB2_2-.Ltmp1, $4  }
0x36: {  	[spmem:s1] =	stream.indirect.scatter.add.f32 [tilespmem:s17], [sflag:$0x2], $0x80, s31, s16, $0xb8;
	[tilespmem:$0x1D000] =	vst v63  }
0x37: {  	_ =	swait.ge [sflag:s13], $0x4000  }
0x38: {  	[sflag:s13] =	ssyncset.done $0x0  }
0x39: {  	[sflag:s13] =	ssyncadd.s32 $0xFFFFC000  }
0x3a: {  	s3 =	sadd.s32 $0x1, s3  }
0x3b: {  	p0 =	sne.s32 s3, s9  }
.Ltmp2:
0x3c: {  	[bflag:$0x0] =	sbarrier.arrive $0xFFFF;
	(pc) =	sbr.rel @p0 .LBB2_1-.Ltmp2, $4  }
0x3d: {  	[hbm:s8], [sflag:s11] =	dma.local [spmem:s12], $0x3000  }
0x3e: {  	_ =	swait.ge [sflag:s13], $0x3000  }
0x3f: {  	[sflag:s13] =	ssyncset.done $0x0  }
0x40: {  	[sflag:s13] =	ssyncadd.s32 $0xFFFFD000  }
0x41: {  	_ =	sfence.sel $0x180000  }
0x42: {  	[bflag:$0x0] =	sbarrier.arrive $0xFFFF  }
0x43: {  	p0 =	sne.s32 s2, $0x0;
	_ =	strace $0x90000050  }
0x44: {  	s0 =	sadd.s32 @!p0 $0x100000, s0;
	[bflag:$0x2] =	sbarrier.arrive $0xFFFF  }
0x45: {  	[sflag:s0] =	ssyncadd.tile.s32 @!p0 $0x1;
	_ =	shalt  }
.Lfunc_end2:
_tile_overlayer_lowered:
.L_overlay_start_2:
0x46: {  	(tag) =	ssettag $0x2  }
0x47: {  	s0 =	rddreg [dreg:$0x0];
	s2 =	stileid.u32  }
0x48: {  	s1 =	rddreg [dreg:$0x1];
	p0 =	sne.s32 s2, $0x0  }
0x49: {  	s3 =	rddreg [dreg:$0x2];
	[bflag:$0x3] =	sbarrier.arrive $0xFFFF;
	s2 =	simm.s32 @!p0 $0x1C02  }
0x4a: {  	[timem:s3], [sflag:s2] =	dma.local @!p0 [hbm:s0], s1  }
0x4b: {  	s0 =	simm.s32 @!p0 $0x2  }
0x4c: {  	_ =	swait.ge @!p0 [sflag:s0], s1  }
0x4d: {  	s1 =	ssub.s32 @!p0 $0x0, s1;
	[sflag:s0] =	ssyncset.done @!p0 $0x0  }
0x4e: {  	[sflag:s0] =	ssyncadd.s32 @!p0 s1  }
0x4f: {  	[bflag:$0x3] =	sbarrier.arrive $0xFFFF  }
0x50: {  	_ =	shalt  }

// kernel: kernel.24.cloned.1.call-start
scs
__scs_entry_jumppad:
0x0: {  	(pc) =	sbr.rel $0x88, $3  }
0x1: {  	(tag) =	ssettag $0x0;
	lr =	simm.s32 $0x1  }
0x2: {  	[smem:$0x3F94] =	sst lr;
	_ =	strace $0xD0000000  }
0x3: {  	_ = 	snop  }
0x4: {  	_ = 	snop  }
0x5: {  	_ = 	snop  }
0x6: {  	_ = 	snop  }
0x7: {  	_ = 	snop  }
__scs_overlays_trampoline_lowered:
0x8: {  	[smem:$0x3FA3] =	sst s0  }
0x9: {  	[smem:$0x3FA4] =	sst s1  }
0xa: {  	[smem:$0x3FA5] =	sst s2  }
0xb: {  	[smem:$0x3FA6] =	sst s3  }
0xc: {  	[smem:$0x3FA7] =	sst s4  }
0xd: {  	[smem:$0x3FA8] =	sst s5  }
0xe: {  	[smem:$0x3FA9] =	sst s6  }
0xf: {  	[smem:$0x3FAA] =	sst s7  }
0x10: {  	[smem:$0x3FAB] =	sst s8  }
0x11: {  	[smem:$0x3FAC] =	sst s9;
	s0 =	simm.s32 @!p0 $0x0  }
0x12: {  	s1 =	sld [smem:$0x3F92];
	s0 =	simm.s32 @p0 $0x1  }
0x13: {  	[smem:$0x3FAD] =	sst s0;
	s0 =	simm.s32 @!p1 $0x0  }
0x14: {  	s2 =	sld [smem:$0x3F91];
	s0 =	simm.s32 @p1 $0x1  }
0x15: {  	[smem:$0x3FAE] =	sst s0;
	s0 =	simm.s32 @!p2 $0x0  }
0x16: {  	s3 =	sld [smem:$0x3FDB];
	s0 =	simm.s32 @p2 $0x1  }
0x17: {  	s4 =	simm.s32 $0x1BF5;
	[smem:$0x3FB0] =	sst s0  }
0x18: {  	s0 =	sld [smem:$0x3F93];
	_ =	swait.ge [sflag:s4], $0x0  }
0x19: {  	s7 =	sld [smem:$0x3F94]  }
0x1a: {  	s8 =	sadd.s32 $0xFFFFE003, lr  }
0x1b: {  	s9 =	sadd.s32 $0xFFFFFEF7, lr;
	s5 =	simm.s32 $0xFFFFFFFF;
	p2 =	slt.u32 s8, $0xFFFFF086  }
0x1c: {  	p1 =	slt.u32 s9, $0xF7A;
	s5 =	simm.s32 @!p2 $0x0  }
0x1d: {  	s5 =	simm.s32 @p1 $0x1;
	p0 =	seq.s32 s7, s2  }
0x1e: {  	s7 =	smul.u32 @!p0 $0xF7A, s2;
	p2 =	seq.s32 @!p0 s5, $0x0  }
0x1f: {  	s9 =	smul.u32 $0xF7A, s1;
	s8 =	simm.s32 @!p0 $0x1BF5;
	p2 =	por !p2, p0  }
0x20: {  	[sflag:s8] =	ssyncset.s32 @!p0 $0xFFFFF086;
	s6 =	sadd.s32 @!p0 s3, s7;
	s7 =	simm.s32 @!p0 $0x108  }
0x21: {  	s3 =	sadd.s32 s3, s9;
	s6 =	sadd.s32 @!p0 $0x88, s6;
	s7 =	simm.s32 @p2 $0x1082  }
0x22: {  	[simem:s7], [sflag:s8] =	dma.local @!p0 [hbm:s6], $0xF7A  }
0x23: {  	s9 =	sor.u32 $0xD0000000, s2;
	s6 =	simm.s32 $0x108;
	_ =	swait.ge @!p0 [sflag:s8], $0x0  }
0x24: {  	s3 =	sadd.s32 $0x88, s3;
	s6 =	simm.s32 @!p1 $0x1082;
	[sflag:s4] =	ssyncset.s32 $0xFFFFF086  }
0x25: {  	[simem:s6], [sflag:s4] =	dma.local [hbm:s3], $0xF7A  }
0x26: {  	[smem:$0x3F94] =	sst s1;
	(tag) =	ssettag s2;
	_ =	strace s9  }
0x27: {  	s1 =	sld [smem:$0x3FA4]  }
0x28: {  	s2 =	sld [smem:$0x3FA5]  }
0x29: {  	s4 =	sld [smem:$0x3FA7]  }
0x2a: {  	p0 =	seq.s32 s5, $0x0;
	s5 =	sld [smem:$0x3FA8]  }
0x2b: {  	s6 =	sld [smem:$0x3FA9]  }
0x2c: {  	s7 =	sld [smem:$0x3FAA]  }
0x2d: {  	s3 =	simm.s32 $0x108;
	s8 =	sld [smem:$0x3FAB]  }
0x2e: {  	s3 =	simm.s32 @!p0 $0x1082;
	s9 =	sld [smem:$0x3FAC]  }
0x2f: {  	lr =	sadd.s32 s0, s3;
	s0 =	sld [smem:$0x3FA3]  }
0x30: {  	s3 =	sld [smem:$0x3FA6]  }
0x31: {  	[smem:$0x3FAF] =	sst s10  }
0x32: {  	s10 =	sld [smem:$0x3FAD];
	_ =	sdelay $0x3  }
0x33: {  	p0 =	seq.s32 s10, $0x1;
	s10 =	sld [smem:$0x3FAF];
	_ =	sdelay $0x3  }
0x34: {  	[smem:$0x3FAF] =	sst s10  }
0x35: {  	s10 =	sld [smem:$0x3FAE];
	_ =	sdelay $0x3  }
0x36: {  	p1 =	seq.s32 s10, $0x1;
	s10 =	sld [smem:$0x3FAF];
	_ =	sdelay $0x3  }
0x37: {  	[smem:$0x3FAF] =	sst s10  }
0x38: {  	s10 =	sld [smem:$0x3FB0]  }
0x39: {  	_ = 	snop;
	(pc) =	sbr.ind lr, $3  }
0x3a: {  	_ = 	snop  }
0x3b: {  	_ = 	snop  }
0x3c: {  	p2 =	seq.s32 s10, $0x1;
	s10 =	sld [smem:$0x3FAF]  }
0x3d: {  	_ =	shalt  }
0x3e: {  	_ =	shalt  }
0x3f: {  	_ =	shalt  }
0x40: {  	_ =	shalt  }
0x41: {  	_ =	shalt  }
0x42: {  	_ =	shalt  }
0x43: {  	_ =	shalt  }
0x44: {  	_ =	shalt  }
0x45: {  	_ =	shalt  }
0x46: {  	_ =	shalt  }
0x47: {  	_ =	shalt  }
0x48: {  	_ =	shalt  }
0x49: {  	_ =	shalt  }
0x4a: {  	_ =	shalt  }
0x4b: {  	_ =	shalt  }
0x4c: {  	_ =	shalt  }
0x4d: {  	_ =	shalt  }
0x4e: {  	_ =	shalt  }
0x4f: {  	_ =	shalt  }
0x50: {  	_ =	shalt  }
0x51: {  	_ =	shalt  }
0x52: {  	_ =	shalt  }
0x53: {  	_ =	shalt  }
0x54: {  	_ =	shalt  }
0x55: {  	_ =	shalt  }
0x56: {  	_ =	shalt  }
0x57: {  	_ =	shalt  }
0x58: {  	_ =	shalt  }
0x59: {  	_ =	shalt  }
0x5a: {  	_ =	shalt  }
0x5b: {  	_ =	shalt  }
0x5c: {  	_ =	shalt  }
0x5d: {  	_ =	shalt  }
0x5e: {  	_ =	shalt  }
0x5f: {  	_ =	shalt  }
0x60: {  	_ =	shalt  }
0x61: {  	_ =	shalt  }
0x62: {  	_ =	shalt  }
0x63: {  	_ =	shalt  }
0x64: {  	_ =	shalt  }
0x65: {  	_ =	shalt  }
0x66: {  	_ =	shalt  }
0x67: {  	_ =	shalt  }
0x68: {  	_ =	shalt  }
0x69: {  	_ =	shalt  }
0x6a: {  	_ =	shalt  }
0x6b: {  	_ =	shalt  }
0x6c: {  	_ =	shalt  }
0x6d: {  	_ =	shalt  }
0x6e: {  	_ =	shalt  }
0x6f: {  	_ =	shalt  }
0x70: {  	_ =	shalt  }
0x71: {  	_ =	shalt  }
0x72: {  	_ =	shalt  }
0x73: {  	_ =	shalt  }
0x74: {  	_ =	shalt  }
0x75: {  	_ =	shalt  }
0x76: {  	_ =	shalt  }
0x77: {  	_ =	shalt  }
0x78: {  	_ =	shalt  }
0x79: {  	_ =	shalt  }
0x7a: {  	_ =	shalt  }
0x7b: {  	_ =	shalt  }
0x7c: {  	_ =	shalt  }
0x7d: {  	_ =	shalt  }
0x7e: {  	_ =	shalt  }
0x7f: {  	_ =	shalt  }
0x80: {  	_ =	shalt  }
0x81: {  	_ =	shalt  }
0x82: {  	_ =	shalt  }
0x83: {  	_ =	shalt  }
0x84: {  	_ =	shalt  }
0x85: {  	_ =	shalt  }
0x86: {  	_ =	shalt  }
0x87: {  	_ =	shalt  }
.Lfunc_end0:
.L_simem_size_0:
called_computation.4_lowered:
.L_overlay_start_0:
0x88: {  	s2 =	sld [smem:$0x3FD9]  }
0x89: {  	s3 =	sld [smem:$0x3FFE];
	_ =	sdelay $0x1  }
0x8a: {  	s1 =	srdreg.scid  }
0x8b: {  	s0 =	sand.u32 $0x1, s1  }
0x8c: {  	s16 =	sshll.u32 s0, $0xA;
	s2 =	sadd.s32 s3, s2  }
0x8d: {  	s2 =	sadd.s32 s2, s16  }
0x8e: {  	[smem:$0x3FBB] =	sst s2  }
0x8f: {  	_ = 	snop  }
0x90: {  	(tm) =	ssettm $0x1  }
0x91: {  	s17 =	sld [smem:$0x3FFB];
	_ =	sdelay $0x3  }
0x92: {  	_ =	strace s17  }
0x93: {  	s2 =	sld [smem:$0x3FFC];
	_ =	sdelay $0x3  }
0x94: {  	_ =	strace s2  }
0x95: {  	s2 =	sld [smem:$0x3FFD];
	_ =	sdelay $0x3  }
0x96: {  	_ =	strace s2  }
0x97: {  	_ =	strace $0x8FFFFFFF  }
0x98: {  	s18 =	sld [smem:$0x3FDB];
	_ =	sdelay $0x1  }
0x99: {  	s19 =	simm.s32 $_scs_section_size  }
0x9a: {  	s4 =	simm.s32 $_size__tile_overlayer_lowered;
	s5 =	simm.s32 $_tile_overlayer_lowered  }
0x9b: {  	s22 =	simm.s32 $0x1BFF;
	s21 =	sshll.u32 s5, $0x1;
	s2 =	sadd.s32 s19, s18  }
0x9c: {  	s6 =	simm.s32 $0x0;
	s20 =	sshll.u32 s4, $0x1;
	s4 =	sadd.s32 s21, s2  }
0x9d: {  	[timem:s6], [sflag:s22] =	dma.local [hbm:s4], s20  }
0x9e: {  	_ =	swait.ge [sflag:s22], s20  }
0x9f: {  	s3 =	ssub.s32 $0x0, s20;
	[sflag:s22] =	ssyncset.done $0x0  }
0xa0: {  	[sflag:s22] =	ssyncadd.s32 s3;
	_ =	sdelay $0x1  }
0xa1: {  	s23 =	simm.s32 $0x1B8B  }
0xa2: {  	_ =	swait.ge [sflag:s23], $0x1  }
0xa3: {  	[sflag:s23] =	ssyncset.done $0x0  }
0xa4: {  	s25 =	simm.s32 $0x1B8E;
	s24 =	sld [smem:$0x3FFE];
	[sflag:s23] =	ssyncadd.s32 $0xFFFFFFFF  }
0xa5: {  	s26 =	simm.s32 $execute0_lowered;
	[smem:$0x3FD2] =	sst s25  }
0xa6: {  	s4 =	sshll.u32 s26, $0x1;
	_ =	strace $0x80000052;
	[dreg:$0x1] =	wrdreg $0xFFFFFFFF  }
0xa7: {  	s28 =	simm.s32 $_size_execute0_lowered;
	s2 =	sadd.s32 s2, s4;
	[dreg:$0x0] =	wrdreg $0x0  }
0xa8: {  	s4 =	sshll.u32 s28, $0x1;
	[dreg:$0x2] =	wrdreg s2  }
0xa9: {  	[dreg:$0x3] =	wrdreg s4  }
0xaa: {  	[dreg:$0x4] =	wrdreg $0xC0  }
0xab: {  	_ =	task [dreg:s6], $0x5FFFF  }
0xac: {  	[dreg:$0x1] =	wrdreg $0xFFFFFFFF  }
0xad: {  	[dreg:$0x0] =	wrdreg $0x60  }
0xae: {  	[dreg:$0x2] =	wrdreg s24  }
0xaf: {  	[dreg:$0x3] =	wrdreg $0x0  }
0xb0: {  	[dreg:$0x4] =	wrdreg $0x2400  }
0xb1: {  	[dreg:$0x5] =	wrdreg $0x9  }
0xb2: {  	_ =	task.clear_ibuf [dreg:s6], $0x6FFFF;
	_ =	strace $0x90000052  }
0xb3: {  	s29 =	simm.s32 $0x9;
	_ =	strace $0x80000054  }
0xb4: {  	_ =	swait.ge [sflag:s29], $0x1  }
0xb5: {  	[sflag:s29] =	ssyncadd.s32 $0xFFFFFFFF  }
0xb6: {  	_ =	strace $0x90000054  }
0xb7: {  	_ =	sfence  }
0xb8: {  	s30 =	sld [smem:$0x0];
	_ =	sdelay $0x2  }
0xb9: {  	s31 =	sshll.u32 s1, $0xD;
	s1 =	sshrl.u32 s1, $0x2  }
0xba: {  	s3 =	sand.u32 $0x4000, s31;
	s1 =	sadd.s32 s1, s30  }
0xbb: {  	s0 =	sor.u32 s3, s0;
	s1 =	sshll.u32 s1, $0x11  }
0xbc: {  	s0 =	sor.u32 s1, s0  }
0xbd: {  	s0 =	sadd.s32 $0x8F2B, s0  }
0xbe: {  	[sflag:s0] =	ssyncadd.remote.s32 $0x1  }
0xbf: {  	_ =	sfence.sel $0xFFFF  }
0xc0: {  	[dreg:$0x0] =	wrdreg $0xFFFFFFFF;
	(pc) =	sbr.abs _section_cstart, $3  }
0xc1: {  	[dreg:$0x1] =	wrdreg $0xFFFFFFFF  }
0xc2: {  	_ =	task.clear_ibuf [dreg:s6], $0x2FFFF;
	_ =	strace $0x9FFFFFFF  }
0xc3: {  	(tm) =	ssettm $0x7FFFFFFF  }
tec
execute0_lowered:
.L_overlay_start_1:
0x0: {  	(tag) =	ssettag $0x1  }
0x1: {  	s3 =	rddreg [dreg:$0x0]  }
0x2: {  	s2 =	rddreg [dreg:$0x1];
	s0 =	srdreg.scid  }
0x3: {  	s6 =	stileid.u32;
	s1 =	rddreg [dreg:$0x2]  }
0x4: {  	s4 =	simm.s32 $0x0;
	s5 =	sand.u32 $0x1, s0;
	s7 =	sshll.u32 s6, $0x1  }
0x5: {  	s16 =	sadd.s32 $0x34E00, s3;
	s7 =	sor.u32 s5, s7;
	s9 =	smul.u32 $0x480, s5  }
0x6: {  	s5 =	ssub.s32 $0x2, s5;
	s8 =	smul.u32 $0x1800, s7;
	s7 =	sshll.u32 s7, $0x6  }
0x7: {  	s20 =	sadd.s32 $0xAA000, s3;
	s31 =	sshrl.u32 s5, $0x1;
	s7 =	sadd.s32 s7, s3  }
0x8: {  	s8 =	sadd.s32 s8, s3;
	s3 =	sadd.s32 s9, s3;
	s9 =	ssub.s32 s5, s31  }
0x9: {  	s18 =	simm.s32 $0x480;
	s12 =	simm.s32 $0x680;
	s11 =	smax.u32 s9, $0x1  }
0xa: {  	s15 =	simm.s32 $0x500;
	s13 =	simm.s32 $0x580;
	s23 =	sadd.s32 $0xFFFFFFFF, s11  }
0xb: {  	p1 =	por $0x0, $0x0;
	s0 =	rddreg [dreg:$0x3];
	p2 =	sne.s32 s23, $0x0  }
.Ltmp0:
0xc: {  	[smem:$0x7FF] =	sst s4;
	p0 =	sne.s32 s6, $0x0;
	(pc) =	sbr.rel @!p2 .LBB2_3-.Ltmp0, $4  }
0xd: {  	_ =	strace $0x80000053;
	s6 =	sshrl.u32 @!p0 s1, $0x3;
	s19 =	sadd.s32 $0x3EE00, s7  }
0xe: {  	s7 =	sshrl.u32 @!p0 s2, $0x3;
	s5 =	sadd.s32 $0x35600, s3;
	s3 =	sadd.s32 $0x36000, s3  }
0xf: {  	s17 =	sadd.s32 $0x4E00, s8;
	s14 =	sadd.s32 $0x5600, s8;
	s10 =	sadd.s32 $0x5E00, s8  }
0x10: {  	s9 =	simm.s32 $0x4680;
	s8 =	simm.s32 $0x1;
	s11 =	simm.s32 $0x80  }
0x11: {  	s22 =	simm.s32 @!p0 $0x1C01;
	s21 =	simm.s32 @!p0 $0x1  }
0x12: {  	[spmem:s7], [sflag:s22] =	dma.local @!p0 [hbm:s20], $0x480  }
0x13: {  	_ =	swait.ge @!p0 [sflag:s21], $0x480  }
0x14: {  	[sflag:s21] =	ssyncset.done @!p0 $0x0  }
0x15: {  	[sflag:s21] =	ssyncadd.s32 @!p0 $0xFFFFFB80  }
0x16: {  	[spmem:s6], [sflag:s22] =	dma.local @!p0 [hbm:s20], $0x480  }
0x17: {  	_ =	swait.ge @!p0 [sflag:s21], $0x480  }
0x18: {  	[sflag:s21] =	ssyncset.done @!p0 $0x0  }
0x19: {  	[sflag:s21] =	ssyncadd.s32 @!p0 $0xFFFFFB80  }
0x1a: {  	[tilespmem:s9], [sflag:$0x1] =	stream.linear.gather [hbm4b:s16+s4], $0x4000, $0x38;
	[tilespmem:$0x8680] =	vst v63  }
0x1b: {  	_ =	swait.ge [sflag:s8], $0x4000  }
0x1c: {  	[sflag:s8] =	ssyncset.done $0x0  }
0x1d: {  	[sflag:s8] =	ssyncadd.s32 $0xFFFFC000  }
0x1e: {  	[tilespmem:s18], [sflag:$0x1] =	stream.linear.gather [hbm4b:s19+s4], $0x180, $0x38;
	[tilespmem:$0x8680] =	vst v63  }
0x1f: {  	_ =	swait.ge [sflag:s8], $0x180  }
0x20: {  	[sflag:s8] =	ssyncset.done $0x0  }
0x21: {  	[sflag:s8] =	ssyncadd.s32 $0xFFFFFE80  }
0x22: {  	[bflag:$0x0] =	sbarrier.arrive $0xFFFF  }
0x23: {  	[tilespmem:s12], [sflag:$0x1] =	stream.linear.gather [hbm4b:s17+s4], $0x4000, $0x38;
	[tilespmem:$0x8680] =	vst v63  }
0x24: {  	_ =	swait.ge [sflag:s8], $0x4000  }
0x25: {  	[sflag:s8] =	ssyncset.done $0x0  }
0x26: {  	[sflag:s8] =	ssyncadd.s32 $0xFFFFC000  }
0x27: {  	[spmem:s2] =	stream.indirect.scatter.add.f32 [tilespmem:s12], [sflag:$0x1], $0x80, s18, s11, $0xb8;
	[tilespmem:$0x8680] =	vst v63  }
0x28: {  	_ =	swait.ge [sflag:s8], $0x4000  }
0x29: {  	[sflag:s8] =	ssyncset.done $0x0  }
0x2a: {  	[sflag:s8] =	ssyncadd.s32 $0xFFFFC000  }
0x2b: {  	[spmem:s1] =	stream.indirect.scatter.add.f32 [tilespmem:s9], [sflag:$0x1], $0x80, s18, s11, $0xb8;
	[tilespmem:$0x8680] =	vst v63  }
0x2c: {  	_ =	swait.ge [sflag:s8], $0x4000  }
0x2d: {  	[sflag:s8] =	ssyncset.done $0x0  }
0x2e: {  	[sflag:s8] =	ssyncadd.s32 $0xFFFFC000  }
0x2f: {  	[tilespmem:s12], [sflag:$0x1] =	stream.linear.gather [hbm4b:s14+s4], $0x4000, $0x38;
	[tilespmem:$0x8680] =	vst v63  }
0x30: {  	_ =	swait.ge [sflag:s8], $0x4000  }
0x31: {  	[sflag:s8] =	ssyncset.done $0x0  }
0x32: {  	[sflag:s8] =	ssyncadd.s32 $0xFFFFC000  }
0x33: {  	[spmem:s2] =	stream.indirect.scatter.add.f32 [tilespmem:s12], [sflag:$0x1], $0x80, s15, s11, $0xb8;
	[tilespmem:$0x8680] =	vst v63  }
0x34: {  	_ =	swait.ge [sflag:s8], $0x4000  }
0x35: {  	[sflag:s8] =	ssyncset.done $0x0  }
0x36: {  	[sflag:s8] =	ssyncadd.s32 $0xFFFFC000  }
0x37: {  	[spmem:s1] =	stream.indirect.scatter.add.f32 [tilespmem:s9], [sflag:$0x1], $0x80, s15, s11, $0xb8;
	[tilespmem:$0x8680] =	vst v63  }
0x38: {  	_ =	swait.ge [sflag:s8], $0x4000  }
0x39: {  	[sflag:s8] =	ssyncset.done $0x0  }
0x3a: {  	[sflag:s8] =	ssyncadd.s32 $0xFFFFC000  }
0x3b: {  	[tilespmem:s12], [sflag:$0x1] =	stream.linear.gather [hbm4b:s10+s4], $0x4000, $0x38;
	[tilespmem:$0x8680] =	vst v63  }
0x3c: {  	_ =	swait.ge [sflag:s8], $0x4000  }
0x3d: {  	[sflag:s8] =	ssyncset.done $0x0  }
0x3e: {  	[sflag:s8] =	ssyncadd.s32 $0xFFFFC000  }
0x3f: {  	[spmem:s2] =	stream.indirect.scatter.add.f32 [tilespmem:s12], [sflag:$0x1], $0x80, s13, s11, $0xb8;
	[tilespmem:$0x8680] =	vst v63  }
0x40: {  	_ =	swait.ge [sflag:s8], $0x4000  }
0x41: {  	[sflag:s8] =	ssyncset.done $0x0  }
0x42: {  	[sflag:s8] =	ssyncadd.s32 $0xFFFFC000  }
0x43: {  	[spmem:s1] =	stream.indirect.scatter.add.f32 [tilespmem:s9], [sflag:$0x1], $0x80, s13, s11, $0xb8;
	[tilespmem:$0x8680] =	vst v63  }
0x44: {  	_ =	swait.ge [sflag:s8], $0x4000  }
0x45: {  	[sflag:s8] =	ssyncset.done $0x0  }
0x46: {  	[sflag:s8] =	ssyncadd.s32 $0xFFFFC000  }
0x47: {  	s23 =	sadd.s32 $0xFFFFFFFF, s23;
	[bflag:$0x0] =	sbarrier.arrive $0xFFFF  }
0x48: {  	[hbm:s5], [sflag:s22] =	dma.local @!p0 [spmem:s7], $0x480  }
0x49: {  	p2 =	sne.s32 s23, $0x0;
	_ =	swait.ge @!p0 [sflag:s21], $0x480  }
.Ltmp1:
0x4a: {  	[sflag:s21] =	ssyncset.done @!p0 $0x0;
	(pc) =	sbr.rel @!p2 .LBB2_3-.Ltmp1, $4  }
0x4b: {  	[sflag:s21] =	ssyncadd.s32 @!p0 $0xFFFFFB80  }
0x4c: {  	[hbm:s3], [sflag:s22] =	dma.local @!p0 [spmem:s6], $0x480  }
0x4d: {  	_ =	swait.ge @!p0 [sflag:s21], $0x480  }
0x4e: {  	p1 =	por $0x1, $0x1;
	[sflag:s21] =	ssyncset.done @!p0 $0x0  }
.LBB2_2:
0x4f: {  	[sflag:s21] =	ssyncadd.s32 @!p0 $0xFFFFFB80  }
0x50: {  	[spmem:s7], [sflag:s22] =	dma.local @!p0 [hbm:s20], $0x480  }
0x51: {  	s23 =	sadd.s32 $0xFFFFFFFF, s23;
	_ =	swait.ge @!p0 [sflag:s21], $0x480  }
0x52: {  	p2 =	sne.s32 s23, $0x0;
	[sflag:s21] =	ssyncset.done @!p0 $0x0  }
0x53: {  	[sflag:s21] =	ssyncadd.s32 @!p0 $0xFFFFFB80  }
0x54: {  	[spmem:s6], [sflag:s22] =	dma.local @!p0 [hbm:s20], $0x480  }
0x55: {  	_ =	swait.ge @!p0 [sflag:s21], $0x480  }
0x56: {  	[sflag:s21] =	ssyncset.done @!p0 $0x0  }
0x57: {  	[sflag:s21] =	ssyncadd.s32 @!p0 $0xFFFFFB80  }
0x58: {  	[tilespmem:s9], [sflag:$0x1] =	stream.linear.gather [hbm4b:s16+s4], $0x4000, $0x38;
	[tilespmem:$0x8680] =	vst v63  }
0x59: {  	_ =	swait.ge [sflag:s8], $0x4000  }
0x5a: {  	[sflag:s8] =	ssyncset.done $0x0  }
0x5b: {  	[sflag:s8] =	ssyncadd.s32 $0xFFFFC000  }
0x5c: {  	[tilespmem:s18], [sflag:$0x1] =	stream.linear.gather [hbm4b:s19+s4], $0x180, $0x38;
	[tilespmem:$0x8680] =	vst v63  }
0x5d: {  	_ =	swait.ge [sflag:s8], $0x180  }
0x5e: {  	[sflag:s8] =	ssyncset.done $0x0  }
0x5f: {  	[sflag:s8] =	ssyncadd.s32 $0xFFFFFE80  }
0x60: {  	[bflag:$0x0] =	sbarrier.arrive $0xFFFF  }
0x61: {  	[tilespmem:s12], [sflag:$0x1] =	stream.linear.gather [hbm4b:s17+s4], $0x4000, $0x38;
	[tilespmem:$0x8680] =	vst v63  }
0x62: {  	_ =	swait.ge [sflag:s8], $0x4000  }
0x63: {  	[sflag:s8] =	ssyncset.done $0x0  }
0x64: {  	[sflag:s8] =	ssyncadd.s32 $0xFFFFC000  }
0x65: {  	[spmem:s2] =	stream.indirect.scatter.add.f32 [tilespmem:s12], [sflag:$0x1], $0x80, s18, s11, $0xb8;
	[tilespmem:$0x8680] =	vst v63  }
0x66: {  	_ =	swait.ge [sflag:s8], $0x4000  }
0x67: {  	[sflag:s8] =	ssyncset.done $0x0  }
0x68: {  	[sflag:s8] =	ssyncadd.s32 $0xFFFFC000  }
0x69: {  	[spmem:s1] =	stream.indirect.scatter.add.f32 [tilespmem:s9], [sflag:$0x1], $0x80, s18, s11, $0xb8;
	[tilespmem:$0x8680] =	vst v63  }
0x6a: {  	_ =	swait.ge [sflag:s8], $0x4000  }
0x6b: {  	[sflag:s8] =	ssyncset.done $0x0  }
0x6c: {  	[sflag:s8] =	ssyncadd.s32 $0xFFFFC000  }
0x6d: {  	[tilespmem:s12], [sflag:$0x1] =	stream.linear.gather [hbm4b:s14+s4], $0x4000, $0x38;
	[tilespmem:$0x8680] =	vst v63  }
0x6e: {  	_ =	swait.ge [sflag:s8], $0x4000  }
0x6f: {  	[sflag:s8] =	ssyncset.done $0x0  }
0x70: {  	[sflag:s8] =	ssyncadd.s32 $0xFFFFC000  }
0x71: {  	[spmem:s2] =	stream.indirect.scatter.add.f32 [tilespmem:s12], [sflag:$0x1], $0x80, s15, s11, $0xb8;
	[tilespmem:$0x8680] =	vst v63  }
0x72: {  	_ =	swait.ge [sflag:s8], $0x4000  }
0x73: {  	[sflag:s8] =	ssyncset.done $0x0  }
0x74: {  	[sflag:s8] =	ssyncadd.s32 $0xFFFFC000  }
0x75: {  	[spmem:s1] =	stream.indirect.scatter.add.f32 [tilespmem:s9], [sflag:$0x1], $0x80, s15, s11, $0xb8;
	[tilespmem:$0x8680] =	vst v63  }
0x76: {  	_ =	swait.ge [sflag:s8], $0x4000  }
0x77: {  	[sflag:s8] =	ssyncset.done $0x0  }
0x78: {  	[sflag:s8] =	ssyncadd.s32 $0xFFFFC000  }
0x79: {  	[tilespmem:s12], [sflag:$0x1] =	stream.linear.gather [hbm4b:s10+s4], $0x4000, $0x38;
	[tilespmem:$0x8680] =	vst v63  }
0x7a: {  	_ =	swait.ge [sflag:s8], $0x4000  }
0x7b: {  	[sflag:s8] =	ssyncset.done $0x0  }
0x7c: {  	[sflag:s8] =	ssyncadd.s32 $0xFFFFC000  }
0x7d: {  	[spmem:s2] =	stream.indirect.scatter.add.f32 [tilespmem:s12], [sflag:$0x1], $0x80, s13, s11, $0xb8;
	[tilespmem:$0x8680] =	vst v63  }
0x7e: {  	_ =	swait.ge [sflag:s8], $0x4000  }
0x7f: {  	[sflag:s8] =	ssyncset.done $0x0  }
0x80: {  	[sflag:s8] =	ssyncadd.s32 $0xFFFFC000  }
0x81: {  	[spmem:s1] =	stream.indirect.scatter.add.f32 [tilespmem:s9], [sflag:$0x1], $0x80, s13, s11, $0xb8;
	[tilespmem:$0x8680] =	vst v63  }
0x82: {  	_ =	swait.ge [sflag:s8], $0x4000  }
0x83: {  	[sflag:s8] =	ssyncset.done $0x0  }
0x84: {  	[sflag:s8] =	ssyncadd.s32 $0xFFFFC000  }
0x85: {  	[bflag:$0x0] =	sbarrier.arrive $0xFFFF  }
0x86: {  	[hbm:s5], [sflag:s22] =	dma.local @!p0 [spmem:s7], $0x480  }
0x87: {  	_ =	swait.ge @!p0 [sflag:s21], $0x480  }
.Ltmp2:
0x88: {  	[sflag:s21] =	ssyncset.done @!p0 $0x0;
	(pc) =	sbr.rel @p2 .LBB2_2-.Ltmp2, $4  }
0x89: {  	[sflag:s21] =	ssyncadd.s32 @!p0 $0xFFFFFB80  }
0x8a: {  	[hbm:s3], [sflag:s22] =	dma.local @!p0 [spmem:s6], $0x480  }
0x8b: {  	_ =	swait.ge @!p0 [sflag:s21], $0x480  }
0x8c: {  	[sflag:s21] =	ssyncset.done @!p0 $0x0  }
.LBB2_3:
0x8d: {  	p1 =	por p0, !p1  }
0x8e: {  	s23 =	simm.s32 @!p0 $0x1C01;
	s22 =	simm.s32 @!p0 $0x1;
	[sflag:s21] =	ssyncadd.s32 @!p1 $0xFFFFFB80  }
0x8f: {  	[spmem:s7], [sflag:s23] =	dma.local @!p0 [hbm:s20], $0x480  }
0x90: {  	_ =	swait.ge @!p0 [sflag:s22], $0x480  }
0x91: {  	[sflag:s22] =	ssyncset.done @!p0 $0x0  }
0x92: {  	[sflag:s22] =	ssyncadd.s32 @!p0 $0xFFFFFB80  }
0x93: {  	[spmem:s6], [sflag:s23] =	dma.local @!p0 [hbm:s20], $0x480  }
0x94: {  	_ =	swait.ge @!p0 [sflag:s22], $0x480  }
0x95: {  	[sflag:s22] =	ssyncset.done @!p0 $0x0  }
0x96: {  	[sflag:s22] =	ssyncadd.s32 @!p0 $0xFFFFFB80  }
0x97: {  	[tilespmem:s9], [sflag:$0x1] =	stream.linear.gather [hbm4b:s16+s4], $0x4000, $0x38;
	[tilespmem:$0x8680] =	vst v63  }
0x98: {  	_ =	swait.ge [sflag:s8], $0x4000  }
0x99: {  	[sflag:s8] =	ssyncset.done $0x0  }
0x9a: {  	[sflag:s8] =	ssyncadd.s32 $0xFFFFC000  }
0x9b: {  	[tilespmem:s18], [sflag:$0x1] =	stream.linear.gather [hbm4b:s19+s4], $0x180, $0x38;
	[tilespmem:$0x8680] =	vst v63  }
0x9c: {  	_ =	swait.ge [sflag:s8], $0x180  }
0x9d: {  	[sflag:s8] =	ssyncset.done $0x0  }
0x9e: {  	[sflag:s8] =	ssyncadd.s32 $0xFFFFFE80  }
0x9f: {  	[bflag:$0x0] =	sbarrier.arrive $0xFFFF  }
0xa0: {  	[tilespmem:s12], [sflag:$0x1] =	stream.linear.gather [hbm4b:s17+s4], $0x4000, $0x38;
	[tilespmem:$0x8680] =	vst v63  }
0xa1: {  	_ =	swait.ge [sflag:s8], $0x4000  }
0xa2: {  	[sflag:s8] =	ssyncset.done $0x0  }
0xa3: {  	[sflag:s8] =	ssyncadd.s32 $0xFFFFC000  }
0xa4: {  	[spmem:s2] =	stream.indirect.scatter.add.f32 [tilespmem:s12], [sflag:$0x1], $0x80, s18, s11, $0xb8;
	[tilespmem:$0x8680] =	vst v63  }
0xa5: {  	_ =	swait.ge [sflag:s8], $0x4000  }
0xa6: {  	[sflag:s8] =	ssyncset.done $0x0  }
0xa7: {  	[sflag:s8] =	ssyncadd.s32 $0xFFFFC000  }
0xa8: {  	[spmem:s1] =	stream.indirect.scatter.add.f32 [tilespmem:s9], [sflag:$0x1], $0x80, s18, s11, $0xb8;
	[tilespmem:$0x8680] =	vst v63  }
0xa9: {  	_ =	swait.ge [sflag:s8], $0x4000  }
0xaa: {  	[sflag:s8] =	ssyncset.done $0x0  }
0xab: {  	[sflag:s8] =	ssyncadd.s32 $0xFFFFC000  }
0xac: {  	[tilespmem:s12], [sflag:$0x1] =	stream.linear.gather [hbm4b:s14+s4], $0x4000, $0x38;
	[tilespmem:$0x8680] =	vst v63  }
0xad: {  	_ =	swait.ge [sflag:s8], $0x4000  }
0xae: {  	[sflag:s8] =	ssyncset.done $0x0  }
0xaf: {  	[sflag:s8] =	ssyncadd.s32 $0xFFFFC000  }
0xb0: {  	[spmem:s2] =	stream.indirect.scatter.add.f32 [tilespmem:s12], [sflag:$0x1], $0x80, s15, s11, $0xb8;
	[tilespmem:$0x8680] =	vst v63  }
0xb1: {  	_ =	swait.ge [sflag:s8], $0x4000  }
0xb2: {  	[sflag:s8] =	ssyncset.done $0x0  }
0xb3: {  	[sflag:s8] =	ssyncadd.s32 $0xFFFFC000  }
0xb4: {  	[spmem:s1] =	stream.indirect.scatter.add.f32 [tilespmem:s9], [sflag:$0x1], $0x80, s15, s11, $0xb8;
	[tilespmem:$0x8680] =	vst v63  }
0xb5: {  	_ =	swait.ge [sflag:s8], $0x4000  }
0xb6: {  	[sflag:s8] =	ssyncset.done $0x0  }
0xb7: {  	[sflag:s8] =	ssyncadd.s32 $0xFFFFC000  }
0xb8: {  	[tilespmem:s12], [sflag:$0x1] =	stream.linear.gather [hbm4b:s10+s4], $0x4000, $0x38;
	[tilespmem:$0x8680] =	vst v63  }
0xb9: {  	_ =	swait.ge [sflag:s8], $0x4000  }
0xba: {  	[sflag:s8] =	ssyncset.done $0x0  }
0xbb: {  	[sflag:s8] =	ssyncadd.s32 $0xFFFFC000  }
0xbc: {  	[spmem:s2] =	stream.indirect.scatter.add.f32 [tilespmem:s12], [sflag:$0x1], $0x80, s13, s11, $0xb8;
	[tilespmem:$0x8680] =	vst v63  }
0xbd: {  	_ =	swait.ge [sflag:s8], $0x4000  }
0xbe: {  	[sflag:s8] =	ssyncset.done $0x0  }
0xbf: {  	[sflag:s8] =	ssyncadd.s32 $0xFFFFC000  }
0xc0: {  	[spmem:s1] =	stream.indirect.scatter.add.f32 [tilespmem:s9], [sflag:$0x1], $0x80, s13, s11, $0xb8;
	[tilespmem:$0x8680] =	vst v63  }
0xc1: {  	_ =	swait.ge [sflag:s8], $0x4000  }
0xc2: {  	[sflag:s8] =	ssyncset.done $0x0  }
0xc3: {  	[sflag:s8] =	ssyncadd.s32 $0xFFFFC000  }
0xc4: {  	[bflag:$0x0] =	sbarrier.arrive $0xFFFF  }
0xc5: {  	[hbm:s5], [sflag:s23] =	dma.local @!p0 [spmem:s7], $0x480  }
0xc6: {  	_ =	swait.ge @!p0 [sflag:s22], $0x480  }
0xc7: {  	[sflag:s22] =	ssyncset.done @!p0 $0x0  }
0xc8: {  	[sflag:s22] =	ssyncadd.s32 @!p0 $0xFFFFFB80  }
0xc9: {  	[hbm:s3], [sflag:s23] =	dma.local @!p0 [spmem:s6], $0x480  }
0xca: {  	_ =	swait.ge @!p0 [sflag:s22], $0x480  }
0xcb: {  	[sflag:s22] =	ssyncset.done @!p0 $0x0  }
0xcc: {  	[sflag:s22] =	ssyncadd.s32 @!p0 $0xFFFFFB80  }
0xcd: {  	_ =	sfence.sel $0x180000  }
0xce: {  	[bflag:$0x0] =	sbarrier.arrive $0xFFFF  }
0xcf: {  	_ =	strace $0x90000053  }
0xd0: {  	s0 =	sadd.s32 @!p0 $0x100000, s0;
	[bflag:$0x2] =	sbarrier.arrive $0xFFFF  }
0xd1: {  	[sflag:s0] =	ssyncadd.tile.s32 @!p0 $0x1;
	_ =	shalt  }
.Lfunc_end2:
_tile_overlayer_lowered:
.L_overlay_start_2:
0xd2: {  	(tag) =	ssettag $0x2  }
0xd3: {  	s0 =	rddreg [dreg:$0x0];
	s2 =	stileid.u32  }
0xd4: {  	s1 =	rddreg [dreg:$0x1];
	p0 =	sne.s32 s2, $0x0  }
0xd5: {  	s3 =	rddreg [dreg:$0x2];
	[bflag:$0x3] =	sbarrier.arrive $0xFFFF;
	s2 =	simm.s32 @!p0 $0x1C01  }
0xd6: {  	[timem:s3], [sflag:s2] =	dma.local @!p0 [hbm:s0], s1  }
0xd7: {  	s0 =	simm.s32 @!p0 $0x1  }
0xd8: {  	_ =	swait.ge @!p0 [sflag:s0], s1  }
0xd9: {  	s1 =	ssub.s32 @!p0 $0x0, s1;
	[sflag:s0] =	ssyncset.done @!p0 $0x0  }
0xda: {  	[sflag:s0] =	ssyncadd.s32 @!p0 s1  }
0xdb: {  	[bflag:$0x3] =	sbarrier.arrive $0xFFFF  }
0xdc: {  	_ =	shalt  }

</sc_bundles>
